<compile_context>
chip_gen: v7x
topology: tpu7x:2x2x1
jax: 0.10.2.dev20260603
libtpu: 0.0.44.dev20260713+nightly
codegen_flags: <defaults>
</compile_context>

<pallas_src>
import functools

import jax
import jax.numpy as jnp
from jax import lax
from jax.experimental import pallas as pl
from jax.experimental.pallas import tpu as pltpu
from jax.experimental.pallas import tpu_sc as plsc

_NC = 2
_NS = 16
_NW = _NC * _NS
_L = 16
_NSTREAM = 8

_PARAMS = pltpu.CompilerParams(use_tc_tiling_on_sc=False,
                               needs_layout_passes=False)


@functools.partial(jax.jit, static_argnames=("f", "row"))
def _sc_pack(t, *, f, row):
    tile = 128
    nfull = f // tile
    tail = f - nfull * tile
    iters = (nfull + _NW - 1) // _NW

    def body(t_hbm, aos_hbm, in_v, out_v):
        cid = lax.axis_index("c")
        sid = lax.axis_index("s")
        wid = sid * _NC + cid
        lane = lax.iota(jnp.int32, _L)
        lane_row = lane * row

        def do_tile(i, carry):
            ti = wid + _NW * i

            @pl.when(ti < nfull)
            def _():
                pltpu.sync_copy(t_hbm.at[:, pl.ds(ti * tile, tile)], in_v)
                for r in range(row):
                    for g in range(tile // _L):
                        v = in_v[r, pl.ds(g * _L, _L)]
                        plsc.store_scatter(
                            out_v, [lane_row + (g * _L * row + r)], v)
                pltpu.sync_copy(
                    out_v.at[pl.ds(0, tile * row)],
                    aos_hbm.at[pl.ds(ti * (tile * row), tile * row)])

            return carry

        lax.fori_loop(0, iters, do_tile, 0)

        if tail:
            @pl.when(wid == _NW - 1)
            def _():
                pltpu.sync_copy(
                    t_hbm.at[:, pl.ds(nfull * tile, tail)],
                    in_v.at[:, pl.ds(0, tail)])
                for r in range(row):
                    for g in range(tail // _L):
                        v = in_v[r, pl.ds(g * _L, _L)]
                        plsc.store_scatter(
                            out_v, [lane_row + (g * _L * row + r)], v)
                pltpu.sync_copy(
                    out_v.at[pl.ds(0, tail * row)],
                    aos_hbm.at[pl.ds(nfull * tile * row, tail * row)])

    run = pl.kernel(
        body,
        out_type=jax.ShapeDtypeStruct((f * row,), jnp.float32),
        mesh=plsc.VectorSubcoreMesh(core_axis_name="c", subcore_axis_name="s"),
        scratch_types=[
            pltpu.VMEM((row, 128), jnp.float32),
            pltpu.VMEM((128 * row,), jnp.float32),
        ],
        compiler_params=_PARAMS,
    )
    return run(t)


@functools.partial(jax.jit, static_argnames=("n", "f", "d", "k", "w"))
def _sc_shade(p2f, bary, table, *, n, f, d, k, w):
    row = 3 * d
    npw = n // _NW
    chunk = min(npw, 1024)
    nchunk = npw // chunk
    rows_per_chunk = chunk // w
    gr = w // _L

    def body(p2f_hbm, bary_hbm, table_hbm, out_hbm,
             idx_raw0, safe_v0, bary_raw0, rows_v0, out_v0,
             idx_raw1, safe_v1, bary_raw1, rows_v1, out_v1,
             sem0, sem1):
        cid = lax.axis_index("c")
        sid = lax.axis_index("s")
        wid = sid * _NC + cid
        base = wid * npw
        lane = lax.iota(jnp.int32, _L)
        bufs = ((idx_raw0, safe_v0, bary_raw0, rows_v0, out_v0, sem0),
                (idx_raw1, safe_v1, bary_raw1, rows_v1, out_v1, sem1))

        def stage(ch, buf):
            idx_raw, safe_v, bary_raw, rows_v, _, sem = buf
            bh0 = (base + ch * chunk) // w
            pltpu.sync_copy(
                p2f_hbm.at[pl.ds(bh0 * (k * w), rows_per_chunk * k * w)],
                idx_raw)
            pltpu.sync_copy(
                bary_hbm.at[pl.ds(bh0 * (3 * k * w),
                                  rows_per_chunk * 3 * k * w)],
                bary_raw)

            @plsc.parallel_loop(0, chunk // _L, unroll=4)
            def clamp(i):
                wp = (i % gr) * _L
                src = ((i // gr) * (k * w) + (wp // 128) * (k * 128)
                       + wp % 128)
                v = idx_raw[pl.ds(src, _L)]
                safe_v[pl.ds(i * _L, _L)] = jnp.maximum(v, 0)

            for s in range(0):
                sub = chunk // _NSTREAM
                pltpu.async_copy(
                    table_hbm.at[safe_v.at[pl.ds(s * sub, sub)]],
                    rows_v.at[pl.ds(s * sub, sub), :], sem)

        def finish(ch, buf):
            idx_raw, safe_v, bary_raw, rows_v, out_v, sem = buf
            cbase = base + ch * chunk
            for s in range(0):
                sub = chunk // _NSTREAM
                pltpu.make_async_copy(
                    table_hbm.at[safe_v.at[pl.ds(s * sub, sub)]],
                    rows_v.at[pl.ds(s * sub, sub), :], sem).wait()

            @plsc.parallel_loop(0, chunk // _L, unroll=2)
            def compute(g):
                lp = g * _L + lane
                hh = g // gr
                wpos = (g % gr) * _L
                toff = (wpos // 128) * (k * 128) + wpos % 128
                src = hh * (k * w) + toff
                bsrc = hh * (3 * k * w) + toff
                obase = (hh * d * w + (wpos // 128) * (d * 128)
                         + wpos % 128)
                idx16 = idx_raw[pl.ds(src, _L)]
                valid = idx16 >= 0
                zero = jnp.zeros((_L,), jnp.float32)
                ws = []
                for j in range(3):
                    wv = bary_raw[pl.ds(bsrc + j * (k * w), _L)]
                    ws.append(jnp.where(valid, wv, zero))
                for dd in range(d):
                    acc = zero
                    for j in range(3):
                        col = jnp.full((_L,), j * d + dd, jnp.int32)
                        r = plsc.load_gather(rows_v, [lp, col])
                        acc = acc + ws[j] * r
                    out_v[pl.ds(obase + dd * 128, _L)] = acc

            pltpu.sync_copy(out_v, out_hbm.at[pl.ds(cbase * d, chunk * d)])

        stage(0, bufs[0])

        def do_pair(pp, carry):
            ch0 = 2 * pp
            stage(ch0 + 1, bufs[1])
            finish(ch0, bufs[0])

            @pl.when(ch0 + 2 < nchunk)
            def _():
                stage(ch0 + 2, bufs[0])

            finish(ch0 + 1, bufs[1])
            return carry

        lax.fori_loop(0, nchunk // 2, do_pair, 0)

    run = pl.kernel(
        body,
        out_type=jax.ShapeDtypeStruct((n * d,), jnp.float32),
        mesh=plsc.VectorSubcoreMesh(core_axis_name="c", subcore_axis_name="s"),
        scratch_types=[
            pltpu.VMEM((chunk * k,), jnp.int32),
            pltpu.VMEM((chunk,), jnp.int32),
            pltpu.VMEM((chunk * k * 3,), jnp.float32),
            pltpu.VMEM((chunk, row), jnp.float32),
            pltpu.VMEM((chunk * d,), jnp.float32),
            pltpu.VMEM((chunk * k,), jnp.int32),
            pltpu.VMEM((chunk,), jnp.int32),
            pltpu.VMEM((chunk * k * 3,), jnp.float32),
            pltpu.VMEM((chunk, row), jnp.float32),
            pltpu.VMEM((chunk * d,), jnp.float32),
            pltpu.SemaphoreType.DMA,
            pltpu.SemaphoreType.DMA,
        ],
        compiler_params=_PARAMS,
    )
    return run(p2f, bary, table)


def kernel(pix_to_face, bary_coords, face_features):
    b, h, w, k = pix_to_face.shape
    f, _, d = face_features.shape
    n = b * h * w
    wt = w // 128
    p2f = (pix_to_face.reshape(b, h, wt, 128, k)
           .transpose(0, 1, 2, 4, 3).reshape(n * k))
    bary = (bary_coords.reshape(b, h, wt, 128, k, 3)
            .transpose(0, 1, 5, 2, 4, 3).reshape(n * k * 3))
    t = face_features.transpose(1, 2, 0).reshape(3 * d, f)
    aos = _sc_pack(t, f=f, row=3 * d)
    out = _sc_shade(p2f, bary, aos.reshape(f, 3 * d), n=n, f=f, d=d, k=k,
                    w=w)
    out5 = out.reshape(b, h, w // 128, d, 128)
    return out5.transpose(0, 1, 2, 4, 3).reshape(b, h, w, d)

# --- scband reference (transcript-rebuilt; emitter-appended) ---
"""Pipeline reference for scband-feature-shader-69930657513538 (READ-ONLY COPY).

The authoritative reference and input builder live on the scoring server;
editing this copy changes nothing except your own understanding.
"""

import jax, jax.numpy as jnp
import numpy as np

B, H, W, K, F, D = 2, 512, 512, 2, 200000, 8


def setup_inputs(seed: int = 0) -> dict:
    key = jax.random.key(seed)
    k1, k2, k3, k4 = jax.random.split(key, 4)
    idx = jax.random.randint(k1, (B, H, W, K), 0, F, dtype=jnp.int32)
    # ~10% of pixels are background (pix_to_face == -1), as produced by a rasterizer
    miss = jax.random.uniform(k2, (B, H, W, K)) < 0.1
    pix_to_face = jnp.where(miss, -1, idx)
    w = jax.random.uniform(k3, (B, H, W, K, 3), minval=1e-3, maxval=1.0)
    bary_coords = w / jnp.sum(w, axis=-1, keepdims=True)
    face_features = jax.random.normal(k4, (F, 3, D), dtype=jnp.float32)
    return {
        "pix_to_face": pix_to_face,
        "bary_coords": bary_coords,
        "face_features": face_features,
    }


def reference(pix_to_face, bary_coords, face_features):
    # meshes.sample_textures(fragments): gather per-face vertex features and
    # interpolate with barycentric coordinates -> texels [B,H,W,K,D]
    safe_idx = jnp.clip(pix_to_face, 0, None)
    verts = jnp.take(face_features, safe_idx, axis=0)  # [B,H,W,K,3,D]
    texels = jnp.einsum("bhwkj,bhwkjd->bhwkd", bary_coords, verts)
    # valid_max = fragments.pix_to_face >= 0; blended_texels[valid] = texels[valid]
    valid = pix_to_face >= 0
    blended_texels = jnp.where(valid[..., None], texels, jnp.zeros_like(texels))
    # return blended_texels[:, :, :, 0, :]
    return blended_texels[:, :, :, 0, :]

if __name__ == "__main__":
    import jax
    _d = setup_inputs()
    print(jax.jit(kernel)(*tuple(_d.values())))

</pallas_src>

<mosaic_0001>
#map = affine_map<(d0, d1) -> (0, 0)>
#map1 = affine_map<(d0, d1) -> (0)>
module attributes {stable_mosaic.version = 14 : i64} {
  func.func @body(%arg0: i32, %arg1: i32, %arg2: memref<24x200000xf32, #tpu.memory_space<hbm>>, %arg3: memref<4800000xf32, #tpu.memory_space<hbm>>, %arg4: memref<24x128xf32, #tpu.memory_space<vmem>>, %arg5: memref<3072xf32, #tpu.memory_space<vmem>>) attributes {dimension_semantics = [#tpu.dimension_semantics<core_parallel>, #tpu.dimension_semantics<subcore_parallel>], iteration_bounds = array<i64: 2, 16>, scalar_prefetch = 0 : i64, scratch_operands = 2 : i64, tpu.core_type = #tpu.core_type<sc_vector_subcore>, window_params = [{transform_indices = #map}, {transform_indices = #map1}]} {
    %mul3A = arith.constant 2 : i32
    %mul3A_0 = arith.muli %arg1, %mul3A : i32
    %add3A = arith.addi %mul3A_0, %arg0 : i32
    %iota3A = tpu.iota {dimensions = array<i32: 0>} : vector<16xi32>
    %mul3A_1 = arith.constant 24 : i32
    %mul3A_2 = vector.broadcast %mul3A_1 : i32 to vector<16xi32>
    %mul3A_3 = arith.muli %iota3A, %mul3A_2 : vector<16xi32>
    %scan3A = arith.constant 0 : i32
    %scan3A_4 = arith.constant 0 : i32
    %scan3A_5 = arith.constant 49 : i32
    %scan3A_6 = arith.addi %scan3A_4, %scan3A_5 : i32
    %scan3A_7 = arith.constant 1 : i32
    scf.for %scan3A_11 = %scan3A_4 to %scan3A_6 step %scan3A_7  : i32 {
      %mul3A_12 = arith.constant 32 : i32
      %mul3A_13 = arith.muli %mul3A_12, %scan3A_11 : i32
      %add3A_14 = arith.addi %add3A, %mul3A_13 : i32
      %lt3A = arith.constant 1562 : i32
      %lt3A_15 = arith.cmpi slt, %add3A_14, %lt3A : i32
      %convert_element_type3A_16 = arith.extui %lt3A_15 : i1 to i32
      %cond3A_17 = arith.constant 0 : i32
      %cond3A_18 = arith.cmpi ne, %convert_element_type3A_16, %cond3A_17 : i32
      scf.if %cond3A_18 {
        %mul3A_19 = arith.constant 128 : i32
        %mul3A_20 = arith.muli %add3A_14, %mul3A_19 : i32
        "tpu.region"() ({
          %run_scoped3A = tpu.sem_alloc : memref<!tpu.dma_semaphore, #tpu.memory_space<semaphore_mem>>
          %dma_start3A = arith.constant 0 : i32
          %dma_start3A_1366 = tpu.memref_slice %arg2[%dma_start3A, %mul3A_20] : memref<24x200000xf32, #tpu.memory_space<hbm>> -> memref<24x128xf32, #tpu.memory_space<hbm>>
          %dma_start3A_1367 = arith.constant 0 : i32
          %dma_start3A_1368 = tpu.memref_slice %arg2[%dma_start3A_1367, %mul3A_20] : memref<24x200000xf32, #tpu.memory_space<hbm>> -> memref<24x128xf32, #tpu.memory_space<hbm>>
          tpu.enqueue_dma source(%dma_start3A_1368 : memref<24x128xf32, #tpu.memory_space<hbm>>) target(%arg4 : memref<24x128xf32, #tpu.memory_space<vmem>>) target_semaphore(%run_scoped3A : memref<!tpu.dma_semaphore, #tpu.memory_space<semaphore_mem>>)
          %dma_wait3A = arith.constant 0 : i32
          %dma_wait3A_1369 = tpu.memref_slice %arg2[%dma_wait3A, %mul3A_20] : memref<24x200000xf32, #tpu.memory_space<hbm>> -> memref<24x128xf32, #tpu.memory_space<hbm>>
          %dma_wait3A_1370 = arith.constant 0 : i32
          %dma_wait3A_1371 = tpu.memref_slice %arg2[%dma_wait3A_1370, %mul3A_20] : memref<24x200000xf32, #tpu.memory_space<hbm>> -> memref<24x128xf32, #tpu.memory_space<hbm>>
          tpu.wait_dma2 semaphore(%run_scoped3A : memref<!tpu.dma_semaphore, #tpu.memory_space<semaphore_mem>>) src(%dma_wait3A_1371 : memref<24x128xf32, #tpu.memory_space<hbm>>) dst(%arg4 : memref<24x128xf32, #tpu.memory_space<vmem>>)
          tpu.yield
        }) : () -> ()
        %get3A = arith.constant 0 : i32
        %get3A_21 = arith.index_cast %get3A : i32 to index
        %get3A_22 = arith.constant 0 : index
        %get3A_23 = tpu.vector_load %arg4[%get3A_21, %get3A_22] {strides = array<i32>} : memref<24x128xf32, #tpu.memory_space<vmem>>, vector<16xf32>,
        %add3A_24 = arith.constant 0 : i32
        %add3A_25 = vector.broadcast %add3A_24 : i32 to vector<16xi32>
        %add3A_26 = arith.addi %mul3A_3, %add3A_25 : vector<16xi32>
        tpu.vector_store_idx %arg5[%add3A_26], %get3A_23 : memref<3072xf32, #tpu.memory_space<vmem>>[vector<16xi32>], vector<16xf32>,
        %get3A_27 = arith.constant 0 : i32
        %get3A_28 = arith.index_cast %get3A_27 : i32 to index
        %get3A_29 = arith.constant 16 : index
        %get3A_30 = tpu.vector_load %arg4[%get3A_28, %get3A_29] {strides = array<i32>} : memref<24x128xf32, #tpu.memory_space<vmem>>, vector<16xf32>,
        %add3A_31 = arith.constant 384 : i32
        %add3A_32 = vector.broadcast %add3A_31 : i32 to vector<16xi32>
        %add3A_33 = arith.addi %mul3A_3, %add3A_32 : vector<16xi32>
        tpu.vector_store_idx %arg5[%add3A_33], %get3A_30 : memref<3072xf32, #tpu.memory_space<vmem>>[vector<16xi32>], vector<16xf32>,
        %get3A_34 = arith.constant 0 : i32
        %get3A_35 = arith.index_cast %get3A_34 : i32 to index
        %get3A_36 = arith.constant 32 : index
        %get3A_37 = tpu.vector_load %arg4[%get3A_35, %get3A_36] {strides = array<i32>} : memref<24x128xf32, #tpu.memory_space<vmem>>, vector<16xf32>,
        %add3A_38 = arith.constant 768 : i32
        %add3A_39 = vector.broadcast %add3A_38 : i32 to vector<16xi32>
        %add3A_40 = arith.addi %mul3A_3, %add3A_39 : vector<16xi32>
        tpu.vector_store_idx %arg5[%add3A_40], %get3A_37 : memref<3072xf32, #tpu.memory_space<vmem>>[vector<16xi32>], vector<16xf32>,
        %get3A_41 = arith.constant 0 : i32
        %get3A_42 = arith.index_cast %get3A_41 : i32 to index
        %get3A_43 = arith.constant 48 : index
        %get3A_44 = tpu.vector_load %arg4[%get3A_42, %get3A_43] {strides = array<i32>} : memref<24x128xf32, #tpu.memory_space<vmem>>, vector<16xf32>,
        %add3A_45 = arith.constant 1152 : i32
        %add3A_46 = vector.broadcast %add3A_45 : i32 to vector<16xi32>
        %add3A_47 = arith.addi %mul3A_3, %add3A_46 : vector<16xi32>
        tpu.vector_store_idx %arg5[%add3A_47], %get3A_44 : memref<3072xf32, #tpu.memory_space<vmem>>[vector<16xi32>], vector<16xf32>,
        %get3A_48 = arith.constant 0 : i32
        %get3A_49 = arith.index_cast %get3A_48 : i32 to index
        %get3A_50 = arith.constant 64 : index
        %get3A_51 = tpu.vector_load %arg4[%get3A_49, %get3A_50] {strides = array<i32>} : memref<24x128xf32, #tpu.memory_space<vmem>>, vector<16xf32>,
        %add3A_52 = arith.constant 1536 : i32
        %add3A_53 = vector.broadcast %add3A_52 : i32 to vector<16xi32>
        %add3A_54 = arith.addi %mul3A_3, %add3A_53 : vector<16xi32>
        tpu.vector_store_idx %arg5[%add3A_54], %get3A_51 : memref<3072xf32, #tpu.memory_space<vmem>>[vector<16xi32>], vector<16xf32>,
        %get3A_55 = arith.constant 0 : i32
        %get3A_56 = arith.index_cast %get3A_55 : i32 to index
        %get3A_57 = arith.constant 80 : index
        %get3A_58 = tpu.vector_load %arg4[%get3A_56, %get3A_57] {strides = array<i32>} : memref<24x128xf32, #tpu.memory_space<vmem>>, vector<16xf32>,
        %add3A_59 = arith.constant 1920 : i32
        %add3A_60 = vector.broadcast %add3A_59 : i32 to vector<16xi32>
        %add3A_61 = arith.addi %mul3A_3, %add3A_60 : vector<16xi32>
        tpu.vector_store_idx %arg5[%add3A_61], %get3A_58 : memref<3072xf32, #tpu.memory_space<vmem>>[vector<16xi32>], vector<16xf32>,
        %get3A_62 = arith.constant 0 : i32
        %get3A_63 = arith.index_cast %get3A_62 : i32 to index
        %get3A_64 = arith.constant 96 : index
        %get3A_65 = tpu.vector_load %arg4[%get3A_63, %get3A_64] {strides = array<i32>} : memref<24x128xf32, #tpu.memory_space<vmem>>, vector<16xf32>,
        %add3A_66 = arith.constant 2304 : i32
        %add3A_67 = vector.broadcast %add3A_66 : i32 to vector<16xi32>
        %add3A_68 = arith.addi %mul3A_3, %add3A_67 : vector<16xi32>
        tpu.vector_store_idx %arg5[%add3A_68], %get3A_65 : memref<3072xf32, #tpu.memory_space<vmem>>[vector<16xi32>], vector<16xf32>,
        %get3A_69 = arith.constant 0 : i32
        %get3A_70 = arith.index_cast %get3A_69 : i32 to index
        %get3A_71 = arith.constant 112 : index
        %get3A_72 = tpu.vector_load %arg4[%get3A_70, %get3A_71] {strides = array<i32>} : memref<24x128xf32, #tpu.memory_space<vmem>>, vector<16xf32>,
        %add3A_73 = arith.constant 2688 : i32
        %add3A_74 = vector.broadcast %add3A_73 : i32 to vector<16xi32>
        %add3A_75 = arith.addi %mul3A_3, %add3A_74 : vector<16xi32>
        tpu.vector_store_idx %arg5[%add3A_75], %get3A_72 : memref<3072xf32, #tpu.memory_space<vmem>>[vector<16xi32>], vector<16xf32>,
        %get3A_76 = arith.constant 1 : i32
        %get3A_77 = arith.index_cast %get3A_76 : i32 to index
        %get3A_78 = arith.constant 0 : index
        %get3A_79 = tpu.vector_load %arg4[%get3A_77, %get3A_78] {strides = array<i32>} : memref<24x128xf32, #tpu.memory_space<vmem>>, vector<16xf32>,
        %add3A_80 = arith.constant 1 : i32
        %add3A_81 = vector.broadcast %add3A_80 : i32 to vector<16xi32>
        %add3A_82 = arith.addi %mul3A_3, %add3A_81 : vector<16xi32>
        tpu.vector_store_idx %arg5[%add3A_82], %get3A_79 : memref<3072xf32, #tpu.memory_space<vmem>>[vector<16xi32>], vector<16xf32>,
        %get3A_83 = arith.constant 1 : i32
        %get3A_84 = arith.index_cast %get3A_83 : i32 to index
        %get3A_85 = arith.constant 16 : index
        %get3A_86 = tpu.vector_load %arg4[%get3A_84, %get3A_85] {strides = array<i32>} : memref<24x128xf32, #tpu.memory_space<vmem>>, vector<16xf32>,
        %add3A_87 = arith.constant 385 : i32
        %add3A_88 = vector.broadcast %add3A_87 : i32 to vector<16xi32>
        %add3A_89 = arith.addi %mul3A_3, %add3A_88 : vector<16xi32>
        tpu.vector_store_idx %arg5[%add3A_89], %get3A_86 : memref<3072xf32, #tpu.memory_space<vmem>>[vector<16xi32>], vector<16xf32>,
        %get3A_90 = arith.constant 1 : i32
        %get3A_91 = arith.index_cast %get3A_90 : i32 to index
        %get3A_92 = arith.constant 32 : index
        %get3A_93 = tpu.vector_load %arg4[%get3A_91, %get3A_92] {strides = array<i32>} : memref<24x128xf32, #tpu.memory_space<vmem>>, vector<16xf32>,
        %add3A_94 = arith.constant 769 : i32
        %add3A_95 = vector.broadcast %add3A_94 : i32 to vector<16xi32>
        %add3A_96 = arith.addi %mul3A_3, %add3A_95 : vector<16xi32>
        tpu.vector_store_idx %arg5[%add3A_96], %get3A_93 : memref<3072xf32, #tpu.memory_space<vmem>>[vector<16xi32>], vector<16xf32>,
        %get3A_97 = arith.constant 1 : i32
        %get3A_98 = arith.index_cast %get3A_97 : i32 to index
        %get3A_99 = arith.constant 48 : index
        %get3A_100 = tpu.vector_load %arg4[%get3A_98, %get3A_99] {strides = array<i32>} : memref<24x128xf32, #tpu.memory_space<vmem>>, vector<16xf32>,
        %add3A_101 = arith.constant 1153 : i32
        %add3A_102 = vector.broadcast %add3A_101 : i32 to vector<16xi32>
        %add3A_103 = arith.addi %mul3A_3, %add3A_102 : vector<16xi32>
        tpu.vector_store_idx %arg5[%add3A_103], %get3A_100 : memref<3072xf32, #tpu.memory_space<vmem>>[vector<16xi32>], vector<16xf32>,
        %get3A_104 = arith.constant 1 : i32
        %get3A_105 = arith.index_cast %get3A_104 : i32 to index
        %get3A_106 = arith.constant 64 : index
        %get3A_107 = tpu.vector_load %arg4[%get3A_105, %get3A_106] {strides = array<i32>} : memref<24x128xf32, #tpu.memory_space<vmem>>, vector<16xf32>,
        %add3A_108 = arith.constant 1537 : i32
        %add3A_109 = vector.broadcast %add3A_108 : i32 to vector<16xi32>
        %add3A_110 = arith.addi %mul3A_3, %add3A_109 : vector<16xi32>
        tpu.vector_store_idx %arg5[%add3A_110], %get3A_107 : memref<3072xf32, #tpu.memory_space<vmem>>[vector<16xi32>], vector<16xf32>,
        %get3A_111 = arith.constant 1 : i32
        %get3A_112 = arith.index_cast %get3A_111 : i32 to index
        %get3A_113 = arith.constant 80 : index
        %get3A_114 = tpu.vector_load %arg4[%get3A_112, %get3A_113] {strides = array<i32>} : memref<24x128xf32, #tpu.memory_space<vmem>>, vector<16xf32>,
        %add3A_115 = arith.constant 1921 : i32
        %add3A_116 = vector.broadcast %add3A_115 : i32 to vector<16xi32>
        %add3A_117 = arith.addi %mul3A_3, %add3A_116 : vector<16xi32>
        tpu.vector_store_idx %arg5[%add3A_117], %get3A_114 : memref<3072xf32, #tpu.memory_space<vmem>>[vector<16xi32>], vector<16xf32>,
        %get3A_118 = arith.constant 1 : i32
        %get3A_119 = arith.index_cast %get3A_118 : i32 to index
        %get3A_120 = arith.constant 96 : index
        %get3A_121 = tpu.vector_load %arg4[%get3A_119, %get3A_120] {strides = array<i32>} : memref<24x128xf32, #tpu.memory_space<vmem>>, vector<16xf32>,
        %add3A_122 = arith.constant 2305 : i32
        %add3A_123 = vector.broadcast %add3A_122 : i32 to vector<16xi32>
        %add3A_124 = arith.addi %mul3A_3, %add3A_123 : vector<16xi32>
        tpu.vector_store_idx %arg5[%add3A_124], %get3A_121 : memref<3072xf32, #tpu.memory_space<vmem>>[vector<16xi32>], vector<16xf32>,
        %get3A_125 = arith.constant 1 : i32
        %get3A_126 = arith.index_cast %get3A_125 : i32 to index
        %get3A_127 = arith.constant 112 : index
        %get3A_128 = tpu.vector_load %arg4[%get3A_126, %get3A_127] {strides = array<i32>} : memref<24x128xf32, #tpu.memory_space<vmem>>, vector<16xf32>,
        %add3A_129 = arith.constant 2689 : i32
        %add3A_130 = vector.broadcast %add3A_129 : i32 to vector<16xi32>
        %add3A_131 = arith.addi %mul3A_3, %add3A_130 : vector<16xi32>
        tpu.vector_store_idx %arg5[%add3A_131], %get3A_128 : memref<3072xf32, #tpu.memory_space<vmem>>[vector<16xi32>], vector<16xf32>,
        %get3A_132 = arith.constant 2 : i32
        %get3A_133 = arith.index_cast %get3A_132 : i32 to index
        %get3A_134 = arith.constant 0 : index
        %get3A_135 = tpu.vector_load %arg4[%get3A_133, %get3A_134] {strides = array<i32>} : memref<24x128xf32, #tpu.memory_space<vmem>>, vector<16xf32>,
        %add3A_136 = arith.constant 2 : i32
        %add3A_137 = vector.broadcast %add3A_136 : i32 to vector<16xi32>
        %add3A_138 = arith.addi %mul3A_3, %add3A_137 : vector<16xi32>
        tpu.vector_store_idx %arg5[%add3A_138], %get3A_135 : memref<3072xf32, #tpu.memory_space<vmem>>[vector<16xi32>], vector<16xf32>,
        %get3A_139 = arith.constant 2 : i32
        %get3A_140 = arith.index_cast %get3A_139 : i32 to index
        %get3A_141 = arith.constant 16 : index
        %get3A_142 = tpu.vector_load %arg4[%get3A_140, %get3A_141] {strides = array<i32>} : memref<24x128xf32, #tpu.memory_space<vmem>>, vector<16xf32>,
        %add3A_143 = arith.constant 386 : i32
        %add3A_144 = vector.broadcast %add3A_143 : i32 to vector<16xi32>
        %add3A_145 = arith.addi %mul3A_3, %add3A_144 : vector<16xi32>
        tpu.vector_store_idx %arg5[%add3A_145], %get3A_142 : memref<3072xf32, #tpu.memory_space<vmem>>[vector<16xi32>], vector<16xf32>,
        %get3A_146 = arith.constant 2 : i32
        %get3A_147 = arith.index_cast %get3A_146 : i32 to index
        %get3A_148 = arith.constant 32 : index
        %get3A_149 = tpu.vector_load %arg4[%get3A_147, %get3A_148] {strides = array<i32>} : memref<24x128xf32, #tpu.memory_space<vmem>>, vector<16xf32>,
        %add3A_150 = arith.constant 770 : i32
        %add3A_151 = vector.broadcast %add3A_150 : i32 to vector<16xi32>
        %add3A_152 = arith.addi %mul3A_3, %add3A_151 : vector<16xi32>
        tpu.vector_store_idx %arg5[%add3A_152], %get3A_149 : memref<3072xf32, #tpu.memory_space<vmem>>[vector<16xi32>], vector<16xf32>,
        %get3A_153 = arith.constant 2 : i32
        %get3A_154 = arith.index_cast %get3A_153 : i32 to index
        %get3A_155 = arith.constant 48 : index
        %get3A_156 = tpu.vector_load %arg4[%get3A_154, %get3A_155] {strides = array<i32>} : memref<24x128xf32, #tpu.memory_space<vmem>>, vector<16xf32>,
        %add3A_157 = arith.constant 1154 : i32
        %add3A_158 = vector.broadcast %add3A_157 : i32 to vector<16xi32>
        %add3A_159 = arith.addi %mul3A_3, %add3A_158 : vector<16xi32>
        tpu.vector_store_idx %arg5[%add3A_159], %get3A_156 : memref<3072xf32, #tpu.memory_space<vmem>>[vector<16xi32>], vector<16xf32>,
        %get3A_160 = arith.constant 2 : i32
        %get3A_161 = arith.index_cast %get3A_160 : i32 to index
        %get3A_162 = arith.constant 64 : index
        %get3A_163 = tpu.vector_load %arg4[%get3A_161, %get3A_162] {strides = array<i32>} : memref<24x128xf32, #tpu.memory_space<vmem>>, vector<16xf32>,
        %add3A_164 = arith.constant 1538 : i32
        %add3A_165 = vector.broadcast %add3A_164 : i32 to vector<16xi32>
        %add3A_166 = arith.addi %mul3A_3, %add3A_165 : vector<16xi32>
        tpu.vector_store_idx %arg5[%add3A_166], %get3A_163 : memref<3072xf32, #tpu.memory_space<vmem>>[vector<16xi32>], vector<16xf32>,
        %get3A_167 = arith.constant 2 : i32
        %get3A_168 = arith.index_cast %get3A_167 : i32 to index
        %get3A_169 = arith.constant 80 : index
        %get3A_170 = tpu.vector_load %arg4[%get3A_168, %get3A_169] {strides = array<i32>} : memref<24x128xf32, #tpu.memory_space<vmem>>, vector<16xf32>,
        %add3A_171 = arith.constant 1922 : i32
        %add3A_172 = vector.broadcast %add3A_171 : i32 to vector<16xi32>
        %add3A_173 = arith.addi %mul3A_3, %add3A_172 : vector<16xi32>
        tpu.vector_store_idx %arg5[%add3A_173], %get3A_170 : memref<3072xf32, #tpu.memory_space<vmem>>[vector<16xi32>], vector<16xf32>,
        %get3A_174 = arith.constant 2 : i32
        %get3A_175 = arith.index_cast %get3A_174 : i32 to index
        %get3A_176 = arith.constant 96 : index
        %get3A_177 = tpu.vector_load %arg4[%get3A_175, %get3A_176] {strides = array<i32>} : memref<24x128xf32, #tpu.memory_space<vmem>>, vector<16xf32>,
        %add3A_178 = arith.constant 2306 : i32
        %add3A_179 = vector.broadcast %add3A_178 : i32 to vector<16xi32>
        %add3A_180 = arith.addi %mul3A_3, %add3A_179 : vector<16xi32>
        tpu.vector_store_idx %arg5[%add3A_180], %get3A_177 : memref<3072xf32, #tpu.memory_space<vmem>>[vector<16xi32>], vector<16xf32>,
        %get3A_181 = arith.constant 2 : i32
        %get3A_182 = arith.index_cast %get3A_181 : i32 to index
        %get3A_183 = arith.constant 112 : index
        %get3A_184 = tpu.vector_load %arg4[%get3A_182, %get3A_183] {strides = array<i32>} : memref<24x128xf32, #tpu.memory_space<vmem>>, vector<16xf32>,
        %add3A_185 = arith.constant 2690 : i32
        %add3A_186 = vector.broadcast %add3A_185 : i32 to vector<16xi32>
        %add3A_187 = arith.addi %mul3A_3, %add3A_186 : vector<16xi32>
        tpu.vector_store_idx %arg5[%add3A_187], %get3A_184 : memref<3072xf32, #tpu.memory_space<vmem>>[vector<16xi32>], vector<16xf32>,
        %get3A_188 = arith.constant 3 : i32
        %get3A_189 = arith.index_cast %get3A_188 : i32 to index
        %get3A_190 = arith.constant 0 : index
        %get3A_191 = tpu.vector_load %arg4[%get3A_189, %get3A_190] {strides = array<i32>} : memref<24x128xf32, #tpu.memory_space<vmem>>, vector<16xf32>,
        %add3A_192 = arith.constant 3 : i32
        %add3A_193 = vector.broadcast %add3A_192 : i32 to vector<16xi32>
        %add3A_194 = arith.addi %mul3A_3, %add3A_193 : vector<16xi32>
        tpu.vector_store_idx %arg5[%add3A_194], %get3A_191 : memref<3072xf32, #tpu.memory_space<vmem>>[vector<16xi32>], vector<16xf32>,
        %get3A_195 = arith.constant 3 : i32
        %get3A_196 = arith.index_cast %get3A_195 : i32 to index
        %get3A_197 = arith.constant 16 : index
        %get3A_198 = tpu.vector_load %arg4[%get3A_196, %get3A_197] {strides = array<i32>} : memref<24x128xf32, #tpu.memory_space<vmem>>, vector<16xf32>,
        %add3A_199 = arith.constant 387 : i32
        %add3A_200 = vector.broadcast %add3A_199 : i32 to vector<16xi32>
        %add3A_201 = arith.addi %mul3A_3, %add3A_200 : vector<16xi32>
        tpu.vector_store_idx %arg5[%add3A_201], %get3A_198 : memref<3072xf32, #tpu.memory_space<vmem>>[vector<16xi32>], vector<16xf32>,
        %get3A_202 = arith.constant 3 : i32
        %get3A_203 = arith.index_cast %get3A_202 : i32 to index
        %get3A_204 = arith.constant 32 : index
        %get3A_205 = tpu.vector_load %arg4[%get3A_203, %get3A_204] {strides = array<i32>} : memref<24x128xf32, #tpu.memory_space<vmem>>, vector<16xf32>,
        %add3A_206 = arith.constant 771 : i32
        %add3A_207 = vector.broadcast %add3A_206 : i32 to vector<16xi32>
        %add3A_208 = arith.addi %mul3A_3, %add3A_207 : vector<16xi32>
        tpu.vector_store_idx %arg5[%add3A_208], %get3A_205 : memref<3072xf32, #tpu.memory_space<vmem>>[vector<16xi32>], vector<16xf32>,
        %get3A_209 = arith.constant 3 : i32
        %get3A_210 = arith.index_cast %get3A_209 : i32 to index
        %get3A_211 = arith.constant 48 : index
        %get3A_212 = tpu.vector_load %arg4[%get3A_210, %get3A_211] {strides = array<i32>} : memref<24x128xf32, #tpu.memory_space<vmem>>, vector<16xf32>,
        %add3A_213 = arith.constant 1155 : i32
        %add3A_214 = vector.broadcast %add3A_213 : i32 to vector<16xi32>
        %add3A_215 = arith.addi %mul3A_3, %add3A_214 : vector<16xi32>
        tpu.vector_store_idx %arg5[%add3A_215], %get3A_212 : memref<3072xf32, #tpu.memory_space<vmem>>[vector<16xi32>], vector<16xf32>,
        %get3A_216 = arith.constant 3 : i32
        %get3A_217 = arith.index_cast %get3A_216 : i32 to index
        %get3A_218 = arith.constant 64 : index
        %get3A_219 = tpu.vector_load %arg4[%get3A_217, %get3A_218] {strides = array<i32>} : memref<24x128xf32, #tpu.memory_space<vmem>>, vector<16xf32>,
        %add3A_220 = arith.constant 1539 : i32
        %add3A_221 = vector.broadcast %add3A_220 : i32 to vector<16xi32>
        %add3A_222 = arith.addi %mul3A_3, %add3A_221 : vector<16xi32>
        tpu.vector_store_idx %arg5[%add3A_222], %get3A_219 : memref<3072xf32, #tpu.memory_space<vmem>>[vector<16xi32>], vector<16xf32>,
        %get3A_223 = arith.constant 3 : i32
        %get3A_224 = arith.index_cast %get3A_223 : i32 to index
        %get3A_225 = arith.constant 80 : index
        %get3A_226 = tpu.vector_load %arg4[%get3A_224, %get3A_225] {strides = array<i32>} : memref<24x128xf32, #tpu.memory_space<vmem>>, vector<16xf32>,
        %add3A_227 = arith.constant 1923 : i32
        %add3A_228 = vector.broadcast %add3A_227 : i32 to vector<16xi32>
        %add3A_229 = arith.addi %mul3A_3, %add3A_228 : vector<16xi32>
        tpu.vector_store_idx %arg5[%add3A_229], %get3A_226 : memref<3072xf32, #tpu.memory_space<vmem>>[vector<16xi32>], vector<16xf32>,
        %get3A_230 = arith.constant 3 : i32
        %get3A_231 = arith.index_cast %get3A_230 : i32 to index
        %get3A_232 = arith.constant 96 : index
        %get3A_233 = tpu.vector_load %arg4[%get3A_231, %get3A_232] {strides = array<i32>} : memref<24x128xf32, #tpu.memory_space<vmem>>, vector<16xf32>,
        %add3A_234 = arith.constant 2307 : i32
        %add3A_235 = vector.broadcast %add3A_234 : i32 to vector<16xi32>
        %add3A_236 = arith.addi %mul3A_3, %add3A_235 : vector<16xi32>
        tpu.vector_store_idx %arg5[%add3A_236], %get3A_233 : memref<3072xf32, #tpu.memory_space<vmem>>[vector<16xi32>], vector<16xf32>,
        %get3A_237 = arith.constant 3 : i32
        %get3A_238 = arith.index_cast %get3A_237 : i32 to index
        %get3A_239 = arith.constant 112 : index
        %get3A_240 = tpu.vector_load %arg4[%get3A_238, %get3A_239] {strides = array<i32>} : memref<24x128xf32, #tpu.memory_space<vmem>>, vector<16xf32>,
        %add3A_241 = arith.constant 2691 : i32
        %add3A_242 = vector.broadcast %add3A_241 : i32 to vector<16xi32>
        %add3A_243 = arith.addi %mul3A_3, %add3A_242 : vector<16xi32>
        tpu.vector_store_idx %arg5[%add3A_243], %get3A_240 : memref<3072xf32, #tpu.memory_space<vmem>>[vector<16xi32>], vector<16xf32>,
        %get3A_244 = arith.constant 4 : i32
        %get3A_245 = arith.index_cast %get3A_244 : i32 to index
        %get3A_246 = arith.constant 0 : index
        %get3A_247 = tpu.vector_load %arg4[%get3A_245, %get3A_246] {strides = array<i32>} : memref<24x128xf32, #tpu.memory_space<vmem>>, vector<16xf32>,
        %add3A_248 = arith.constant 4 : i32
        %add3A_249 = vector.broadcast %add3A_248 : i32 to vector<16xi32>
        %add3A_250 = arith.addi %mul3A_3, %add3A_249 : vector<16xi32>
        tpu.vector_store_idx %arg5[%add3A_250], %get3A_247 : memref<3072xf32, #tpu.memory_space<vmem>>[vector<16xi32>], vector<16xf32>,
        %get3A_251 = arith.constant 4 : i32
        %get3A_252 = arith.index_cast %get3A_251 : i32 to index
        %get3A_253 = arith.constant 16 : index
        %get3A_254 = tpu.vector_load %arg4[%get3A_252, %get3A_253] {strides = array<i32>} : memref<24x128xf32, #tpu.memory_space<vmem>>, vector<16xf32>,
        %add3A_255 = arith.constant 388 : i32
        %add3A_256 = vector.broadcast %add3A_255 : i32 to vector<16xi32>
        %add3A_257 = arith.addi %mul3A_3, %add3A_256 : vector<16xi32>
        tpu.vector_store_idx %arg5[%add3A_257], %get3A_254 : memref<3072xf32, #tpu.memory_space<vmem>>[vector<16xi32>], vector<16xf32>,
        %get3A_258 = arith.constant 4 : i32
        %get3A_259 = arith.index_cast %get3A_258 : i32 to index
        %get3A_260 = arith.constant 32 : index
        %get3A_261 = tpu.vector_load %arg4[%get3A_259, %get3A_260] {strides = array<i32>} : memref<24x128xf32, #tpu.memory_space<vmem>>, vector<16xf32>,
        %add3A_262 = arith.constant 772 : i32
        %add3A_263 = vector.broadcast %add3A_262 : i32 to vector<16xi32>
        %add3A_264 = arith.addi %mul3A_3, %add3A_263 : vector<16xi32>
        tpu.vector_store_idx %arg5[%add3A_264], %get3A_261 : memref<3072xf32, #tpu.memory_space<vmem>>[vector<16xi32>], vector<16xf32>,
        %get3A_265 = arith.constant 4 : i32
        %get3A_266 = arith.index_cast %get3A_265 : i32 to index
        %get3A_267 = arith.constant 48 : index
        %get3A_268 = tpu.vector_load %arg4[%get3A_266, %get3A_267] {strides = array<i32>} : memref<24x128xf32, #tpu.memory_space<vmem>>, vector<16xf32>,
        %add3A_269 = arith.constant 1156 : i32
        %add3A_270 = vector.broadcast %add3A_269 : i32 to vector<16xi32>
        %add3A_271 = arith.addi %mul3A_3, %add3A_270 : vector<16xi32>
        tpu.vector_store_idx %arg5[%add3A_271], %get3A_268 : memref<3072xf32, #tpu.memory_space<vmem>>[vector<16xi32>], vector<16xf32>,
        %get3A_272 = arith.constant 4 : i32
        %get3A_273 = arith.index_cast %get3A_272 : i32 to index
        %get3A_274 = arith.constant 64 : index
        %get3A_275 = tpu.vector_load %arg4[%get3A_273, %get3A_274] {strides = array<i32>} : memref<24x128xf32, #tpu.memory_space<vmem>>, vector<16xf32>,
        %add3A_276 = arith.constant 1540 : i32
        %add3A_277 = vector.broadcast %add3A_276 : i32 to vector<16xi32>
        %add3A_278 = arith.addi %mul3A_3, %add3A_277 : vector<16xi32>
        tpu.vector_store_idx %arg5[%add3A_278], %get3A_275 : memref<3072xf32, #tpu.memory_space<vmem>>[vector<16xi32>], vector<16xf32>,
        %get3A_279 = arith.constant 4 : i32
        %get3A_280 = arith.index_cast %get3A_279 : i32 to index
        %get3A_281 = arith.constant 80 : index
        %get3A_282 = tpu.vector_load %arg4[%get3A_280, %get3A_281] {strides = array<i32>} : memref<24x128xf32, #tpu.memory_space<vmem>>, vector<16xf32>,
        %add3A_283 = arith.constant 1924 : i32
        %add3A_284 = vector.broadcast %add3A_283 : i32 to vector<16xi32>
        %add3A_285 = arith.addi %mul3A_3, %add3A_284 : vector<16xi32>
        tpu.vector_store_idx %arg5[%add3A_285], %get3A_282 : memref<3072xf32, #tpu.memory_space<vmem>>[vector<16xi32>], vector<16xf32>,
        %get3A_286 = arith.constant 4 : i32
        %get3A_287 = arith.index_cast %get3A_286 : i32 to index
        %get3A_288 = arith.constant 96 : index
        %get3A_289 = tpu.vector_load %arg4[%get3A_287, %get3A_288] {strides = array<i32>} : memref<24x128xf32, #tpu.memory_space<vmem>>, vector<16xf32>,
        %add3A_290 = arith.constant 2308 : i32
        %add3A_291 = vector.broadcast %add3A_290 : i32 to vector<16xi32>
        %add3A_292 = arith.addi %mul3A_3, %add3A_291 : vector<16xi32>
        tpu.vector_store_idx %arg5[%add3A_292], %get3A_289 : memref<3072xf32, #tpu.memory_space<vmem>>[vector<16xi32>], vector<16xf32>,
        %get3A_293 = arith.constant 4 : i32
        %get3A_294 = arith.index_cast %get3A_293 : i32 to index
        %get3A_295 = arith.constant 112 : index
        %get3A_296 = tpu.vector_load %arg4[%get3A_294, %get3A_295] {strides = array<i32>} : memref<24x128xf32, #tpu.memory_space<vmem>>, vector<16xf32>,
        %add3A_297 = arith.constant 2692 : i32
        %add3A_298 = vector.broadcast %add3A_297 : i32 to vector<16xi32>
        %add3A_299 = arith.addi %mul3A_3, %add3A_298 : vector<16xi32>
        tpu.vector_store_idx %arg5[%add3A_299], %get3A_296 : memref<3072xf32, #tpu.memory_space<vmem>>[vector<16xi32>], vector<16xf32>,
        %get3A_300 = arith.constant 5 : i32
        %get3A_301 = arith.index_cast %get3A_300 : i32 to index
        %get3A_302 = arith.constant 0 : index
        %get3A_303 = tpu.vector_load %arg4[%get3A_301, %get3A_302] {strides = array<i32>} : memref<24x128xf32, #tpu.memory_space<vmem>>, vector<16xf32>,
        %add3A_304 = arith.constant 5 : i32
        %add3A_305 = vector.broadcast %add3A_304 : i32 to vector<16xi32>
        %add3A_306 = arith.addi %mul3A_3, %add3A_305 : vector<16xi32>
        tpu.vector_store_idx %arg5[%add3A_306], %get3A_303 : memref<3072xf32, #tpu.memory_space<vmem>>[vector<16xi32>], vector<16xf32>,
        %get3A_307 = arith.constant 5 : i32
        %get3A_308 = arith.index_cast %get3A_307 : i32 to index
        %get3A_309 = arith.constant 16 : index
        %get3A_310 = tpu.vector_load %arg4[%get3A_308, %get3A_309] {strides = array<i32>} : memref<24x128xf32, #tpu.memory_space<vmem>>, vector<16xf32>,
        %add3A_311 = arith.constant 389 : i32
        %add3A_312 = vector.broadcast %add3A_311 : i32 to vector<16xi32>
        %add3A_313 = arith.addi %mul3A_3, %add3A_312 : vector<16xi32>
        tpu.vector_store_idx %arg5[%add3A_313], %get3A_310 : memref<3072xf32, #tpu.memory_space<vmem>>[vector<16xi32>], vector<16xf32>,
        %get3A_314 = arith.constant 5 : i32
        %get3A_315 = arith.index_cast %get3A_314 : i32 to index
        %get3A_316 = arith.constant 32 : index
        %get3A_317 = tpu.vector_load %arg4[%get3A_315, %get3A_316] {strides = array<i32>} : memref<24x128xf32, #tpu.memory_space<vmem>>, vector<16xf32>,
        %add3A_318 = arith.constant 773 : i32
        %add3A_319 = vector.broadcast %add3A_318 : i32 to vector<16xi32>
        %add3A_320 = arith.addi %mul3A_3, %add3A_319 : vector<16xi32>
        tpu.vector_store_idx %arg5[%add3A_320], %get3A_317 : memref<3072xf32, #tpu.memory_space<vmem>>[vector<16xi32>], vector<16xf32>,
        %get3A_321 = arith.constant 5 : i32
        %get3A_322 = arith.index_cast %get3A_321 : i32 to index
        %get3A_323 = arith.constant 48 : index
        %get3A_324 = tpu.vector_load %arg4[%get3A_322, %get3A_323] {strides = array<i32>} : memref<24x128xf32, #tpu.memory_space<vmem>>, vector<16xf32>,
        %add3A_325 = arith.constant 1157 : i32
        %add3A_326 = vector.broadcast %add3A_325 : i32 to vector<16xi32>
        %add3A_327 = arith.addi %mul3A_3, %add3A_326 : vector<16xi32>
        tpu.vector_store_idx %arg5[%add3A_327], %get3A_324 : memref<3072xf32, #tpu.memory_space<vmem>>[vector<16xi32>], vector<16xf32>,
        %get3A_328 = arith.constant 5 : i32
        %get3A_329 = arith.index_cast %get3A_328 : i32 to index
        %get3A_330 = arith.constant 64 : index
        %get3A_331 = tpu.vector_load %arg4[%get3A_329, %get3A_330] {strides = array<i32>} : memref<24x128xf32, #tpu.memory_space<vmem>>, vector<16xf32>,
        %add3A_332 = arith.constant 1541 : i32
        %add3A_333 = vector.broadcast %add3A_332 : i32 to vector<16xi32>
        %add3A_334 = arith.addi %mul3A_3, %add3A_333 : vector<16xi32>
        tpu.vector_store_idx %arg5[%add3A_334], %get3A_331 : memref<3072xf32, #tpu.memory_space<vmem>>[vector<16xi32>], vector<16xf32>,
        %get3A_335 = arith.constant 5 : i32
        %get3A_336 = arith.index_cast %get3A_335 : i32 to index
        %get3A_337 = arith.constant 80 : index
        %get3A_338 = tpu.vector_load %arg4[%get3A_336, %get3A_337] {strides = array<i32>} : memref<24x128xf32, #tpu.memory_space<vmem>>, vector<16xf32>,
        %add3A_339 = arith.constant 1925 : i32
        %add3A_340 = vector.broadcast %add3A_339 : i32 to vector<16xi32>
        %add3A_341 = arith.addi %mul3A_3, %add3A_340 : vector<16xi32>
        tpu.vector_store_idx %arg5[%add3A_341], %get3A_338 : memref<3072xf32, #tpu.memory_space<vmem>>[vector<16xi32>], vector<16xf32>,
        %get3A_342 = arith.constant 5 : i32
        %get3A_343 = arith.index_cast %get3A_342 : i32 to index
        %get3A_344 = arith.constant 96 : index
        %get3A_345 = tpu.vector_load %arg4[%get3A_343, %get3A_344] {strides = array<i32>} : memref<24x128xf32, #tpu.memory_space<vmem>>, vector<16xf32>,
        %add3A_346 = arith.constant 2309 : i32
        %add3A_347 = vector.broadcast %add3A_346 : i32 to vector<16xi32>
        %add3A_348 = arith.addi %mul3A_3, %add3A_347 : vector<16xi32>
        tpu.vector_store_idx %arg5[%add3A_348], %get3A_345 : memref<3072xf32, #tpu.memory_space<vmem>>[vector<16xi32>], vector<16xf32>,
        %get3A_349 = arith.constant 5 : i32
        %get3A_350 = arith.index_cast %get3A_349 : i32 to index
        %get3A_351 = arith.constant 112 : index
        %get3A_352 = tpu.vector_load %arg4[%get3A_350, %get3A_351] {strides = array<i32>} : memref<24x128xf32, #tpu.memory_space<vmem>>, vector<16xf32>,
        %add3A_353 = arith.constant 2693 : i32
        %add3A_354 = vector.broadcast %add3A_353 : i32 to vector<16xi32>
        %add3A_355 = arith.addi %mul3A_3, %add3A_354 : vector<16xi32>
        tpu.vector_store_idx %arg5[%add3A_355], %get3A_352 : memref<3072xf32, #tpu.memory_space<vmem>>[vector<16xi32>], vector<16xf32>,
        %get3A_356 = arith.constant 6 : i32
        %get3A_357 = arith.index_cast %get3A_356 : i32 to index
        %get3A_358 = arith.constant 0 : index
        %get3A_359 = tpu.vector_load %arg4[%get3A_357, %get3A_358] {strides = array<i32>} : memref<24x128xf32, #tpu.memory_space<vmem>>, vector<16xf32>,
        %add3A_360 = arith.constant 6 : i32
        %add3A_361 = vector.broadcast %add3A_360 : i32 to vector<16xi32>
        %add3A_362 = arith.addi %mul3A_3, %add3A_361 : vector<16xi32>
        tpu.vector_store_idx %arg5[%add3A_362], %get3A_359 : memref<3072xf32, #tpu.memory_space<vmem>>[vector<16xi32>], vector<16xf32>,
        %get3A_363 = arith.constant 6 : i32
        %get3A_364 = arith.index_cast %get3A_363 : i32 to index
        %get3A_365 = arith.constant 16 : index
        %get3A_366 = tpu.vector_load %arg4[%get3A_364, %get3A_365] {strides = array<i32>} : memref<24x128xf32, #tpu.memory_space<vmem>>, vector<16xf32>,
        %add3A_367 = arith.constant 390 : i32
        %add3A_368 = vector.broadcast %add3A_367 : i32 to vector<16xi32>
        %add3A_369 = arith.addi %mul3A_3, %add3A_368 : vector<16xi32>
        tpu.vector_store_idx %arg5[%add3A_369], %get3A_366 : memref<3072xf32, #tpu.memory_space<vmem>>[vector<16xi32>], vector<16xf32>,
        %get3A_370 = arith.constant 6 : i32
        %get3A_371 = arith.index_cast %get3A_370 : i32 to index
        %get3A_372 = arith.constant 32 : index
        %get3A_373 = tpu.vector_load %arg4[%get3A_371, %get3A_372] {strides = array<i32>} : memref<24x128xf32, #tpu.memory_space<vmem>>, vector<16xf32>,
        %add3A_374 = arith.constant 774 : i32
        %add3A_375 = vector.broadcast %add3A_374 : i32 to vector<16xi32>
        %add3A_376 = arith.addi %mul3A_3, %add3A_375 : vector<16xi32>
        tpu.vector_store_idx %arg5[%add3A_376], %get3A_373 : memref<3072xf32, #tpu.memory_space<vmem>>[vector<16xi32>], vector<16xf32>,
        %get3A_377 = arith.constant 6 : i32
        %get3A_378 = arith.index_cast %get3A_377 : i32 to index
        %get3A_379 = arith.constant 48 : index
        %get3A_380 = tpu.vector_load %arg4[%get3A_378, %get3A_379] {strides = array<i32>} : memref<24x128xf32, #tpu.memory_space<vmem>>, vector<16xf32>,
        %add3A_381 = arith.constant 1158 : i32
        %add3A_382 = vector.broadcast %add3A_381 : i32 to vector<16xi32>
        %add3A_383 = arith.addi %mul3A_3, %add3A_382 : vector<16xi32>
        tpu.vector_store_idx %arg5[%add3A_383], %get3A_380 : memref<3072xf32, #tpu.memory_space<vmem>>[vector<16xi32>], vector<16xf32>,
        %get3A_384 = arith.constant 6 : i32
        %get3A_385 = arith.index_cast %get3A_384 : i32 to index
        %get3A_386 = arith.constant 64 : index
        %get3A_387 = tpu.vector_load %arg4[%get3A_385, %get3A_386] {strides = array<i32>} : memref<24x128xf32, #tpu.memory_space<vmem>>, vector<16xf32>,
        %add3A_388 = arith.constant 1542 : i32
        %add3A_389 = vector.broadcast %add3A_388 : i32 to vector<16xi32>
        %add3A_390 = arith.addi %mul3A_3, %add3A_389 : vector<16xi32>
        tpu.vector_store_idx %arg5[%add3A_390], %get3A_387 : memref<3072xf32, #tpu.memory_space<vmem>>[vector<16xi32>], vector<16xf32>,
        %get3A_391 = arith.constant 6 : i32
        %get3A_392 = arith.index_cast %get3A_391 : i32 to index
        %get3A_393 = arith.constant 80 : index
        %get3A_394 = tpu.vector_load %arg4[%get3A_392, %get3A_393] {strides = array<i32>} : memref<24x128xf32, #tpu.memory_space<vmem>>, vector<16xf32>,
        %add3A_395 = arith.constant 1926 : i32
        %add3A_396 = vector.broadcast %add3A_395 : i32 to vector<16xi32>
        %add3A_397 = arith.addi %mul3A_3, %add3A_396 : vector<16xi32>
        tpu.vector_store_idx %arg5[%add3A_397], %get3A_394 : memref<3072xf32, #tpu.memory_space<vmem>>[vector<16xi32>], vector<16xf32>,
        %get3A_398 = arith.constant 6 : i32
        %get3A_399 = arith.index_cast %get3A_398 : i32 to index
        %get3A_400 = arith.constant 96 : index
        %get3A_401 = tpu.vector_load %arg4[%get3A_399, %get3A_400] {strides = array<i32>} : memref<24x128xf32, #tpu.memory_space<vmem>>, vector<16xf32>,
        %add3A_402 = arith.constant 2310 : i32
        %add3A_403 = vector.broadcast %add3A_402 : i32 to vector<16xi32>
        %add3A_404 = arith.addi %mul3A_3, %add3A_403 : vector<16xi32>
        tpu.vector_store_idx %arg5[%add3A_404], %get3A_401 : memref<3072xf32, #tpu.memory_space<vmem>>[vector<16xi32>], vector<16xf32>,
        %get3A_405 = arith.constant 6 : i32
        %get3A_406 = arith.index_cast %get3A_405 : i32 to index
        %get3A_407 = arith.constant 112 : index
        %get3A_408 = tpu.vector_load %arg4[%get3A_406, %get3A_407] {strides = array<i32>} : memref<24x128xf32, #tpu.memory_space<vmem>>, vector<16xf32>,
        %add3A_409 = arith.constant 2694 : i32
        %add3A_410 = vector.broadcast %add3A_409 : i32 to vector<16xi32>
        %add3A_411 = arith.addi %mul3A_3, %add3A_410 : vector<16xi32>
        tpu.vector_store_idx %arg5[%add3A_411], %get3A_408 : memref<3072xf32, #tpu.memory_space<vmem>>[vector<16xi32>], vector<16xf32>,
        %get3A_412 = arith.constant 7 : i32
        %get3A_413 = arith.index_cast %get3A_412 : i32 to index
        %get3A_414 = arith.constant 0 : index
        %get3A_415 = tpu.vector_load %arg4[%get3A_413, %get3A_414] {strides = array<i32>} : memref<24x128xf32, #tpu.memory_space<vmem>>, vector<16xf32>,
        %add3A_416 = arith.constant 7 : i32
        %add3A_417 = vector.broadcast %add3A_416 : i32 to vector<16xi32>
        %add3A_418 = arith.addi %mul3A_3, %add3A_417 : vector<16xi32>
        tpu.vector_store_idx %arg5[%add3A_418], %get3A_415 : memref<3072xf32, #tpu.memory_space<vmem>>[vector<16xi32>], vector<16xf32>,
        %get3A_419 = arith.constant 7 : i32
        %get3A_420 = arith.index_cast %get3A_419 : i32 to index
        %get3A_421 = arith.constant 16 : index
        %get3A_422 = tpu.vector_load %arg4[%get3A_420, %get3A_421] {strides = array<i32>} : memref<24x128xf32, #tpu.memory_space<vmem>>, vector<16xf32>,
        %add3A_423 = arith.constant 391 : i32
        %add3A_424 = vector.broadcast %add3A_423 : i32 to vector<16xi32>
        %add3A_425 = arith.addi %mul3A_3, %add3A_424 : vector<16xi32>
        tpu.vector_store_idx %arg5[%add3A_425], %get3A_422 : memref<3072xf32, #tpu.memory_space<vmem>>[vector<16xi32>], vector<16xf32>,
        %get3A_426 = arith.constant 7 : i32
        %get3A_427 = arith.index_cast %get3A_426 : i32 to index
        %get3A_428 = arith.constant 32 : index
        %get3A_429 = tpu.vector_load %arg4[%get3A_427, %get3A_428] {strides = array<i32>} : memref<24x128xf32, #tpu.memory_space<vmem>>, vector<16xf32>,
        %add3A_430 = arith.constant 775 : i32
        %add3A_431 = vector.broadcast %add3A_430 : i32 to vector<16xi32>
        %add3A_432 = arith.addi %mul3A_3, %add3A_431 : vector<16xi32>
        tpu.vector_store_idx %arg5[%add3A_432], %get3A_429 : memref<3072xf32, #tpu.memory_space<vmem>>[vector<16xi32>], vector<16xf32>,
        %get3A_433 = arith.constant 7 : i32
        %get3A_434 = arith.index_cast %get3A_433 : i32 to index
        %get3A_435 = arith.constant 48 : index
        %get3A_436 = tpu.vector_load %arg4[%get3A_434, %get3A_435] {strides = array<i32>} : memref<24x128xf32, #tpu.memory_space<vmem>>, vector<16xf32>,
        %add3A_437 = arith.constant 1159 : i32
        %add3A_438 = vector.broadcast %add3A_437 : i32 to vector<16xi32>
        %add3A_439 = arith.addi %mul3A_3, %add3A_438 : vector<16xi32>
        tpu.vector_store_idx %arg5[%add3A_439], %get3A_436 : memref<3072xf32, #tpu.memory_space<vmem>>[vector<16xi32>], vector<16xf32>,
        %get3A_440 = arith.constant 7 : i32
        %get3A_441 = arith.index_cast %get3A_440 : i32 to index
        %get3A_442 = arith.constant 64 : index
        %get3A_443 = tpu.vector_load %arg4[%get3A_441, %get3A_442] {strides = array<i32>} : memref<24x128xf32, #tpu.memory_space<vmem>>, vector<16xf32>,
        %add3A_444 = arith.constant 1543 : i32
        %add3A_445 = vector.broadcast %add3A_444 : i32 to vector<16xi32>
        %add3A_446 = arith.addi %mul3A_3, %add3A_445 : vector<16xi32>
        tpu.vector_store_idx %arg5[%add3A_446], %get3A_443 : memref<3072xf32, #tpu.memory_space<vmem>>[vector<16xi32>], vector<16xf32>,
        %get3A_447 = arith.constant 7 : i32
        %get3A_448 = arith.index_cast %get3A_447 : i32 to index
        %get3A_449 = arith.constant 80 : index
        %get3A_450 = tpu.vector_load %arg4[%get3A_448, %get3A_449] {strides = array<i32>} : memref<24x128xf32, #tpu.memory_space<vmem>>, vector<16xf32>,
        %add3A_451 = arith.constant 1927 : i32
        %add3A_452 = vector.broadcast %add3A_451 : i32 to vector<16xi32>
        %add3A_453 = arith.addi %mul3A_3, %add3A_452 : vector<16xi32>
        tpu.vector_store_idx %arg5[%add3A_453], %get3A_450 : memref<3072xf32, #tpu.memory_space<vmem>>[vector<16xi32>], vector<16xf32>,
        %get3A_454 = arith.constant 7 : i32
        %get3A_455 = arith.index_cast %get3A_454 : i32 to index
        %get3A_456 = arith.constant 96 : index
        %get3A_457 = tpu.vector_load %arg4[%get3A_455, %get3A_456] {strides = array<i32>} : memref<24x128xf32, #tpu.memory_space<vmem>>, vector<16xf32>,
        %add3A_458 = arith.constant 2311 : i32
        %add3A_459 = vector.broadcast %add3A_458 : i32 to vector<16xi32>
        %add3A_460 = arith.addi %mul3A_3, %add3A_459 : vector<16xi32>
        tpu.vector_store_idx %arg5[%add3A_460], %get3A_457 : memref<3072xf32, #tpu.memory_space<vmem>>[vector<16xi32>], vector<16xf32>,
        %get3A_461 = arith.constant 7 : i32
        %get3A_462 = arith.index_cast %get3A_461 : i32 to index
        %get3A_463 = arith.constant 112 : index
        %get3A_464 = tpu.vector_load %arg4[%get3A_462, %get3A_463] {strides = array<i32>} : memref<24x128xf32, #tpu.memory_space<vmem>>, vector<16xf32>,
        %add3A_465 = arith.constant 2695 : i32
        %add3A_466 = vector.broadcast %add3A_465 : i32 to vector<16xi32>
        %add3A_467 = arith.addi %mul3A_3, %add3A_466 : vector<16xi32>
        tpu.vector_store_idx %arg5[%add3A_467], %get3A_464 : memref<3072xf32, #tpu.memory_space<vmem>>[vector<16xi32>], vector<16xf32>,
        %get3A_468 = arith.constant 8 : i32
        %get3A_469 = arith.index_cast %get3A_468 : i32 to index
        %get3A_470 = arith.constant 0 : index
        %get3A_471 = tpu.vector_load %arg4[%get3A_469, %get3A_470] {strides = array<i32>} : memref<24x128xf32, #tpu.memory_space<vmem>>, vector<16xf32>,
        %add3A_472 = arith.constant 8 : i32
        %add3A_473 = vector.broadcast %add3A_472 : i32 to vector<16xi32>
        %add3A_474 = arith.addi %mul3A_3, %add3A_473 : vector<16xi32>
        tpu.vector_store_idx %arg5[%add3A_474], %get3A_471 : memref<3072xf32, #tpu.memory_space<vmem>>[vector<16xi32>], vector<16xf32>,
        %get3A_475 = arith.constant 8 : i32
        %get3A_476 = arith.index_cast %get3A_475 : i32 to index
        %get3A_477 = arith.constant 16 : index
        %get3A_478 = tpu.vector_load %arg4[%get3A_476, %get3A_477] {strides = array<i32>} : memref<24x128xf32, #tpu.memory_space<vmem>>, vector<16xf32>,
        %add3A_479 = arith.constant 392 : i32
        %add3A_480 = vector.broadcast %add3A_479 : i32 to vector<16xi32>
        %add3A_481 = arith.addi %mul3A_3, %add3A_480 : vector<16xi32>
        tpu.vector_store_idx %arg5[%add3A_481], %get3A_478 : memref<3072xf32, #tpu.memory_space<vmem>>[vector<16xi32>], vector<16xf32>,
        %get3A_482 = arith.constant 8 : i32
        %get3A_483 = arith.index_cast %get3A_482 : i32 to index
        %get3A_484 = arith.constant 32 : index
        %get3A_485 = tpu.vector_load %arg4[%get3A_483, %get3A_484] {strides = array<i32>} : memref<24x128xf32, #tpu.memory_space<vmem>>, vector<16xf32>,
        %add3A_486 = arith.constant 776 : i32
        %add3A_487 = vector.broadcast %add3A_486 : i32 to vector<16xi32>
        %add3A_488 = arith.addi %mul3A_3, %add3A_487 : vector<16xi32>
        tpu.vector_store_idx %arg5[%add3A_488], %get3A_485 : memref<3072xf32, #tpu.memory_space<vmem>>[vector<16xi32>], vector<16xf32>,
        %get3A_489 = arith.constant 8 : i32
        %get3A_490 = arith.index_cast %get3A_489 : i32 to index
        %get3A_491 = arith.constant 48 : index
        %get3A_492 = tpu.vector_load %arg4[%get3A_490, %get3A_491] {strides = array<i32>} : memref<24x128xf32, #tpu.memory_space<vmem>>, vector<16xf32>,
        %add3A_493 = arith.constant 1160 : i32
        %add3A_494 = vector.broadcast %add3A_493 : i32 to vector<16xi32>
        %add3A_495 = arith.addi %mul3A_3, %add3A_494 : vector<16xi32>
        tpu.vector_store_idx %arg5[%add3A_495], %get3A_492 : memref<3072xf32, #tpu.memory_space<vmem>>[vector<16xi32>], vector<16xf32>,
        %get3A_496 = arith.constant 8 : i32
        %get3A_497 = arith.index_cast %get3A_496 : i32 to index
        %get3A_498 = arith.constant 64 : index
        %get3A_499 = tpu.vector_load %arg4[%get3A_497, %get3A_498] {strides = array<i32>} : memref<24x128xf32, #tpu.memory_space<vmem>>, vector<16xf32>,
        %add3A_500 = arith.constant 1544 : i32
        %add3A_501 = vector.broadcast %add3A_500 : i32 to vector<16xi32>
        %add3A_502 = arith.addi %mul3A_3, %add3A_501 : vector<16xi32>
        tpu.vector_store_idx %arg5[%add3A_502], %get3A_499 : memref<3072xf32, #tpu.memory_space<vmem>>[vector<16xi32>], vector<16xf32>,
        %get3A_503 = arith.constant 8 : i32
        %get3A_504 = arith.index_cast %get3A_503 : i32 to index
        %get3A_505 = arith.constant 80 : index
        %get3A_506 = tpu.vector_load %arg4[%get3A_504, %get3A_505] {strides = array<i32>} : memref<24x128xf32, #tpu.memory_space<vmem>>, vector<16xf32>,
        %add3A_507 = arith.constant 1928 : i32
        %add3A_508 = vector.broadcast %add3A_507 : i32 to vector<16xi32>
        %add3A_509 = arith.addi %mul3A_3, %add3A_508 : vector<16xi32>
        tpu.vector_store_idx %arg5[%add3A_509], %get3A_506 : memref<3072xf32, #tpu.memory_space<vmem>>[vector<16xi32>], vector<16xf32>,
        %get3A_510 = arith.constant 8 : i32
        %get3A_511 = arith.index_cast %get3A_510 : i32 to index
        %get3A_512 = arith.constant 96 : index
        %get3A_513 = tpu.vector_load %arg4[%get3A_511, %get3A_512] {strides = array<i32>} : memref<24x128xf32, #tpu.memory_space<vmem>>, vector<16xf32>,
        %add3A_514 = arith.constant 2312 : i32
        %add3A_515 = vector.broadcast %add3A_514 : i32 to vector<16xi32>
        %add3A_516 = arith.addi %mul3A_3, %add3A_515 : vector<16xi32>
        tpu.vector_store_idx %arg5[%add3A_516], %get3A_513 : memref<3072xf32, #tpu.memory_space<vmem>>[vector<16xi32>], vector<16xf32>,
        %get3A_517 = arith.constant 8 : i32
        %get3A_518 = arith.index_cast %get3A_517 : i32 to index
        %get3A_519 = arith.constant 112 : index
        %get3A_520 = tpu.vector_load %arg4[%get3A_518, %get3A_519] {strides = array<i32>} : memref<24x128xf32, #tpu.memory_space<vmem>>, vector<16xf32>,
        %add3A_521 = arith.constant 2696 : i32
        %add3A_522 = vector.broadcast %add3A_521 : i32 to vector<16xi32>
        %add3A_523 = arith.addi %mul3A_3, %add3A_522 : vector<16xi32>
        tpu.vector_store_idx %arg5[%add3A_523], %get3A_520 : memref<3072xf32, #tpu.memory_space<vmem>>[vector<16xi32>], vector<16xf32>,
        %get3A_524 = arith.constant 9 : i32
        %get3A_525 = arith.index_cast %get3A_524 : i32 to index
        %get3A_526 = arith.constant 0 : index
        %get3A_527 = tpu.vector_load %arg4[%get3A_525, %get3A_526] {strides = array<i32>} : memref<24x128xf32, #tpu.memory_space<vmem>>, vector<16xf32>,
        %add3A_528 = arith.constant 9 : i32
        %add3A_529 = vector.broadcast %add3A_528 : i32 to vector<16xi32>
        %add3A_530 = arith.addi %mul3A_3, %add3A_529 : vector<16xi32>
        tpu.vector_store_idx %arg5[%add3A_530], %get3A_527 : memref<3072xf32, #tpu.memory_space<vmem>>[vector<16xi32>], vector<16xf32>,
        %get3A_531 = arith.constant 9 : i32
        %get3A_532 = arith.index_cast %get3A_531 : i32 to index
        %get3A_533 = arith.constant 16 : index
        %get3A_534 = tpu.vector_load %arg4[%get3A_532, %get3A_533] {strides = array<i32>} : memref<24x128xf32, #tpu.memory_space<vmem>>, vector<16xf32>,
        %add3A_535 = arith.constant 393 : i32
        %add3A_536 = vector.broadcast %add3A_535 : i32 to vector<16xi32>
        %add3A_537 = arith.addi %mul3A_3, %add3A_536 : vector<16xi32>
        tpu.vector_store_idx %arg5[%add3A_537], %get3A_534 : memref<3072xf32, #tpu.memory_space<vmem>>[vector<16xi32>], vector<16xf32>,
        %get3A_538 = arith.constant 9 : i32
        %get3A_539 = arith.index_cast %get3A_538 : i32 to index
        %get3A_540 = arith.constant 32 : index
        %get3A_541 = tpu.vector_load %arg4[%get3A_539, %get3A_540] {strides = array<i32>} : memref<24x128xf32, #tpu.memory_space<vmem>>, vector<16xf32>,
        %add3A_542 = arith.constant 777 : i32
        %add3A_543 = vector.broadcast %add3A_542 : i32 to vector<16xi32>
        %add3A_544 = arith.addi %mul3A_3, %add3A_543 : vector<16xi32>
        tpu.vector_store_idx %arg5[%add3A_544], %get3A_541 : memref<3072xf32, #tpu.memory_space<vmem>>[vector<16xi32>], vector<16xf32>,
        %get3A_545 = arith.constant 9 : i32
        %get3A_546 = arith.index_cast %get3A_545 : i32 to index
        %get3A_547 = arith.constant 48 : index
        %get3A_548 = tpu.vector_load %arg4[%get3A_546, %get3A_547] {strides = array<i32>} : memref<24x128xf32, #tpu.memory_space<vmem>>, vector<16xf32>,
        %add3A_549 = arith.constant 1161 : i32
        %add3A_550 = vector.broadcast %add3A_549 : i32 to vector<16xi32>
        %add3A_551 = arith.addi %mul3A_3, %add3A_550 : vector<16xi32>
        tpu.vector_store_idx %arg5[%add3A_551], %get3A_548 : memref<3072xf32, #tpu.memory_space<vmem>>[vector<16xi32>], vector<16xf32>,
        %get3A_552 = arith.constant 9 : i32
        %get3A_553 = arith.index_cast %get3A_552 : i32 to index
        %get3A_554 = arith.constant 64 : index
        %get3A_555 = tpu.vector_load %arg4[%get3A_553, %get3A_554] {strides = array<i32>} : memref<24x128xf32, #tpu.memory_space<vmem>>, vector<16xf32>,
        %add3A_556 = arith.constant 1545 : i32
        %add3A_557 = vector.broadcast %add3A_556 : i32 to vector<16xi32>
        %add3A_558 = arith.addi %mul3A_3, %add3A_557 : vector<16xi32>
        tpu.vector_store_idx %arg5[%add3A_558], %get3A_555 : memref<3072xf32, #tpu.memory_space<vmem>>[vector<16xi32>], vector<16xf32>,
        %get3A_559 = arith.constant 9 : i32
        %get3A_560 = arith.index_cast %get3A_559 : i32 to index
        %get3A_561 = arith.constant 80 : index
        %get3A_562 = tpu.vector_load %arg4[%get3A_560, %get3A_561] {strides = array<i32>} : memref<24x128xf32, #tpu.memory_space<vmem>>, vector<16xf32>,
        %add3A_563 = arith.constant 1929 : i32
        %add3A_564 = vector.broadcast %add3A_563 : i32 to vector<16xi32>
        %add3A_565 = arith.addi %mul3A_3, %add3A_564 : vector<16xi32>
        tpu.vector_store_idx %arg5[%add3A_565], %get3A_562 : memref<3072xf32, #tpu.memory_space<vmem>>[vector<16xi32>], vector<16xf32>,
        %get3A_566 = arith.constant 9 : i32
        %get3A_567 = arith.index_cast %get3A_566 : i32 to index
        %get3A_568 = arith.constant 96 : index
        %get3A_569 = tpu.vector_load %arg4[%get3A_567, %get3A_568] {strides = array<i32>} : memref<24x128xf32, #tpu.memory_space<vmem>>, vector<16xf32>,
        %add3A_570 = arith.constant 2313 : i32
        %add3A_571 = vector.broadcast %add3A_570 : i32 to vector<16xi32>
        %add3A_572 = arith.addi %mul3A_3, %add3A_571 : vector<16xi32>
        tpu.vector_store_idx %arg5[%add3A_572], %get3A_569 : memref<3072xf32, #tpu.memory_space<vmem>>[vector<16xi32>], vector<16xf32>,
        %get3A_573 = arith.constant 9 : i32
        %get3A_574 = arith.index_cast %get3A_573 : i32 to index
        %get3A_575 = arith.constant 112 : index
        %get3A_576 = tpu.vector_load %arg4[%get3A_574, %get3A_575] {strides = array<i32>} : memref<24x128xf32, #tpu.memory_space<vmem>>, vector<16xf32>,
        %add3A_577 = arith.constant 2697 : i32
        %add3A_578 = vector.broadcast %add3A_577 : i32 to vector<16xi32>
        %add3A_579 = arith.addi %mul3A_3, %add3A_578 : vector<16xi32>
        tpu.vector_store_idx %arg5[%add3A_579], %get3A_576 : memref<3072xf32, #tpu.memory_space<vmem>>[vector<16xi32>], vector<16xf32>,
        %get3A_580 = arith.constant 10 : i32
        %get3A_581 = arith.index_cast %get3A_580 : i32 to index
        %get3A_582 = arith.constant 0 : index
        %get3A_583 = tpu.vector_load %arg4[%get3A_581, %get3A_582] {strides = array<i32>} : memref<24x128xf32, #tpu.memory_space<vmem>>, vector<16xf32>,
        %add3A_584 = arith.constant 10 : i32
        %add3A_585 = vector.broadcast %add3A_584 : i32 to vector<16xi32>
        %add3A_586 = arith.addi %mul3A_3, %add3A_585 : vector<16xi32>
        tpu.vector_store_idx %arg5[%add3A_586], %get3A_583 : memref<3072xf32, #tpu.memory_space<vmem>>[vector<16xi32>], vector<16xf32>,
        %get3A_587 = arith.constant 10 : i32
        %get3A_588 = arith.index_cast %get3A_587 : i32 to index
        %get3A_589 = arith.constant 16 : index
        %get3A_590 = tpu.vector_load %arg4[%get3A_588, %get3A_589] {strides = array<i32>} : memref<24x128xf32, #tpu.memory_space<vmem>>, vector<16xf32>,
        %add3A_591 = arith.constant 394 : i32
        %add3A_592 = vector.broadcast %add3A_591 : i32 to vector<16xi32>
        %add3A_593 = arith.addi %mul3A_3, %add3A_592 : vector<16xi32>
        tpu.vector_store_idx %arg5[%add3A_593], %get3A_590 : memref<3072xf32, #tpu.memory_space<vmem>>[vector<16xi32>], vector<16xf32>,
        %get3A_594 = arith.constant 10 : i32
        %get3A_595 = arith.index_cast %get3A_594 : i32 to index
        %get3A_596 = arith.constant 32 : index
        %get3A_597 = tpu.vector_load %arg4[%get3A_595, %get3A_596] {strides = array<i32>} : memref<24x128xf32, #tpu.memory_space<vmem>>, vector<16xf32>,
        %add3A_598 = arith.constant 778 : i32
        %add3A_599 = vector.broadcast %add3A_598 : i32 to vector<16xi32>
        %add3A_600 = arith.addi %mul3A_3, %add3A_599 : vector<16xi32>
        tpu.vector_store_idx %arg5[%add3A_600], %get3A_597 : memref<3072xf32, #tpu.memory_space<vmem>>[vector<16xi32>], vector<16xf32>,
        %get3A_601 = arith.constant 10 : i32
        %get3A_602 = arith.index_cast %get3A_601 : i32 to index
        %get3A_603 = arith.constant 48 : index
        %get3A_604 = tpu.vector_load %arg4[%get3A_602, %get3A_603] {strides = array<i32>} : memref<24x128xf32, #tpu.memory_space<vmem>>, vector<16xf32>,
        %add3A_605 = arith.constant 1162 : i32
        %add3A_606 = vector.broadcast %add3A_605 : i32 to vector<16xi32>
        %add3A_607 = arith.addi %mul3A_3, %add3A_606 : vector<16xi32>
        tpu.vector_store_idx %arg5[%add3A_607], %get3A_604 : memref<3072xf32, #tpu.memory_space<vmem>>[vector<16xi32>], vector<16xf32>,
        %get3A_608 = arith.constant 10 : i32
        %get3A_609 = arith.index_cast %get3A_608 : i32 to index
        %get3A_610 = arith.constant 64 : index
        %get3A_611 = tpu.vector_load %arg4[%get3A_609, %get3A_610] {strides = array<i32>} : memref<24x128xf32, #tpu.memory_space<vmem>>, vector<16xf32>,
        %add3A_612 = arith.constant 1546 : i32
        %add3A_613 = vector.broadcast %add3A_612 : i32 to vector<16xi32>
        %add3A_614 = arith.addi %mul3A_3, %add3A_613 : vector<16xi32>
        tpu.vector_store_idx %arg5[%add3A_614], %get3A_611 : memref<3072xf32, #tpu.memory_space<vmem>>[vector<16xi32>], vector<16xf32>,
        %get3A_615 = arith.constant 10 : i32
        %get3A_616 = arith.index_cast %get3A_615 : i32 to index
        %get3A_617 = arith.constant 80 : index
        %get3A_618 = tpu.vector_load %arg4[%get3A_616, %get3A_617] {strides = array<i32>} : memref<24x128xf32, #tpu.memory_space<vmem>>, vector<16xf32>,
        %add3A_619 = arith.constant 1930 : i32
        %add3A_620 = vector.broadcast %add3A_619 : i32 to vector<16xi32>
        %add3A_621 = arith.addi %mul3A_3, %add3A_620 : vector<16xi32>
        tpu.vector_store_idx %arg5[%add3A_621], %get3A_618 : memref<3072xf32, #tpu.memory_space<vmem>>[vector<16xi32>], vector<16xf32>,
        %get3A_622 = arith.constant 10 : i32
        %get3A_623 = arith.index_cast %get3A_622 : i32 to index
        %get3A_624 = arith.constant 96 : index
        %get3A_625 = tpu.vector_load %arg4[%get3A_623, %get3A_624] {strides = array<i32>} : memref<24x128xf32, #tpu.memory_space<vmem>>, vector<16xf32>,
        %add3A_626 = arith.constant 2314 : i32
        %add3A_627 = vector.broadcast %add3A_626 : i32 to vector<16xi32>
        %add3A_628 = arith.addi %mul3A_3, %add3A_627 : vector<16xi32>
        tpu.vector_store_idx %arg5[%add3A_628], %get3A_625 : memref<3072xf32, #tpu.memory_space<vmem>>[vector<16xi32>], vector<16xf32>,
        %get3A_629 = arith.constant 10 : i32
        %get3A_630 = arith.index_cast %get3A_629 : i32 to index
        %get3A_631 = arith.constant 112 : index
        %get3A_632 = tpu.vector_load %arg4[%get3A_630, %get3A_631] {strides = array<i32>} : memref<24x128xf32, #tpu.memory_space<vmem>>, vector<16xf32>,
        %add3A_633 = arith.constant 2698 : i32
        %add3A_634 = vector.broadcast %add3A_633 : i32 to vector<16xi32>
        %add3A_635 = arith.addi %mul3A_3, %add3A_634 : vector<16xi32>
        tpu.vector_store_idx %arg5[%add3A_635], %get3A_632 : memref<3072xf32, #tpu.memory_space<vmem>>[vector<16xi32>], vector<16xf32>,
        %get3A_636 = arith.constant 11 : i32
        %get3A_637 = arith.index_cast %get3A_636 : i32 to index
        %get3A_638 = arith.constant 0 : index
        %get3A_639 = tpu.vector_load %arg4[%get3A_637, %get3A_638] {strides = array<i32>} : memref<24x128xf32, #tpu.memory_space<vmem>>, vector<16xf32>,
        %add3A_640 = arith.constant 11 : i32
        %add3A_641 = vector.broadcast %add3A_640 : i32 to vector<16xi32>
        %add3A_642 = arith.addi %mul3A_3, %add3A_641 : vector<16xi32>
        tpu.vector_store_idx %arg5[%add3A_642], %get3A_639 : memref<3072xf32, #tpu.memory_space<vmem>>[vector<16xi32>], vector<16xf32>,
        %get3A_643 = arith.constant 11 : i32
        %get3A_644 = arith.index_cast %get3A_643 : i32 to index
        %get3A_645 = arith.constant 16 : index
        %get3A_646 = tpu.vector_load %arg4[%get3A_644, %get3A_645] {strides = array<i32>} : memref<24x128xf32, #tpu.memory_space<vmem>>, vector<16xf32>,
        %add3A_647 = arith.constant 395 : i32
        %add3A_648 = vector.broadcast %add3A_647 : i32 to vector<16xi32>
        %add3A_649 = arith.addi %mul3A_3, %add3A_648 : vector<16xi32>
        tpu.vector_store_idx %arg5[%add3A_649], %get3A_646 : memref<3072xf32, #tpu.memory_space<vmem>>[vector<16xi32>], vector<16xf32>,
        %get3A_650 = arith.constant 11 : i32
        %get3A_651 = arith.index_cast %get3A_650 : i32 to index
        %get3A_652 = arith.constant 32 : index
        %get3A_653 = tpu.vector_load %arg4[%get3A_651, %get3A_652] {strides = array<i32>} : memref<24x128xf32, #tpu.memory_space<vmem>>, vector<16xf32>,
        %add3A_654 = arith.constant 779 : i32
        %add3A_655 = vector.broadcast %add3A_654 : i32 to vector<16xi32>
        %add3A_656 = arith.addi %mul3A_3, %add3A_655 : vector<16xi32>
        tpu.vector_store_idx %arg5[%add3A_656], %get3A_653 : memref<3072xf32, #tpu.memory_space<vmem>>[vector<16xi32>], vector<16xf32>,
        %get3A_657 = arith.constant 11 : i32
        %get3A_658 = arith.index_cast %get3A_657 : i32 to index
        %get3A_659 = arith.constant 48 : index
        %get3A_660 = tpu.vector_load %arg4[%get3A_658, %get3A_659] {strides = array<i32>} : memref<24x128xf32, #tpu.memory_space<vmem>>, vector<16xf32>,
        %add3A_661 = arith.constant 1163 : i32
        %add3A_662 = vector.broadcast %add3A_661 : i32 to vector<16xi32>
        %add3A_663 = arith.addi %mul3A_3, %add3A_662 : vector<16xi32>
        tpu.vector_store_idx %arg5[%add3A_663], %get3A_660 : memref<3072xf32, #tpu.memory_space<vmem>>[vector<16xi32>], vector<16xf32>,
        %get3A_664 = arith.constant 11 : i32
        %get3A_665 = arith.index_cast %get3A_664 : i32 to index
        %get3A_666 = arith.constant 64 : index
        %get3A_667 = tpu.vector_load %arg4[%get3A_665, %get3A_666] {strides = array<i32>} : memref<24x128xf32, #tpu.memory_space<vmem>>, vector<16xf32>,
        %add3A_668 = arith.constant 1547 : i32
        %add3A_669 = vector.broadcast %add3A_668 : i32 to vector<16xi32>
        %add3A_670 = arith.addi %mul3A_3, %add3A_669 : vector<16xi32>
        tpu.vector_store_idx %arg5[%add3A_670], %get3A_667 : memref<3072xf32, #tpu.memory_space<vmem>>[vector<16xi32>], vector<16xf32>,
        %get3A_671 = arith.constant 11 : i32
        %get3A_672 = arith.index_cast %get3A_671 : i32 to index
        %get3A_673 = arith.constant 80 : index
        %get3A_674 = tpu.vector_load %arg4[%get3A_672, %get3A_673] {strides = array<i32>} : memref<24x128xf32, #tpu.memory_space<vmem>>, vector<16xf32>,
        %add3A_675 = arith.constant 1931 : i32
        %add3A_676 = vector.broadcast %add3A_675 : i32 to vector<16xi32>
        %add3A_677 = arith.addi %mul3A_3, %add3A_676 : vector<16xi32>
        tpu.vector_store_idx %arg5[%add3A_677], %get3A_674 : memref<3072xf32, #tpu.memory_space<vmem>>[vector<16xi32>], vector<16xf32>,
        %get3A_678 = arith.constant 11 : i32
        %get3A_679 = arith.index_cast %get3A_678 : i32 to index
        %get3A_680 = arith.constant 96 : index
        %get3A_681 = tpu.vector_load %arg4[%get3A_679, %get3A_680] {strides = array<i32>} : memref<24x128xf32, #tpu.memory_space<vmem>>, vector<16xf32>,
        %add3A_682 = arith.constant 2315 : i32
        %add3A_683 = vector.broadcast %add3A_682 : i32 to vector<16xi32>
        %add3A_684 = arith.addi %mul3A_3, %add3A_683 : vector<16xi32>
        tpu.vector_store_idx %arg5[%add3A_684], %get3A_681 : memref<3072xf32, #tpu.memory_space<vmem>>[vector<16xi32>], vector<16xf32>,
        %get3A_685 = arith.constant 11 : i32
        %get3A_686 = arith.index_cast %get3A_685 : i32 to index
        %get3A_687 = arith.constant 112 : index
        %get3A_688 = tpu.vector_load %arg4[%get3A_686, %get3A_687] {strides = array<i32>} : memref<24x128xf32, #tpu.memory_space<vmem>>, vector<16xf32>,
        %add3A_689 = arith.constant 2699 : i32
        %add3A_690 = vector.broadcast %add3A_689 : i32 to vector<16xi32>
        %add3A_691 = arith.addi %mul3A_3, %add3A_690 : vector<16xi32>
        tpu.vector_store_idx %arg5[%add3A_691], %get3A_688 : memref<3072xf32, #tpu.memory_space<vmem>>[vector<16xi32>], vector<16xf32>,
        %get3A_692 = arith.constant 12 : i32
        %get3A_693 = arith.index_cast %get3A_692 : i32 to index
        %get3A_694 = arith.constant 0 : index
        %get3A_695 = tpu.vector_load %arg4[%get3A_693, %get3A_694] {strides = array<i32>} : memref<24x128xf32, #tpu.memory_space<vmem>>, vector<16xf32>,
        %add3A_696 = arith.constant 12 : i32
        %add3A_697 = vector.broadcast %add3A_696 : i32 to vector<16xi32>
        %add3A_698 = arith.addi %mul3A_3, %add3A_697 : vector<16xi32>
        tpu.vector_store_idx %arg5[%add3A_698], %get3A_695 : memref<3072xf32, #tpu.memory_space<vmem>>[vector<16xi32>], vector<16xf32>,
        %get3A_699 = arith.constant 12 : i32
        %get3A_700 = arith.index_cast %get3A_699 : i32 to index
        %get3A_701 = arith.constant 16 : index
        %get3A_702 = tpu.vector_load %arg4[%get3A_700, %get3A_701] {strides = array<i32>} : memref<24x128xf32, #tpu.memory_space<vmem>>, vector<16xf32>,
        %add3A_703 = arith.constant 396 : i32
        %add3A_704 = vector.broadcast %add3A_703 : i32 to vector<16xi32>
        %add3A_705 = arith.addi %mul3A_3, %add3A_704 : vector<16xi32>
        tpu.vector_store_idx %arg5[%add3A_705], %get3A_702 : memref<3072xf32, #tpu.memory_space<vmem>>[vector<16xi32>], vector<16xf32>,
        %get3A_706 = arith.constant 12 : i32
        %get3A_707 = arith.index_cast %get3A_706 : i32 to index
        %get3A_708 = arith.constant 32 : index
        %get3A_709 = tpu.vector_load %arg4[%get3A_707, %get3A_708] {strides = array<i32>} : memref<24x128xf32, #tpu.memory_space<vmem>>, vector<16xf32>,
        %add3A_710 = arith.constant 780 : i32
        %add3A_711 = vector.broadcast %add3A_710 : i32 to vector<16xi32>
        %add3A_712 = arith.addi %mul3A_3, %add3A_711 : vector<16xi32>
        tpu.vector_store_idx %arg5[%add3A_712], %get3A_709 : memref<3072xf32, #tpu.memory_space<vmem>>[vector<16xi32>], vector<16xf32>,
        %get3A_713 = arith.constant 12 : i32
        %get3A_714 = arith.index_cast %get3A_713 : i32 to index
        %get3A_715 = arith.constant 48 : index
        %get3A_716 = tpu.vector_load %arg4[%get3A_714, %get3A_715] {strides = array<i32>} : memref<24x128xf32, #tpu.memory_space<vmem>>, vector<16xf32>,
        %add3A_717 = arith.constant 1164 : i32
        %add3A_718 = vector.broadcast %add3A_717 : i32 to vector<16xi32>
        %add3A_719 = arith.addi %mul3A_3, %add3A_718 : vector<16xi32>
        tpu.vector_store_idx %arg5[%add3A_719], %get3A_716 : memref<3072xf32, #tpu.memory_space<vmem>>[vector<16xi32>], vector<16xf32>,
        %get3A_720 = arith.constant 12 : i32
        %get3A_721 = arith.index_cast %get3A_720 : i32 to index
        %get3A_722 = arith.constant 64 : index
        %get3A_723 = tpu.vector_load %arg4[%get3A_721, %get3A_722] {strides = array<i32>} : memref<24x128xf32, #tpu.memory_space<vmem>>, vector<16xf32>,
        %add3A_724 = arith.constant 1548 : i32
        %add3A_725 = vector.broadcast %add3A_724 : i32 to vector<16xi32>
        %add3A_726 = arith.addi %mul3A_3, %add3A_725 : vector<16xi32>
        tpu.vector_store_idx %arg5[%add3A_726], %get3A_723 : memref<3072xf32, #tpu.memory_space<vmem>>[vector<16xi32>], vector<16xf32>,
        %get3A_727 = arith.constant 12 : i32
        %get3A_728 = arith.index_cast %get3A_727 : i32 to index
        %get3A_729 = arith.constant 80 : index
        %get3A_730 = tpu.vector_load %arg4[%get3A_728, %get3A_729] {strides = array<i32>} : memref<24x128xf32, #tpu.memory_space<vmem>>, vector<16xf32>,
        %add3A_731 = arith.constant 1932 : i32
        %add3A_732 = vector.broadcast %add3A_731 : i32 to vector<16xi32>
        %add3A_733 = arith.addi %mul3A_3, %add3A_732 : vector<16xi32>
        tpu.vector_store_idx %arg5[%add3A_733], %get3A_730 : memref<3072xf32, #tpu.memory_space<vmem>>[vector<16xi32>], vector<16xf32>,
        %get3A_734 = arith.constant 12 : i32
        %get3A_735 = arith.index_cast %get3A_734 : i32 to index
        %get3A_736 = arith.constant 96 : index
        %get3A_737 = tpu.vector_load %arg4[%get3A_735, %get3A_736] {strides = array<i32>} : memref<24x128xf32, #tpu.memory_space<vmem>>, vector<16xf32>,
        %add3A_738 = arith.constant 2316 : i32
        %add3A_739 = vector.broadcast %add3A_738 : i32 to vector<16xi32>
        %add3A_740 = arith.addi %mul3A_3, %add3A_739 : vector<16xi32>
        tpu.vector_store_idx %arg5[%add3A_740], %get3A_737 : memref<3072xf32, #tpu.memory_space<vmem>>[vector<16xi32>], vector<16xf32>,
        %get3A_741 = arith.constant 12 : i32
        %get3A_742 = arith.index_cast %get3A_741 : i32 to index
        %get3A_743 = arith.constant 112 : index
        %get3A_744 = tpu.vector_load %arg4[%get3A_742, %get3A_743] {strides = array<i32>} : memref<24x128xf32, #tpu.memory_space<vmem>>, vector<16xf32>,
        %add3A_745 = arith.constant 2700 : i32
        %add3A_746 = vector.broadcast %add3A_745 : i32 to vector<16xi32>
        %add3A_747 = arith.addi %mul3A_3, %add3A_746 : vector<16xi32>
        tpu.vector_store_idx %arg5[%add3A_747], %get3A_744 : memref<3072xf32, #tpu.memory_space<vmem>>[vector<16xi32>], vector<16xf32>,
        %get3A_748 = arith.constant 13 : i32
        %get3A_749 = arith.index_cast %get3A_748 : i32 to index
        %get3A_750 = arith.constant 0 : index
        %get3A_751 = tpu.vector_load %arg4[%get3A_749, %get3A_750] {strides = array<i32>} : memref<24x128xf32, #tpu.memory_space<vmem>>, vector<16xf32>,
        %add3A_752 = arith.constant 13 : i32
        %add3A_753 = vector.broadcast %add3A_752 : i32 to vector<16xi32>
        %add3A_754 = arith.addi %mul3A_3, %add3A_753 : vector<16xi32>
        tpu.vector_store_idx %arg5[%add3A_754], %get3A_751 : memref<3072xf32, #tpu.memory_space<vmem>>[vector<16xi32>], vector<16xf32>,
        %get3A_755 = arith.constant 13 : i32
        %get3A_756 = arith.index_cast %get3A_755 : i32 to index
        %get3A_757 = arith.constant 16 : index
        %get3A_758 = tpu.vector_load %arg4[%get3A_756, %get3A_757] {strides = array<i32>} : memref<24x128xf32, #tpu.memory_space<vmem>>, vector<16xf32>,
        %add3A_759 = arith.constant 397 : i32
        %add3A_760 = vector.broadcast %add3A_759 : i32 to vector<16xi32>
        %add3A_761 = arith.addi %mul3A_3, %add3A_760 : vector<16xi32>
        tpu.vector_store_idx %arg5[%add3A_761], %get3A_758 : memref<3072xf32, #tpu.memory_space<vmem>>[vector<16xi32>], vector<16xf32>,
        %get3A_762 = arith.constant 13 : i32
        %get3A_763 = arith.index_cast %get3A_762 : i32 to index
        %get3A_764 = arith.constant 32 : index
        %get3A_765 = tpu.vector_load %arg4[%get3A_763, %get3A_764] {strides = array<i32>} : memref<24x128xf32, #tpu.memory_space<vmem>>, vector<16xf32>,
        %add3A_766 = arith.constant 781 : i32
        %add3A_767 = vector.broadcast %add3A_766 : i32 to vector<16xi32>
        %add3A_768 = arith.addi %mul3A_3, %add3A_767 : vector<16xi32>
        tpu.vector_store_idx %arg5[%add3A_768], %get3A_765 : memref<3072xf32, #tpu.memory_space<vmem>>[vector<16xi32>], vector<16xf32>,
        %get3A_769 = arith.constant 13 : i32
        %get3A_770 = arith.index_cast %get3A_769 : i32 to index
        %get3A_771 = arith.constant 48 : index
        %get3A_772 = tpu.vector_load %arg4[%get3A_770, %get3A_771] {strides = array<i32>} : memref<24x128xf32, #tpu.memory_space<vmem>>, vector<16xf32>,
        %add3A_773 = arith.constant 1165 : i32
        %add3A_774 = vector.broadcast %add3A_773 : i32 to vector<16xi32>
        %add3A_775 = arith.addi %mul3A_3, %add3A_774 : vector<16xi32>
        tpu.vector_store_idx %arg5[%add3A_775], %get3A_772 : memref<3072xf32, #tpu.memory_space<vmem>>[vector<16xi32>], vector<16xf32>,
        %get3A_776 = arith.constant 13 : i32
        %get3A_777 = arith.index_cast %get3A_776 : i32 to index
        %get3A_778 = arith.constant 64 : index
        %get3A_779 = tpu.vector_load %arg4[%get3A_777, %get3A_778] {strides = array<i32>} : memref<24x128xf32, #tpu.memory_space<vmem>>, vector<16xf32>,
        %add3A_780 = arith.constant 1549 : i32
        %add3A_781 = vector.broadcast %add3A_780 : i32 to vector<16xi32>
        %add3A_782 = arith.addi %mul3A_3, %add3A_781 : vector<16xi32>
        tpu.vector_store_idx %arg5[%add3A_782], %get3A_779 : memref<3072xf32, #tpu.memory_space<vmem>>[vector<16xi32>], vector<16xf32>,
        %get3A_783 = arith.constant 13 : i32
        %get3A_784 = arith.index_cast %get3A_783 : i32 to index
        %get3A_785 = arith.constant 80 : index
        %get3A_786 = tpu.vector_load %arg4[%get3A_784, %get3A_785] {strides = array<i32>} : memref<24x128xf32, #tpu.memory_space<vmem>>, vector<16xf32>,
        %add3A_787 = arith.constant 1933 : i32
        %add3A_788 = vector.broadcast %add3A_787 : i32 to vector<16xi32>
        %add3A_789 = arith.addi %mul3A_3, %add3A_788 : vector<16xi32>
        tpu.vector_store_idx %arg5[%add3A_789], %get3A_786 : memref<3072xf32, #tpu.memory_space<vmem>>[vector<16xi32>], vector<16xf32>,
        %get3A_790 = arith.constant 13 : i32
        %get3A_791 = arith.index_cast %get3A_790 : i32 to index
        %get3A_792 = arith.constant 96 : index
        %get3A_793 = tpu.vector_load %arg4[%get3A_791, %get3A_792] {strides = array<i32>} : memref<24x128xf32, #tpu.memory_space<vmem>>, vector<16xf32>,
        %add3A_794 = arith.constant 2317 : i32
        %add3A_795 = vector.broadcast %add3A_794 : i32 to vector<16xi32>
        %add3A_796 = arith.addi %mul3A_3, %add3A_795 : vector<16xi32>
        tpu.vector_store_idx %arg5[%add3A_796], %get3A_793 : memref<3072xf32, #tpu.memory_space<vmem>>[vector<16xi32>], vector<16xf32>,
        %get3A_797 = arith.constant 13 : i32
        %get3A_798 = arith.index_cast %get3A_797 : i32 to index
        %get3A_799 = arith.constant 112 : index
        %get3A_800 = tpu.vector_load %arg4[%get3A_798, %get3A_799] {strides = array<i32>} : memref<24x128xf32, #tpu.memory_space<vmem>>, vector<16xf32>,
        %add3A_801 = arith.constant 2701 : i32
        %add3A_802 = vector.broadcast %add3A_801 : i32 to vector<16xi32>
        %add3A_803 = arith.addi %mul3A_3, %add3A_802 : vector<16xi32>
        tpu.vector_store_idx %arg5[%add3A_803], %get3A_800 : memref<3072xf32, #tpu.memory_space<vmem>>[vector<16xi32>], vector<16xf32>,
        %get3A_804 = arith.constant 14 : i32
        %get3A_805 = arith.index_cast %get3A_804 : i32 to index
        %get3A_806 = arith.constant 0 : index
        %get3A_807 = tpu.vector_load %arg4[%get3A_805, %get3A_806] {strides = array<i32>} : memref<24x128xf32, #tpu.memory_space<vmem>>, vector<16xf32>,
        %add3A_808 = arith.constant 14 : i32
        %add3A_809 = vector.broadcast %add3A_808 : i32 to vector<16xi32>
        %add3A_810 = arith.addi %mul3A_3, %add3A_809 : vector<16xi32>
        tpu.vector_store_idx %arg5[%add3A_810], %get3A_807 : memref<3072xf32, #tpu.memory_space<vmem>>[vector<16xi32>], vector<16xf32>,
        %get3A_811 = arith.constant 14 : i32
        %get3A_812 = arith.index_cast %get3A_811 : i32 to index
        %get3A_813 = arith.constant 16 : index
        %get3A_814 = tpu.vector_load %arg4[%get3A_812, %get3A_813] {strides = array<i32>} : memref<24x128xf32, #tpu.memory_space<vmem>>, vector<16xf32>,
        %add3A_815 = arith.constant 398 : i32
        %add3A_816 = vector.broadcast %add3A_815 : i32 to vector<16xi32>
        %add3A_817 = arith.addi %mul3A_3, %add3A_816 : vector<16xi32>
        tpu.vector_store_idx %arg5[%add3A_817], %get3A_814 : memref<3072xf32, #tpu.memory_space<vmem>>[vector<16xi32>], vector<16xf32>,
        %get3A_818 = arith.constant 14 : i32
        %get3A_819 = arith.index_cast %get3A_818 : i32 to index
        %get3A_820 = arith.constant 32 : index
        %get3A_821 = tpu.vector_load %arg4[%get3A_819, %get3A_820] {strides = array<i32>} : memref<24x128xf32, #tpu.memory_space<vmem>>, vector<16xf32>,
        %add3A_822 = arith.constant 782 : i32
        %add3A_823 = vector.broadcast %add3A_822 : i32 to vector<16xi32>
        %add3A_824 = arith.addi %mul3A_3, %add3A_823 : vector<16xi32>
        tpu.vector_store_idx %arg5[%add3A_824], %get3A_821 : memref<3072xf32, #tpu.memory_space<vmem>>[vector<16xi32>], vector<16xf32>,
        %get3A_825 = arith.constant 14 : i32
        %get3A_826 = arith.index_cast %get3A_825 : i32 to index
        %get3A_827 = arith.constant 48 : index
        %get3A_828 = tpu.vector_load %arg4[%get3A_826, %get3A_827] {strides = array<i32>} : memref<24x128xf32, #tpu.memory_space<vmem>>, vector<16xf32>,
        %add3A_829 = arith.constant 1166 : i32
        %add3A_830 = vector.broadcast %add3A_829 : i32 to vector<16xi32>
        %add3A_831 = arith.addi %mul3A_3, %add3A_830 : vector<16xi32>
        tpu.vector_store_idx %arg5[%add3A_831], %get3A_828 : memref<3072xf32, #tpu.memory_space<vmem>>[vector<16xi32>], vector<16xf32>,
        %get3A_832 = arith.constant 14 : i32
        %get3A_833 = arith.index_cast %get3A_832 : i32 to index
        %get3A_834 = arith.constant 64 : index
        %get3A_835 = tpu.vector_load %arg4[%get3A_833, %get3A_834] {strides = array<i32>} : memref<24x128xf32, #tpu.memory_space<vmem>>, vector<16xf32>,
        %add3A_836 = arith.constant 1550 : i32
        %add3A_837 = vector.broadcast %add3A_836 : i32 to vector<16xi32>
        %add3A_838 = arith.addi %mul3A_3, %add3A_837 : vector<16xi32>
        tpu.vector_store_idx %arg5[%add3A_838], %get3A_835 : memref<3072xf32, #tpu.memory_space<vmem>>[vector<16xi32>], vector<16xf32>,
        %get3A_839 = arith.constant 14 : i32
        %get3A_840 = arith.index_cast %get3A_839 : i32 to index
        %get3A_841 = arith.constant 80 : index
        %get3A_842 = tpu.vector_load %arg4[%get3A_840, %get3A_841] {strides = array<i32>} : memref<24x128xf32, #tpu.memory_space<vmem>>, vector<16xf32>,
        %add3A_843 = arith.constant 1934 : i32
        %add3A_844 = vector.broadcast %add3A_843 : i32 to vector<16xi32>
        %add3A_845 = arith.addi %mul3A_3, %add3A_844 : vector<16xi32>
        tpu.vector_store_idx %arg5[%add3A_845], %get3A_842 : memref<3072xf32, #tpu.memory_space<vmem>>[vector<16xi32>], vector<16xf32>,
        %get3A_846 = arith.constant 14 : i32
        %get3A_847 = arith.index_cast %get3A_846 : i32 to index
        %get3A_848 = arith.constant 96 : index
        %get3A_849 = tpu.vector_load %arg4[%get3A_847, %get3A_848] {strides = array<i32>} : memref<24x128xf32, #tpu.memory_space<vmem>>, vector<16xf32>,
        %add3A_850 = arith.constant 2318 : i32
        %add3A_851 = vector.broadcast %add3A_850 : i32 to vector<16xi32>
        %add3A_852 = arith.addi %mul3A_3, %add3A_851 : vector<16xi32>
        tpu.vector_store_idx %arg5[%add3A_852], %get3A_849 : memref<3072xf32, #tpu.memory_space<vmem>>[vector<16xi32>], vector<16xf32>,
        %get3A_853 = arith.constant 14 : i32
        %get3A_854 = arith.index_cast %get3A_853 : i32 to index
        %get3A_855 = arith.constant 112 : index
        %get3A_856 = tpu.vector_load %arg4[%get3A_854, %get3A_855] {strides = array<i32>} : memref<24x128xf32, #tpu.memory_space<vmem>>, vector<16xf32>,
        %add3A_857 = arith.constant 2702 : i32
        %add3A_858 = vector.broadcast %add3A_857 : i32 to vector<16xi32>
        %add3A_859 = arith.addi %mul3A_3, %add3A_858 : vector<16xi32>
        tpu.vector_store_idx %arg5[%add3A_859], %get3A_856 : memref<3072xf32, #tpu.memory_space<vmem>>[vector<16xi32>], vector<16xf32>,
        %get3A_860 = arith.constant 15 : i32
        %get3A_861 = arith.index_cast %get3A_860 : i32 to index
        %get3A_862 = arith.constant 0 : index
        %get3A_863 = tpu.vector_load %arg4[%get3A_861, %get3A_862] {strides = array<i32>} : memref<24x128xf32, #tpu.memory_space<vmem>>, vector<16xf32>,
        %add3A_864 = arith.constant 15 : i32
        %add3A_865 = vector.broadcast %add3A_864 : i32 to vector<16xi32>
        %add3A_866 = arith.addi %mul3A_3, %add3A_865 : vector<16xi32>
        tpu.vector_store_idx %arg5[%add3A_866], %get3A_863 : memref<3072xf32, #tpu.memory_space<vmem>>[vector<16xi32>], vector<16xf32>,
        %get3A_867 = arith.constant 15 : i32
        %get3A_868 = arith.index_cast %get3A_867 : i32 to index
        %get3A_869 = arith.constant 16 : index
        %get3A_870 = tpu.vector_load %arg4[%get3A_868, %get3A_869] {strides = array<i32>} : memref<24x128xf32, #tpu.memory_space<vmem>>, vector<16xf32>,
        %add3A_871 = arith.constant 399 : i32
        %add3A_872 = vector.broadcast %add3A_871 : i32 to vector<16xi32>
        %add3A_873 = arith.addi %mul3A_3, %add3A_872 : vector<16xi32>
        tpu.vector_store_idx %arg5[%add3A_873], %get3A_870 : memref<3072xf32, #tpu.memory_space<vmem>>[vector<16xi32>], vector<16xf32>,
        %get3A_874 = arith.constant 15 : i32
        %get3A_875 = arith.index_cast %get3A_874 : i32 to index
        %get3A_876 = arith.constant 32 : index
        %get3A_877 = tpu.vector_load %arg4[%get3A_875, %get3A_876] {strides = array<i32>} : memref<24x128xf32, #tpu.memory_space<vmem>>, vector<16xf32>,
        %add3A_878 = arith.constant 783 : i32
        %add3A_879 = vector.broadcast %add3A_878 : i32 to vector<16xi32>
        %add3A_880 = arith.addi %mul3A_3, %add3A_879 : vector<16xi32>
        tpu.vector_store_idx %arg5[%add3A_880], %get3A_877 : memref<3072xf32, #tpu.memory_space<vmem>>[vector<16xi32>], vector<16xf32>,
        %get3A_881 = arith.constant 15 : i32
        %get3A_882 = arith.index_cast %get3A_881 : i32 to index
        %get3A_883 = arith.constant 48 : index
        %get3A_884 = tpu.vector_load %arg4[%get3A_882, %get3A_883] {strides = array<i32>} : memref<24x128xf32, #tpu.memory_space<vmem>>, vector<16xf32>,
        %add3A_885 = arith.constant 1167 : i32
        %add3A_886 = vector.broadcast %add3A_885 : i32 to vector<16xi32>
        %add3A_887 = arith.addi %mul3A_3, %add3A_886 : vector<16xi32>
        tpu.vector_store_idx %arg5[%add3A_887], %get3A_884 : memref<3072xf32, #tpu.memory_space<vmem>>[vector<16xi32>], vector<16xf32>,
        %get3A_888 = arith.constant 15 : i32
        %get3A_889 = arith.index_cast %get3A_888 : i32 to index
        %get3A_890 = arith.constant 64 : index
        %get3A_891 = tpu.vector_load %arg4[%get3A_889, %get3A_890] {strides = array<i32>} : memref<24x128xf32, #tpu.memory_space<vmem>>, vector<16xf32>,
        %add3A_892 = arith.constant 1551 : i32
        %add3A_893 = vector.broadcast %add3A_892 : i32 to vector<16xi32>
        %add3A_894 = arith.addi %mul3A_3, %add3A_893 : vector<16xi32>
        tpu.vector_store_idx %arg5[%add3A_894], %get3A_891 : memref<3072xf32, #tpu.memory_space<vmem>>[vector<16xi32>], vector<16xf32>,
        %get3A_895 = arith.constant 15 : i32
        %get3A_896 = arith.index_cast %get3A_895 : i32 to index
        %get3A_897 = arith.constant 80 : index
        %get3A_898 = tpu.vector_load %arg4[%get3A_896, %get3A_897] {strides = array<i32>} : memref<24x128xf32, #tpu.memory_space<vmem>>, vector<16xf32>,
        %add3A_899 = arith.constant 1935 : i32
        %add3A_900 = vector.broadcast %add3A_899 : i32 to vector<16xi32>
        %add3A_901 = arith.addi %mul3A_3, %add3A_900 : vector<16xi32>
        tpu.vector_store_idx %arg5[%add3A_901], %get3A_898 : memref<3072xf32, #tpu.memory_space<vmem>>[vector<16xi32>], vector<16xf32>,
        %get3A_902 = arith.constant 15 : i32
        %get3A_903 = arith.index_cast %get3A_902 : i32 to index
        %get3A_904 = arith.constant 96 : index
        %get3A_905 = tpu.vector_load %arg4[%get3A_903, %get3A_904] {strides = array<i32>} : memref<24x128xf32, #tpu.memory_space<vmem>>, vector<16xf32>,
        %add3A_906 = arith.constant 2319 : i32
        %add3A_907 = vector.broadcast %add3A_906 : i32 to vector<16xi32>
        %add3A_908 = arith.addi %mul3A_3, %add3A_907 : vector<16xi32>
        tpu.vector_store_idx %arg5[%add3A_908], %get3A_905 : memref<3072xf32, #tpu.memory_space<vmem>>[vector<16xi32>], vector<16xf32>,
        %get3A_909 = arith.constant 15 : i32
        %get3A_910 = arith.index_cast %get3A_909 : i32 to index
        %get3A_911 = arith.constant 112 : index
        %get3A_912 = tpu.vector_load %arg4[%get3A_910, %get3A_911] {strides = array<i32>} : memref<24x128xf32, #tpu.memory_space<vmem>>, vector<16xf32>,
        %add3A_913 = arith.constant 2703 : i32
        %add3A_914 = vector.broadcast %add3A_913 : i32 to vector<16xi32>
        %add3A_915 = arith.addi %mul3A_3, %add3A_914 : vector<16xi32>
        tpu.vector_store_idx %arg5[%add3A_915], %get3A_912 : memref<3072xf32, #tpu.memory_space<vmem>>[vector<16xi32>], vector<16xf32>,
        %get3A_916 = arith.constant 16 : i32
        %get3A_917 = arith.index_cast %get3A_916 : i32 to index
        %get3A_918 = arith.constant 0 : index
        %get3A_919 = tpu.vector_load %arg4[%get3A_917, %get3A_918] {strides = array<i32>} : memref<24x128xf32, #tpu.memory_space<vmem>>, vector<16xf32>,
        %add3A_920 = arith.constant 16 : i32
        %add3A_921 = vector.broadcast %add3A_920 : i32 to vector<16xi32>
        %add3A_922 = arith.addi %mul3A_3, %add3A_921 : vector<16xi32>
        tpu.vector_store_idx %arg5[%add3A_922], %get3A_919 : memref<3072xf32, #tpu.memory_space<vmem>>[vector<16xi32>], vector<16xf32>,
        %get3A_923 = arith.constant 16 : i32
        %get3A_924 = arith.index_cast %get3A_923 : i32 to index
        %get3A_925 = arith.constant 16 : index
        %get3A_926 = tpu.vector_load %arg4[%get3A_924, %get3A_925] {strides = array<i32>} : memref<24x128xf32, #tpu.memory_space<vmem>>, vector<16xf32>,
        %add3A_927 = arith.constant 400 : i32
        %add3A_928 = vector.broadcast %add3A_927 : i32 to vector<16xi32>
        %add3A_929 = arith.addi %mul3A_3, %add3A_928 : vector<16xi32>
        tpu.vector_store_idx %arg5[%add3A_929], %get3A_926 : memref<3072xf32, #tpu.memory_space<vmem>>[vector<16xi32>], vector<16xf32>,
        %get3A_930 = arith.constant 16 : i32
        %get3A_931 = arith.index_cast %get3A_930 : i32 to index
        %get3A_932 = arith.constant 32 : index
        %get3A_933 = tpu.vector_load %arg4[%get3A_931, %get3A_932] {strides = array<i32>} : memref<24x128xf32, #tpu.memory_space<vmem>>, vector<16xf32>,
        %add3A_934 = arith.constant 784 : i32
        %add3A_935 = vector.broadcast %add3A_934 : i32 to vector<16xi32>
        %add3A_936 = arith.addi %mul3A_3, %add3A_935 : vector<16xi32>
        tpu.vector_store_idx %arg5[%add3A_936], %get3A_933 : memref<3072xf32, #tpu.memory_space<vmem>>[vector<16xi32>], vector<16xf32>,
        %get3A_937 = arith.constant 16 : i32
        %get3A_938 = arith.index_cast %get3A_937 : i32 to index
        %get3A_939 = arith.constant 48 : index
        %get3A_940 = tpu.vector_load %arg4[%get3A_938, %get3A_939] {strides = array<i32>} : memref<24x128xf32, #tpu.memory_space<vmem>>, vector<16xf32>,
        %add3A_941 = arith.constant 1168 : i32
        %add3A_942 = vector.broadcast %add3A_941 : i32 to vector<16xi32>
        %add3A_943 = arith.addi %mul3A_3, %add3A_942 : vector<16xi32>
        tpu.vector_store_idx %arg5[%add3A_943], %get3A_940 : memref<3072xf32, #tpu.memory_space<vmem>>[vector<16xi32>], vector<16xf32>,
        %get3A_944 = arith.constant 16 : i32
        %get3A_945 = arith.index_cast %get3A_944 : i32 to index
        %get3A_946 = arith.constant 64 : index
        %get3A_947 = tpu.vector_load %arg4[%get3A_945, %get3A_946] {strides = array<i32>} : memref<24x128xf32, #tpu.memory_space<vmem>>, vector<16xf32>,
        %add3A_948 = arith.constant 1552 : i32
        %add3A_949 = vector.broadcast %add3A_948 : i32 to vector<16xi32>
        %add3A_950 = arith.addi %mul3A_3, %add3A_949 : vector<16xi32>
        tpu.vector_store_idx %arg5[%add3A_950], %get3A_947 : memref<3072xf32, #tpu.memory_space<vmem>>[vector<16xi32>], vector<16xf32>,
        %get3A_951 = arith.constant 16 : i32
        %get3A_952 = arith.index_cast %get3A_951 : i32 to index
        %get3A_953 = arith.constant 80 : index
        %get3A_954 = tpu.vector_load %arg4[%get3A_952, %get3A_953] {strides = array<i32>} : memref<24x128xf32, #tpu.memory_space<vmem>>, vector<16xf32>,
        %add3A_955 = arith.constant 1936 : i32
        %add3A_956 = vector.broadcast %add3A_955 : i32 to vector<16xi32>
        %add3A_957 = arith.addi %mul3A_3, %add3A_956 : vector<16xi32>
        tpu.vector_store_idx %arg5[%add3A_957], %get3A_954 : memref<3072xf32, #tpu.memory_space<vmem>>[vector<16xi32>], vector<16xf32>,
        %get3A_958 = arith.constant 16 : i32
        %get3A_959 = arith.index_cast %get3A_958 : i32 to index
        %get3A_960 = arith.constant 96 : index
        %get3A_961 = tpu.vector_load %arg4[%get3A_959, %get3A_960] {strides = array<i32>} : memref<24x128xf32, #tpu.memory_space<vmem>>, vector<16xf32>,
        %add3A_962 = arith.constant 2320 : i32
        %add3A_963 = vector.broadcast %add3A_962 : i32 to vector<16xi32>
        %add3A_964 = arith.addi %mul3A_3, %add3A_963 : vector<16xi32>
        tpu.vector_store_idx %arg5[%add3A_964], %get3A_961 : memref<3072xf32, #tpu.memory_space<vmem>>[vector<16xi32>], vector<16xf32>,
        %get3A_965 = arith.constant 16 : i32
        %get3A_966 = arith.index_cast %get3A_965 : i32 to index
        %get3A_967 = arith.constant 112 : index
        %get3A_968 = tpu.vector_load %arg4[%get3A_966, %get3A_967] {strides = array<i32>} : memref<24x128xf32, #tpu.memory_space<vmem>>, vector<16xf32>,
        %add3A_969 = arith.constant 2704 : i32
        %add3A_970 = vector.broadcast %add3A_969 : i32 to vector<16xi32>
        %add3A_971 = arith.addi %mul3A_3, %add3A_970 : vector<16xi32>
        tpu.vector_store_idx %arg5[%add3A_971], %get3A_968 : memref<3072xf32, #tpu.memory_space<vmem>>[vector<16xi32>], vector<16xf32>,
        %get3A_972 = arith.constant 17 : i32
        %get3A_973 = arith.index_cast %get3A_972 : i32 to index
        %get3A_974 = arith.constant 0 : index
        %get3A_975 = tpu.vector_load %arg4[%get3A_973, %get3A_974] {strides = array<i32>} : memref<24x128xf32, #tpu.memory_space<vmem>>, vector<16xf32>,
        %add3A_976 = arith.constant 17 : i32
        %add3A_977 = vector.broadcast %add3A_976 : i32 to vector<16xi32>
        %add3A_978 = arith.addi %mul3A_3, %add3A_977 : vector<16xi32>
        tpu.vector_store_idx %arg5[%add3A_978], %get3A_975 : memref<3072xf32, #tpu.memory_space<vmem>>[vector<16xi32>], vector<16xf32>,
        %get3A_979 = arith.constant 17 : i32
        %get3A_980 = arith.index_cast %get3A_979 : i32 to index
        %get3A_981 = arith.constant 16 : index
        %get3A_982 = tpu.vector_load %arg4[%get3A_980, %get3A_981] {strides = array<i32>} : memref<24x128xf32, #tpu.memory_space<vmem>>, vector<16xf32>,
        %add3A_983 = arith.constant 401 : i32
        %add3A_984 = vector.broadcast %add3A_983 : i32 to vector<16xi32>
        %add3A_985 = arith.addi %mul3A_3, %add3A_984 : vector<16xi32>
        tpu.vector_store_idx %arg5[%add3A_985], %get3A_982 : memref<3072xf32, #tpu.memory_space<vmem>>[vector<16xi32>], vector<16xf32>,
        %get3A_986 = arith.constant 17 : i32
        %get3A_987 = arith.index_cast %get3A_986 : i32 to index
        %get3A_988 = arith.constant 32 : index
        %get3A_989 = tpu.vector_load %arg4[%get3A_987, %get3A_988] {strides = array<i32>} : memref<24x128xf32, #tpu.memory_space<vmem>>, vector<16xf32>,
        %add3A_990 = arith.constant 785 : i32
        %add3A_991 = vector.broadcast %add3A_990 : i32 to vector<16xi32>
        %add3A_992 = arith.addi %mul3A_3, %add3A_991 : vector<16xi32>
        tpu.vector_store_idx %arg5[%add3A_992], %get3A_989 : memref<3072xf32, #tpu.memory_space<vmem>>[vector<16xi32>], vector<16xf32>,
        %get3A_993 = arith.constant 17 : i32
        %get3A_994 = arith.index_cast %get3A_993 : i32 to index
        %get3A_995 = arith.constant 48 : index
        %get3A_996 = tpu.vector_load %arg4[%get3A_994, %get3A_995] {strides = array<i32>} : memref<24x128xf32, #tpu.memory_space<vmem>>, vector<16xf32>,
        %add3A_997 = arith.constant 1169 : i32
        %add3A_998 = vector.broadcast %add3A_997 : i32 to vector<16xi32>
        %add3A_999 = arith.addi %mul3A_3, %add3A_998 : vector<16xi32>
        tpu.vector_store_idx %arg5[%add3A_999], %get3A_996 : memref<3072xf32, #tpu.memory_space<vmem>>[vector<16xi32>], vector<16xf32>,
        %get3A_1000 = arith.constant 17 : i32
        %get3A_1001 = arith.index_cast %get3A_1000 : i32 to index
        %get3A_1002 = arith.constant 64 : index
        %get3A_1003 = tpu.vector_load %arg4[%get3A_1001, %get3A_1002] {strides = array<i32>} : memref<24x128xf32, #tpu.memory_space<vmem>>, vector<16xf32>,
        %add3A_1004 = arith.constant 1553 : i32
        %add3A_1005 = vector.broadcast %add3A_1004 : i32 to vector<16xi32>
        %add3A_1006 = arith.addi %mul3A_3, %add3A_1005 : vector<16xi32>
        tpu.vector_store_idx %arg5[%add3A_1006], %get3A_1003 : memref<3072xf32, #tpu.memory_space<vmem>>[vector<16xi32>], vector<16xf32>,
        %get3A_1007 = arith.constant 17 : i32
        %get3A_1008 = arith.index_cast %get3A_1007 : i32 to index
        %get3A_1009 = arith.constant 80 : index
        %get3A_1010 = tpu.vector_load %arg4[%get3A_1008, %get3A_1009] {strides = array<i32>} : memref<24x128xf32, #tpu.memory_space<vmem>>, vector<16xf32>,
        %add3A_1011 = arith.constant 1937 : i32
        %add3A_1012 = vector.broadcast %add3A_1011 : i32 to vector<16xi32>
        %add3A_1013 = arith.addi %mul3A_3, %add3A_1012 : vector<16xi32>
        tpu.vector_store_idx %arg5[%add3A_1013], %get3A_1010 : memref<3072xf32, #tpu.memory_space<vmem>>[vector<16xi32>], vector<16xf32>,
        %get3A_1014 = arith.constant 17 : i32
        %get3A_1015 = arith.index_cast %get3A_1014 : i32 to index
        %get3A_1016 = arith.constant 96 : index
        %get3A_1017 = tpu.vector_load %arg4[%get3A_1015, %get3A_1016] {strides = array<i32>} : memref<24x128xf32, #tpu.memory_space<vmem>>, vector<16xf32>,
        %add3A_1018 = arith.constant 2321 : i32
        %add3A_1019 = vector.broadcast %add3A_1018 : i32 to vector<16xi32>
        %add3A_1020 = arith.addi %mul3A_3, %add3A_1019 : vector<16xi32>
        tpu.vector_store_idx %arg5[%add3A_1020], %get3A_1017 : memref<3072xf32, #tpu.memory_space<vmem>>[vector<16xi32>], vector<16xf32>,
        %get3A_1021 = arith.constant 17 : i32
        %get3A_1022 = arith.index_cast %get3A_1021 : i32 to index
        %get3A_1023 = arith.constant 112 : index
        %get3A_1024 = tpu.vector_load %arg4[%get3A_1022, %get3A_1023] {strides = array<i32>} : memref<24x128xf32, #tpu.memory_space<vmem>>, vector<16xf32>,
        %add3A_1025 = arith.constant 2705 : i32
        %add3A_1026 = vector.broadcast %add3A_1025 : i32 to vector<16xi32>
        %add3A_1027 = arith.addi %mul3A_3, %add3A_1026 : vector<16xi32>
        tpu.vector_store_idx %arg5[%add3A_1027], %get3A_1024 : memref<3072xf32, #tpu.memory_space<vmem>>[vector<16xi32>], vector<16xf32>,
        %get3A_1028 = arith.constant 18 : i32
        %get3A_1029 = arith.index_cast %get3A_1028 : i32 to index
        %get3A_1030 = arith.constant 0 : index
        %get3A_1031 = tpu.vector_load %arg4[%get3A_1029, %get3A_1030] {strides = array<i32>} : memref<24x128xf32, #tpu.memory_space<vmem>>, vector<16xf32>,
        %add3A_1032 = arith.constant 18 : i32
        %add3A_1033 = vector.broadcast %add3A_1032 : i32 to vector<16xi32>
        %add3A_1034 = arith.addi %mul3A_3, %add3A_1033 : vector<16xi32>
        tpu.vector_store_idx %arg5[%add3A_1034], %get3A_1031 : memref<3072xf32, #tpu.memory_space<vmem>>[vector<16xi32>], vector<16xf32>,
        %get3A_1035 = arith.constant 18 : i32
        %get3A_1036 = arith.index_cast %get3A_1035 : i32 to index
        %get3A_1037 = arith.constant 16 : index
        %get3A_1038 = tpu.vector_load %arg4[%get3A_1036, %get3A_1037] {strides = array<i32>} : memref<24x128xf32, #tpu.memory_space<vmem>>, vector<16xf32>,
        %add3A_1039 = arith.constant 402 : i32
        %add3A_1040 = vector.broadcast %add3A_1039 : i32 to vector<16xi32>
        %add3A_1041 = arith.addi %mul3A_3, %add3A_1040 : vector<16xi32>
        tpu.vector_store_idx %arg5[%add3A_1041], %get3A_1038 : memref<3072xf32, #tpu.memory_space<vmem>>[vector<16xi32>], vector<16xf32>,
        %get3A_1042 = arith.constant 18 : i32
        %get3A_1043 = arith.index_cast %get3A_1042 : i32 to index
        %get3A_1044 = arith.constant 32 : index
        %get3A_1045 = tpu.vector_load %arg4[%get3A_1043, %get3A_1044] {strides = array<i32>} : memref<24x128xf32, #tpu.memory_space<vmem>>, vector<16xf32>,
        %add3A_1046 = arith.constant 786 : i32
        %add3A_1047 = vector.broadcast %add3A_1046 : i32 to vector<16xi32>
        %add3A_1048 = arith.addi %mul3A_3, %add3A_1047 : vector<16xi32>
        tpu.vector_store_idx %arg5[%add3A_1048], %get3A_1045 : memref<3072xf32, #tpu.memory_space<vmem>>[vector<16xi32>], vector<16xf32>,
        %get3A_1049 = arith.constant 18 : i32
        %get3A_1050 = arith.index_cast %get3A_1049 : i32 to index
        %get3A_1051 = arith.constant 48 : index
        %get3A_1052 = tpu.vector_load %arg4[%get3A_1050, %get3A_1051] {strides = array<i32>} : memref<24x128xf32, #tpu.memory_space<vmem>>, vector<16xf32>,
        %add3A_1053 = arith.constant 1170 : i32
        %add3A_1054 = vector.broadcast %add3A_1053 : i32 to vector<16xi32>
        %add3A_1055 = arith.addi %mul3A_3, %add3A_1054 : vector<16xi32>
        tpu.vector_store_idx %arg5[%add3A_1055], %get3A_1052 : memref<3072xf32, #tpu.memory_space<vmem>>[vector<16xi32>], vector<16xf32>,
        %get3A_1056 = arith.constant 18 : i32
        %get3A_1057 = arith.index_cast %get3A_1056 : i32 to index
        %get3A_1058 = arith.constant 64 : index
        %get3A_1059 = tpu.vector_load %arg4[%get3A_1057, %get3A_1058] {strides = array<i32>} : memref<24x128xf32, #tpu.memory_space<vmem>>, vector<16xf32>,
        %add3A_1060 = arith.constant 1554 : i32
        %add3A_1061 = vector.broadcast %add3A_1060 : i32 to vector<16xi32>
        %add3A_1062 = arith.addi %mul3A_3, %add3A_1061 : vector<16xi32>
        tpu.vector_store_idx %arg5[%add3A_1062], %get3A_1059 : memref<3072xf32, #tpu.memory_space<vmem>>[vector<16xi32>], vector<16xf32>,
        %get3A_1063 = arith.constant 18 : i32
        %get3A_1064 = arith.index_cast %get3A_1063 : i32 to index
        %get3A_1065 = arith.constant 80 : index
        %get3A_1066 = tpu.vector_load %arg4[%get3A_1064, %get3A_1065] {strides = array<i32>} : memref<24x128xf32, #tpu.memory_space<vmem>>, vector<16xf32>,
        %add3A_1067 = arith.constant 1938 : i32
        %add3A_1068 = vector.broadcast %add3A_1067 : i32 to vector<16xi32>
        %add3A_1069 = arith.addi %mul3A_3, %add3A_1068 : vector<16xi32>
        tpu.vector_store_idx %arg5[%add3A_1069], %get3A_1066 : memref<3072xf32, #tpu.memory_space<vmem>>[vector<16xi32>], vector<16xf32>,
        %get3A_1070 = arith.constant 18 : i32
        %get3A_1071 = arith.index_cast %get3A_1070 : i32 to index
        %get3A_1072 = arith.constant 96 : index
        %get3A_1073 = tpu.vector_load %arg4[%get3A_1071, %get3A_1072] {strides = array<i32>} : memref<24x128xf32, #tpu.memory_space<vmem>>, vector<16xf32>,
        %add3A_1074 = arith.constant 2322 : i32
        %add3A_1075 = vector.broadcast %add3A_1074 : i32 to vector<16xi32>
        %add3A_1076 = arith.addi %mul3A_3, %add3A_1075 : vector<16xi32>
        tpu.vector_store_idx %arg5[%add3A_1076], %get3A_1073 : memref<3072xf32, #tpu.memory_space<vmem>>[vector<16xi32>], vector<16xf32>,
        %get3A_1077 = arith.constant 18 : i32
        %get3A_1078 = arith.index_cast %get3A_1077 : i32 to index
        %get3A_1079 = arith.constant 112 : index
        %get3A_1080 = tpu.vector_load %arg4[%get3A_1078, %get3A_1079] {strides = array<i32>} : memref<24x128xf32, #tpu.memory_space<vmem>>, vector<16xf32>,
        %add3A_1081 = arith.constant 2706 : i32
        %add3A_1082 = vector.broadcast %add3A_1081 : i32 to vector<16xi32>
        %add3A_1083 = arith.addi %mul3A_3, %add3A_1082 : vector<16xi32>
        tpu.vector_store_idx %arg5[%add3A_1083], %get3A_1080 : memref<3072xf32, #tpu.memory_space<vmem>>[vector<16xi32>], vector<16xf32>,
        %get3A_1084 = arith.constant 19 : i32
        %get3A_1085 = arith.index_cast %get3A_1084 : i32 to index
        %get3A_1086 = arith.constant 0 : index
        %get3A_1087 = tpu.vector_load %arg4[%get3A_1085, %get3A_1086] {strides = array<i32>} : memref<24x128xf32, #tpu.memory_space<vmem>>, vector<16xf32>,
        %add3A_1088 = arith.constant 19 : i32
        %add3A_1089 = vector.broadcast %add3A_1088 : i32 to vector<16xi32>
        %add3A_1090 = arith.addi %mul3A_3, %add3A_1089 : vector<16xi32>
        tpu.vector_store_idx %arg5[%add3A_1090], %get3A_1087 : memref<3072xf32, #tpu.memory_space<vmem>>[vector<16xi32>], vector<16xf32>,
        %get3A_1091 = arith.constant 19 : i32
        %get3A_1092 = arith.index_cast %get3A_1091 : i32 to index
        %get3A_1093 = arith.constant 16 : index
        %get3A_1094 = tpu.vector_load %arg4[%get3A_1092, %get3A_1093] {strides = array<i32>} : memref<24x128xf32, #tpu.memory_space<vmem>>, vector<16xf32>,
        %add3A_1095 = arith.constant 403 : i32
        %add3A_1096 = vector.broadcast %add3A_1095 : i32 to vector<16xi32>
        %add3A_1097 = arith.addi %mul3A_3, %add3A_1096 : vector<16xi32>
        tpu.vector_store_idx %arg5[%add3A_1097], %get3A_1094 : memref<3072xf32, #tpu.memory_space<vmem>>[vector<16xi32>], vector<16xf32>,
        %get3A_1098 = arith.constant 19 : i32
        %get3A_1099 = arith.index_cast %get3A_1098 : i32 to index
        %get3A_1100 = arith.constant 32 : index
        %get3A_1101 = tpu.vector_load %arg4[%get3A_1099, %get3A_1100] {strides = array<i32>} : memref<24x128xf32, #tpu.memory_space<vmem>>, vector<16xf32>,
        %add3A_1102 = arith.constant 787 : i32
        %add3A_1103 = vector.broadcast %add3A_1102 : i32 to vector<16xi32>
        %add3A_1104 = arith.addi %mul3A_3, %add3A_1103 : vector<16xi32>
        tpu.vector_store_idx %arg5[%add3A_1104], %get3A_1101 : memref<3072xf32, #tpu.memory_space<vmem>>[vector<16xi32>], vector<16xf32>,
        %get3A_1105 = arith.constant 19 : i32
        %get3A_1106 = arith.index_cast %get3A_1105 : i32 to index
        %get3A_1107 = arith.constant 48 : index
        %get3A_1108 = tpu.vector_load %arg4[%get3A_1106, %get3A_1107] {strides = array<i32>} : memref<24x128xf32, #tpu.memory_space<vmem>>, vector<16xf32>,
        %add3A_1109 = arith.constant 1171 : i32
        %add3A_1110 = vector.broadcast %add3A_1109 : i32 to vector<16xi32>
        %add3A_1111 = arith.addi %mul3A_3, %add3A_1110 : vector<16xi32>
        tpu.vector_store_idx %arg5[%add3A_1111], %get3A_1108 : memref<3072xf32, #tpu.memory_space<vmem>>[vector<16xi32>], vector<16xf32>,
        %get3A_1112 = arith.constant 19 : i32
        %get3A_1113 = arith.index_cast %get3A_1112 : i32 to index
        %get3A_1114 = arith.constant 64 : index
        %get3A_1115 = tpu.vector_load %arg4[%get3A_1113, %get3A_1114] {strides = array<i32>} : memref<24x128xf32, #tpu.memory_space<vmem>>, vector<16xf32>,
        %add3A_1116 = arith.constant 1555 : i32
        %add3A_1117 = vector.broadcast %add3A_1116 : i32 to vector<16xi32>
        %add3A_1118 = arith.addi %mul3A_3, %add3A_1117 : vector<16xi32>
        tpu.vector_store_idx %arg5[%add3A_1118], %get3A_1115 : memref<3072xf32, #tpu.memory_space<vmem>>[vector<16xi32>], vector<16xf32>,
        %get3A_1119 = arith.constant 19 : i32
        %get3A_1120 = arith.index_cast %get3A_1119 : i32 to index
        %get3A_1121 = arith.constant 80 : index
        %get3A_1122 = tpu.vector_load %arg4[%get3A_1120, %get3A_1121] {strides = array<i32>} : memref<24x128xf32, #tpu.memory_space<vmem>>, vector<16xf32>,
        %add3A_1123 = arith.constant 1939 : i32
        %add3A_1124 = vector.broadcast %add3A_1123 : i32 to vector<16xi32>
        %add3A_1125 = arith.addi %mul3A_3, %add3A_1124 : vector<16xi32>
        tpu.vector_store_idx %arg5[%add3A_1125], %get3A_1122 : memref<3072xf32, #tpu.memory_space<vmem>>[vector<16xi32>], vector<16xf32>,
        %get3A_1126 = arith.constant 19 : i32
        %get3A_1127 = arith.index_cast %get3A_1126 : i32 to index
        %get3A_1128 = arith.constant 96 : index
        %get3A_1129 = tpu.vector_load %arg4[%get3A_1127, %get3A_1128] {strides = array<i32>} : memref<24x128xf32, #tpu.memory_space<vmem>>, vector<16xf32>,
        %add3A_1130 = arith.constant 2323 : i32
        %add3A_1131 = vector.broadcast %add3A_1130 : i32 to vector<16xi32>
        %add3A_1132 = arith.addi %mul3A_3, %add3A_1131 : vector<16xi32>
        tpu.vector_store_idx %arg5[%add3A_1132], %get3A_1129 : memref<3072xf32, #tpu.memory_space<vmem>>[vector<16xi32>], vector<16xf32>,
        %get3A_1133 = arith.constant 19 : i32
        %get3A_1134 = arith.index_cast %get3A_1133 : i32 to index
        %get3A_1135 = arith.constant 112 : index
        %get3A_1136 = tpu.vector_load %arg4[%get3A_1134, %get3A_1135] {strides = array<i32>} : memref<24x128xf32, #tpu.memory_space<vmem>>, vector<16xf32>,
        %add3A_1137 = arith.constant 2707 : i32
        %add3A_1138 = vector.broadcast %add3A_1137 : i32 to vector<16xi32>
        %add3A_1139 = arith.addi %mul3A_3, %add3A_1138 : vector<16xi32>
        tpu.vector_store_idx %arg5[%add3A_1139], %get3A_1136 : memref<3072xf32, #tpu.memory_space<vmem>>[vector<16xi32>], vector<16xf32>,
        %get3A_1140 = arith.constant 20 : i32
        %get3A_1141 = arith.index_cast %get3A_1140 : i32 to index
        %get3A_1142 = arith.constant 0 : index
        %get3A_1143 = tpu.vector_load %arg4[%get3A_1141, %get3A_1142] {strides = array<i32>} : memref<24x128xf32, #tpu.memory_space<vmem>>, vector<16xf32>,
        %add3A_1144 = arith.constant 20 : i32
        %add3A_1145 = vector.broadcast %add3A_1144 : i32 to vector<16xi32>
        %add3A_1146 = arith.addi %mul3A_3, %add3A_1145 : vector<16xi32>
        tpu.vector_store_idx %arg5[%add3A_1146], %get3A_1143 : memref<3072xf32, #tpu.memory_space<vmem>>[vector<16xi32>], vector<16xf32>,
        %get3A_1147 = arith.constant 20 : i32
        %get3A_1148 = arith.index_cast %get3A_1147 : i32 to index
        %get3A_1149 = arith.constant 16 : index
        %get3A_1150 = tpu.vector_load %arg4[%get3A_1148, %get3A_1149] {strides = array<i32>} : memref<24x128xf32, #tpu.memory_space<vmem>>, vector<16xf32>,
        %add3A_1151 = arith.constant 404 : i32
        %add3A_1152 = vector.broadcast %add3A_1151 : i32 to vector<16xi32>
        %add3A_1153 = arith.addi %mul3A_3, %add3A_1152 : vector<16xi32>
        tpu.vector_store_idx %arg5[%add3A_1153], %get3A_1150 : memref<3072xf32, #tpu.memory_space<vmem>>[vector<16xi32>], vector<16xf32>,
        %get3A_1154 = arith.constant 20 : i32
        %get3A_1155 = arith.index_cast %get3A_1154 : i32 to index
        %get3A_1156 = arith.constant 32 : index
        %get3A_1157 = tpu.vector_load %arg4[%get3A_1155, %get3A_1156] {strides = array<i32>} : memref<24x128xf32, #tpu.memory_space<vmem>>, vector<16xf32>,
        %add3A_1158 = arith.constant 788 : i32
        %add3A_1159 = vector.broadcast %add3A_1158 : i32 to vector<16xi32>
        %add3A_1160 = arith.addi %mul3A_3, %add3A_1159 : vector<16xi32>
        tpu.vector_store_idx %arg5[%add3A_1160], %get3A_1157 : memref<3072xf32, #tpu.memory_space<vmem>>[vector<16xi32>], vector<16xf32>,
        %get3A_1161 = arith.constant 20 : i32
        %get3A_1162 = arith.index_cast %get3A_1161 : i32 to index
        %get3A_1163 = arith.constant 48 : index
        %get3A_1164 = tpu.vector_load %arg4[%get3A_1162, %get3A_1163] {strides = array<i32>} : memref<24x128xf32, #tpu.memory_space<vmem>>, vector<16xf32>,
        %add3A_1165 = arith.constant 1172 : i32
        %add3A_1166 = vector.broadcast %add3A_1165 : i32 to vector<16xi32>
        %add3A_1167 = arith.addi %mul3A_3, %add3A_1166 : vector<16xi32>
        tpu.vector_store_idx %arg5[%add3A_1167], %get3A_1164 : memref<3072xf32, #tpu.memory_space<vmem>>[vector<16xi32>], vector<16xf32>,
        %get3A_1168 = arith.constant 20 : i32
        %get3A_1169 = arith.index_cast %get3A_1168 : i32 to index
        %get3A_1170 = arith.constant 64 : index
        %get3A_1171 = tpu.vector_load %arg4[%get3A_1169, %get3A_1170] {strides = array<i32>} : memref<24x128xf32, #tpu.memory_space<vmem>>, vector<16xf32>,
        %add3A_1172 = arith.constant 1556 : i32
        %add3A_1173 = vector.broadcast %add3A_1172 : i32 to vector<16xi32>
        %add3A_1174 = arith.addi %mul3A_3, %add3A_1173 : vector<16xi32>
        tpu.vector_store_idx %arg5[%add3A_1174], %get3A_1171 : memref<3072xf32, #tpu.memory_space<vmem>>[vector<16xi32>], vector<16xf32>,
        %get3A_1175 = arith.constant 20 : i32
        %get3A_1176 = arith.index_cast %get3A_1175 : i32 to index
        %get3A_1177 = arith.constant 80 : index
        %get3A_1178 = tpu.vector_load %arg4[%get3A_1176, %get3A_1177] {strides = array<i32>} : memref<24x128xf32, #tpu.memory_space<vmem>>, vector<16xf32>,
        %add3A_1179 = arith.constant 1940 : i32
        %add3A_1180 = vector.broadcast %add3A_1179 : i32 to vector<16xi32>
        %add3A_1181 = arith.addi %mul3A_3, %add3A_1180 : vector<16xi32>
        tpu.vector_store_idx %arg5[%add3A_1181], %get3A_1178 : memref<3072xf32, #tpu.memory_space<vmem>>[vector<16xi32>], vector<16xf32>,
        %get3A_1182 = arith.constant 20 : i32
        %get3A_1183 = arith.index_cast %get3A_1182 : i32 to index
        %get3A_1184 = arith.constant 96 : index
        %get3A_1185 = tpu.vector_load %arg4[%get3A_1183, %get3A_1184] {strides = array<i32>} : memref<24x128xf32, #tpu.memory_space<vmem>>, vector<16xf32>,
        %add3A_1186 = arith.constant 2324 : i32
        %add3A_1187 = vector.broadcast %add3A_1186 : i32 to vector<16xi32>
        %add3A_1188 = arith.addi %mul3A_3, %add3A_1187 : vector<16xi32>
        tpu.vector_store_idx %arg5[%add3A_1188], %get3A_1185 : memref<3072xf32, #tpu.memory_space<vmem>>[vector<16xi32>], vector<16xf32>,
        %get3A_1189 = arith.constant 20 : i32
        %get3A_1190 = arith.index_cast %get3A_1189 : i32 to index
        %get3A_1191 = arith.constant 112 : index
        %get3A_1192 = tpu.vector_load %arg4[%get3A_1190, %get3A_1191] {strides = array<i32>} : memref<24x128xf32, #tpu.memory_space<vmem>>, vector<16xf32>,
        %add3A_1193 = arith.constant 2708 : i32
        %add3A_1194 = vector.broadcast %add3A_1193 : i32 to vector<16xi32>
        %add3A_1195 = arith.addi %mul3A_3, %add3A_1194 : vector<16xi32>
        tpu.vector_store_idx %arg5[%add3A_1195], %get3A_1192 : memref<3072xf32, #tpu.memory_space<vmem>>[vector<16xi32>], vector<16xf32>,
        %get3A_1196 = arith.constant 21 : i32
        %get3A_1197 = arith.index_cast %get3A_1196 : i32 to index
        %get3A_1198 = arith.constant 0 : index
        %get3A_1199 = tpu.vector_load %arg4[%get3A_1197, %get3A_1198] {strides = array<i32>} : memref<24x128xf32, #tpu.memory_space<vmem>>, vector<16xf32>,
        %add3A_1200 = arith.constant 21 : i32
        %add3A_1201 = vector.broadcast %add3A_1200 : i32 to vector<16xi32>
        %add3A_1202 = arith.addi %mul3A_3, %add3A_1201 : vector<16xi32>
        tpu.vector_store_idx %arg5[%add3A_1202], %get3A_1199 : memref<3072xf32, #tpu.memory_space<vmem>>[vector<16xi32>], vector<16xf32>,
        %get3A_1203 = arith.constant 21 : i32
        %get3A_1204 = arith.index_cast %get3A_1203 : i32 to index
        %get3A_1205 = arith.constant 16 : index
        %get3A_1206 = tpu.vector_load %arg4[%get3A_1204, %get3A_1205] {strides = array<i32>} : memref<24x128xf32, #tpu.memory_space<vmem>>, vector<16xf32>,
        %add3A_1207 = arith.constant 405 : i32
        %add3A_1208 = vector.broadcast %add3A_1207 : i32 to vector<16xi32>
        %add3A_1209 = arith.addi %mul3A_3, %add3A_1208 : vector<16xi32>
        tpu.vector_store_idx %arg5[%add3A_1209], %get3A_1206 : memref<3072xf32, #tpu.memory_space<vmem>>[vector<16xi32>], vector<16xf32>,
        %get3A_1210 = arith.constant 21 : i32
        %get3A_1211 = arith.index_cast %get3A_1210 : i32 to index
        %get3A_1212 = arith.constant 32 : index
        %get3A_1213 = tpu.vector_load %arg4[%get3A_1211, %get3A_1212] {strides = array<i32>} : memref<24x128xf32, #tpu.memory_space<vmem>>, vector<16xf32>,
        %add3A_1214 = arith.constant 789 : i32
        %add3A_1215 = vector.broadcast %add3A_1214 : i32 to vector<16xi32>
        %add3A_1216 = arith.addi %mul3A_3, %add3A_1215 : vector<16xi32>
        tpu.vector_store_idx %arg5[%add3A_1216], %get3A_1213 : memref<3072xf32, #tpu.memory_space<vmem>>[vector<16xi32>], vector<16xf32>,
        %get3A_1217 = arith.constant 21 : i32
        %get3A_1218 = arith.index_cast %get3A_1217 : i32 to index
        %get3A_1219 = arith.constant 48 : index
        %get3A_1220 = tpu.vector_load %arg4[%get3A_1218, %get3A_1219] {strides = array<i32>} : memref<24x128xf32, #tpu.memory_space<vmem>>, vector<16xf32>,
        %add3A_1221 = arith.constant 1173 : i32
        %add3A_1222 = vector.broadcast %add3A_1221 : i32 to vector<16xi32>
        %add3A_1223 = arith.addi %mul3A_3, %add3A_1222 : vector<16xi32>
        tpu.vector_store_idx %arg5[%add3A_1223], %get3A_1220 : memref<3072xf32, #tpu.memory_space<vmem>>[vector<16xi32>], vector<16xf32>,
        %get3A_1224 = arith.constant 21 : i32
        %get3A_1225 = arith.index_cast %get3A_1224 : i32 to index
        %get3A_1226 = arith.constant 64 : index
        %get3A_1227 = tpu.vector_load %arg4[%get3A_1225, %get3A_1226] {strides = array<i32>} : memref<24x128xf32, #tpu.memory_space<vmem>>, vector<16xf32>,
        %add3A_1228 = arith.constant 1557 : i32
        %add3A_1229 = vector.broadcast %add3A_1228 : i32 to vector<16xi32>
        %add3A_1230 = arith.addi %mul3A_3, %add3A_1229 : vector<16xi32>
        tpu.vector_store_idx %arg5[%add3A_1230], %get3A_1227 : memref<3072xf32, #tpu.memory_space<vmem>>[vector<16xi32>], vector<16xf32>,
        %get3A_1231 = arith.constant 21 : i32
        %get3A_1232 = arith.index_cast %get3A_1231 : i32 to index
        %get3A_1233 = arith.constant 80 : index
        %get3A_1234 = tpu.vector_load %arg4[%get3A_1232, %get3A_1233] {strides = array<i32>} : memref<24x128xf32, #tpu.memory_space<vmem>>, vector<16xf32>,
        %add3A_1235 = arith.constant 1941 : i32
        %add3A_1236 = vector.broadcast %add3A_1235 : i32 to vector<16xi32>
        %add3A_1237 = arith.addi %mul3A_3, %add3A_1236 : vector<16xi32>
        tpu.vector_store_idx %arg5[%add3A_1237], %get3A_1234 : memref<3072xf32, #tpu.memory_space<vmem>>[vector<16xi32>], vector<16xf32>,
        %get3A_1238 = arith.constant 21 : i32
        %get3A_1239 = arith.index_cast %get3A_1238 : i32 to index
        %get3A_1240 = arith.constant 96 : index
        %get3A_1241 = tpu.vector_load %arg4[%get3A_1239, %get3A_1240] {strides = array<i32>} : memref<24x128xf32, #tpu.memory_space<vmem>>, vector<16xf32>,
        %add3A_1242 = arith.constant 2325 : i32
        %add3A_1243 = vector.broadcast %add3A_1242 : i32 to vector<16xi32>
        %add3A_1244 = arith.addi %mul3A_3, %add3A_1243 : vector<16xi32>
        tpu.vector_store_idx %arg5[%add3A_1244], %get3A_1241 : memref<3072xf32, #tpu.memory_space<vmem>>[vector<16xi32>], vector<16xf32>,
        %get3A_1245 = arith.constant 21 : i32
        %get3A_1246 = arith.index_cast %get3A_1245 : i32 to index
        %get3A_1247 = arith.constant 112 : index
        %get3A_1248 = tpu.vector_load %arg4[%get3A_1246, %get3A_1247] {strides = array<i32>} : memref<24x128xf32, #tpu.memory_space<vmem>>, vector<16xf32>,
        %add3A_1249 = arith.constant 2709 : i32
        %add3A_1250 = vector.broadcast %add3A_1249 : i32 to vector<16xi32>
        %add3A_1251 = arith.addi %mul3A_3, %add3A_1250 : vector<16xi32>
        tpu.vector_store_idx %arg5[%add3A_1251], %get3A_1248 : memref<3072xf32, #tpu.memory_space<vmem>>[vector<16xi32>], vector<16xf32>,
        %get3A_1252 = arith.constant 22 : i32
        %get3A_1253 = arith.index_cast %get3A_1252 : i32 to index
        %get3A_1254 = arith.constant 0 : index
        %get3A_1255 = tpu.vector_load %arg4[%get3A_1253, %get3A_1254] {strides = array<i32>} : memref<24x128xf32, #tpu.memory_space<vmem>>, vector<16xf32>,
        %add3A_1256 = arith.constant 22 : i32
        %add3A_1257 = vector.broadcast %add3A_1256 : i32 to vector<16xi32>
        %add3A_1258 = arith.addi %mul3A_3, %add3A_1257 : vector<16xi32>
        tpu.vector_store_idx %arg5[%add3A_1258], %get3A_1255 : memref<3072xf32, #tpu.memory_space<vmem>>[vector<16xi32>], vector<16xf32>,
        %get3A_1259 = arith.constant 22 : i32
        %get3A_1260 = arith.index_cast %get3A_1259 : i32 to index
        %get3A_1261 = arith.constant 16 : index
        %get3A_1262 = tpu.vector_load %arg4[%get3A_1260, %get3A_1261] {strides = array<i32>} : memref<24x128xf32, #tpu.memory_space<vmem>>, vector<16xf32>,
        %add3A_1263 = arith.constant 406 : i32
        %add3A_1264 = vector.broadcast %add3A_1263 : i32 to vector<16xi32>
        %add3A_1265 = arith.addi %mul3A_3, %add3A_1264 : vector<16xi32>
        tpu.vector_store_idx %arg5[%add3A_1265], %get3A_1262 : memref<3072xf32, #tpu.memory_space<vmem>>[vector<16xi32>], vector<16xf32>,
        %get3A_1266 = arith.constant 22 : i32
        %get3A_1267 = arith.index_cast %get3A_1266 : i32 to index
        %get3A_1268 = arith.constant 32 : index
        %get3A_1269 = tpu.vector_load %arg4[%get3A_1267, %get3A_1268] {strides = array<i32>} : memref<24x128xf32, #tpu.memory_space<vmem>>, vector<16xf32>,
        %add3A_1270 = arith.constant 790 : i32
        %add3A_1271 = vector.broadcast %add3A_1270 : i32 to vector<16xi32>
        %add3A_1272 = arith.addi %mul3A_3, %add3A_1271 : vector<16xi32>
        tpu.vector_store_idx %arg5[%add3A_1272], %get3A_1269 : memref<3072xf32, #tpu.memory_space<vmem>>[vector<16xi32>], vector<16xf32>,
        %get3A_1273 = arith.constant 22 : i32
        %get3A_1274 = arith.index_cast %get3A_1273 : i32 to index
        %get3A_1275 = arith.constant 48 : index
        %get3A_1276 = tpu.vector_load %arg4[%get3A_1274, %get3A_1275] {strides = array<i32>} : memref<24x128xf32, #tpu.memory_space<vmem>>, vector<16xf32>,
        %add3A_1277 = arith.constant 1174 : i32
        %add3A_1278 = vector.broadcast %add3A_1277 : i32 to vector<16xi32>
        %add3A_1279 = arith.addi %mul3A_3, %add3A_1278 : vector<16xi32>
        tpu.vector_store_idx %arg5[%add3A_1279], %get3A_1276 : memref<3072xf32, #tpu.memory_space<vmem>>[vector<16xi32>], vector<16xf32>,
        %get3A_1280 = arith.constant 22 : i32
        %get3A_1281 = arith.index_cast %get3A_1280 : i32 to index
        %get3A_1282 = arith.constant 64 : index
        %get3A_1283 = tpu.vector_load %arg4[%get3A_1281, %get3A_1282] {strides = array<i32>} : memref<24x128xf32, #tpu.memory_space<vmem>>, vector<16xf32>,
        %add3A_1284 = arith.constant 1558 : i32
        %add3A_1285 = vector.broadcast %add3A_1284 : i32 to vector<16xi32>
        %add3A_1286 = arith.addi %mul3A_3, %add3A_1285 : vector<16xi32>
        tpu.vector_store_idx %arg5[%add3A_1286], %get3A_1283 : memref<3072xf32, #tpu.memory_space<vmem>>[vector<16xi32>], vector<16xf32>,
        %get3A_1287 = arith.constant 22 : i32
        %get3A_1288 = arith.index_cast %get3A_1287 : i32 to index
        %get3A_1289 = arith.constant 80 : index
        %get3A_1290 = tpu.vector_load %arg4[%get3A_1288, %get3A_1289] {strides = array<i32>} : memref<24x128xf32, #tpu.memory_space<vmem>>, vector<16xf32>,
        %add3A_1291 = arith.constant 1942 : i32
        %add3A_1292 = vector.broadcast %add3A_1291 : i32 to vector<16xi32>
        %add3A_1293 = arith.addi %mul3A_3, %add3A_1292 : vector<16xi32>
        tpu.vector_store_idx %arg5[%add3A_1293], %get3A_1290 : memref<3072xf32, #tpu.memory_space<vmem>>[vector<16xi32>], vector<16xf32>,
        %get3A_1294 = arith.constant 22 : i32
        %get3A_1295 = arith.index_cast %get3A_1294 : i32 to index
        %get3A_1296 = arith.constant 96 : index
        %get3A_1297 = tpu.vector_load %arg4[%get3A_1295, %get3A_1296] {strides = array<i32>} : memref<24x128xf32, #tpu.memory_space<vmem>>, vector<16xf32>,
        %add3A_1298 = arith.constant 2326 : i32
        %add3A_1299 = vector.broadcast %add3A_1298 : i32 to vector<16xi32>
        %add3A_1300 = arith.addi %mul3A_3, %add3A_1299 : vector<16xi32>
        tpu.vector_store_idx %arg5[%add3A_1300], %get3A_1297 : memref<3072xf32, #tpu.memory_space<vmem>>[vector<16xi32>], vector<16xf32>,
        %get3A_1301 = arith.constant 22 : i32
        %get3A_1302 = arith.index_cast %get3A_1301 : i32 to index
        %get3A_1303 = arith.constant 112 : index
        %get3A_1304 = tpu.vector_load %arg4[%get3A_1302, %get3A_1303] {strides = array<i32>} : memref<24x128xf32, #tpu.memory_space<vmem>>, vector<16xf32>,
        %add3A_1305 = arith.constant 2710 : i32
        %add3A_1306 = vector.broadcast %add3A_1305 : i32 to vector<16xi32>
        %add3A_1307 = arith.addi %mul3A_3, %add3A_1306 : vector<16xi32>
        tpu.vector_store_idx %arg5[%add3A_1307], %get3A_1304 : memref<3072xf32, #tpu.memory_space<vmem>>[vector<16xi32>], vector<16xf32>,
        %get3A_1308 = arith.constant 23 : i32
        %get3A_1309 = arith.index_cast %get3A_1308 : i32 to index
        %get3A_1310 = arith.constant 0 : index
        %get3A_1311 = tpu.vector_load %arg4[%get3A_1309, %get3A_1310] {strides = array<i32>} : memref<24x128xf32, #tpu.memory_space<vmem>>, vector<16xf32>,
        %add3A_1312 = arith.constant 23 : i32
        %add3A_1313 = vector.broadcast %add3A_1312 : i32 to vector<16xi32>
        %add3A_1314 = arith.addi %mul3A_3, %add3A_1313 : vector<16xi32>
        tpu.vector_store_idx %arg5[%add3A_1314], %get3A_1311 : memref<3072xf32, #tpu.memory_space<vmem>>[vector<16xi32>], vector<16xf32>,
        %get3A_1315 = arith.constant 23 : i32
        %get3A_1316 = arith.index_cast %get3A_1315 : i32 to index
        %get3A_1317 = arith.constant 16 : index
        %get3A_1318 = tpu.vector_load %arg4[%get3A_1316, %get3A_1317] {strides = array<i32>} : memref<24x128xf32, #tpu.memory_space<vmem>>, vector<16xf32>,
        %add3A_1319 = arith.constant 407 : i32
        %add3A_1320 = vector.broadcast %add3A_1319 : i32 to vector<16xi32>
        %add3A_1321 = arith.addi %mul3A_3, %add3A_1320 : vector<16xi32>
        tpu.vector_store_idx %arg5[%add3A_1321], %get3A_1318 : memref<3072xf32, #tpu.memory_space<vmem>>[vector<16xi32>], vector<16xf32>,
        %get3A_1322 = arith.constant 23 : i32
        %get3A_1323 = arith.index_cast %get3A_1322 : i32 to index
        %get3A_1324 = arith.constant 32 : index
        %get3A_1325 = tpu.vector_load %arg4[%get3A_1323, %get3A_1324] {strides = array<i32>} : memref<24x128xf32, #tpu.memory_space<vmem>>, vector<16xf32>,
        %add3A_1326 = arith.constant 791 : i32
        %add3A_1327 = vector.broadcast %add3A_1326 : i32 to vector<16xi32>
        %add3A_1328 = arith.addi %mul3A_3, %add3A_1327 : vector<16xi32>
        tpu.vector_store_idx %arg5[%add3A_1328], %get3A_1325 : memref<3072xf32, #tpu.memory_space<vmem>>[vector<16xi32>], vector<16xf32>,
        %get3A_1329 = arith.constant 23 : i32
        %get3A_1330 = arith.index_cast %get3A_1329 : i32 to index
        %get3A_1331 = arith.constant 48 : index
        %get3A_1332 = tpu.vector_load %arg4[%get3A_1330, %get3A_1331] {strides = array<i32>} : memref<24x128xf32, #tpu.memory_space<vmem>>, vector<16xf32>,
        %add3A_1333 = arith.constant 1175 : i32
        %add3A_1334 = vector.broadcast %add3A_1333 : i32 to vector<16xi32>
        %add3A_1335 = arith.addi %mul3A_3, %add3A_1334 : vector<16xi32>
        tpu.vector_store_idx %arg5[%add3A_1335], %get3A_1332 : memref<3072xf32, #tpu.memory_space<vmem>>[vector<16xi32>], vector<16xf32>,
        %get3A_1336 = arith.constant 23 : i32
        %get3A_1337 = arith.index_cast %get3A_1336 : i32 to index
        %get3A_1338 = arith.constant 64 : index
        %get3A_1339 = tpu.vector_load %arg4[%get3A_1337, %get3A_1338] {strides = array<i32>} : memref<24x128xf32, #tpu.memory_space<vmem>>, vector<16xf32>,
        %add3A_1340 = arith.constant 1559 : i32
        %add3A_1341 = vector.broadcast %add3A_1340 : i32 to vector<16xi32>
        %add3A_1342 = arith.addi %mul3A_3, %add3A_1341 : vector<16xi32>
        tpu.vector_store_idx %arg5[%add3A_1342], %get3A_1339 : memref<3072xf32, #tpu.memory_space<vmem>>[vector<16xi32>], vector<16xf32>,
        %get3A_1343 = arith.constant 23 : i32
        %get3A_1344 = arith.index_cast %get3A_1343 : i32 to index
        %get3A_1345 = arith.constant 80 : index
        %get3A_1346 = tpu.vector_load %arg4[%get3A_1344, %get3A_1345] {strides = array<i32>} : memref<24x128xf32, #tpu.memory_space<vmem>>, vector<16xf32>,
        %add3A_1347 = arith.constant 1943 : i32
        %add3A_1348 = vector.broadcast %add3A_1347 : i32 to vector<16xi32>
        %add3A_1349 = arith.addi %mul3A_3, %add3A_1348 : vector<16xi32>
        tpu.vector_store_idx %arg5[%add3A_1349], %get3A_1346 : memref<3072xf32, #tpu.memory_space<vmem>>[vector<16xi32>], vector<16xf32>,
        %get3A_1350 = arith.constant 23 : i32
        %get3A_1351 = arith.index_cast %get3A_1350 : i32 to index
        %get3A_1352 = arith.constant 96 : index
        %get3A_1353 = tpu.vector_load %arg4[%get3A_1351, %get3A_1352] {strides = array<i32>} : memref<24x128xf32, #tpu.memory_space<vmem>>, vector<16xf32>,
        %add3A_1354 = arith.constant 2327 : i32
        %add3A_1355 = vector.broadcast %add3A_1354 : i32 to vector<16xi32>
        %add3A_1356 = arith.addi %mul3A_3, %add3A_1355 : vector<16xi32>
        tpu.vector_store_idx %arg5[%add3A_1356], %get3A_1353 : memref<3072xf32, #tpu.memory_space<vmem>>[vector<16xi32>], vector<16xf32>,
        %get3A_1357 = arith.constant 23 : i32
        %get3A_1358 = arith.index_cast %get3A_1357 : i32 to index
        %get3A_1359 = arith.constant 112 : index
        %get3A_1360 = tpu.vector_load %arg4[%get3A_1358, %get3A_1359] {strides = array<i32>} : memref<24x128xf32, #tpu.memory_space<vmem>>, vector<16xf32>,
        %add3A_1361 = arith.constant 2711 : i32
        %add3A_1362 = vector.broadcast %add3A_1361 : i32 to vector<16xi32>
        %add3A_1363 = arith.addi %mul3A_3, %add3A_1362 : vector<16xi32>
        tpu.vector_store_idx %arg5[%add3A_1363], %get3A_1360 : memref<3072xf32, #tpu.memory_space<vmem>>[vector<16xi32>], vector<16xf32>,
        %mul3A_1364 = arith.constant 3072 : i32
        %mul3A_1365 = arith.muli %add3A_14, %mul3A_1364 : i32
        "tpu.region"() ({
          %run_scoped3A = tpu.sem_alloc : memref<!tpu.dma_semaphore, #tpu.memory_space<semaphore_mem>>
          %dma_start3A = arith.constant 0 : i32
          %dma_start3A_1366 = tpu.memref_slice %arg5[%dma_start3A] : memref<3072xf32, #tpu.memory_space<vmem>> -> memref<3072xf32, #tpu.memory_space<vmem>>
          %dma_start3A_1367 = tpu.memref_slice %arg3[%mul3A_1365] : memref<4800000xf32, #tpu.memory_space<hbm>> -> memref<3072xf32, #tpu.memory_space<hbm>>
          %dma_start3A_1368 = tpu.memref_slice %arg3[%mul3A_1365] : memref<4800000xf32, #tpu.memory_space<hbm>> -> memref<3072xf32, #tpu.memory_space<hbm>>
          %dma_start3A_1369 = arith.constant 0 : i32
          %dma_start3A_1370 = tpu.memref_slice %arg5[%dma_start3A_1369] : memref<3072xf32, #tpu.memory_space<vmem>> -> memref<3072xf32, #tpu.memory_space<vmem>>
          tpu.enqueue_dma source(%dma_start3A_1370 : memref<3072xf32, #tpu.memory_space<vmem>>) target(%dma_start3A_1368 : memref<3072xf32, #tpu.memory_space<hbm>>) target_semaphore(%run_scoped3A : memref<!tpu.dma_semaphore, #tpu.memory_space<semaphore_mem>>)
          %dma_wait3A = arith.constant 0 : i32
          %dma_wait3A_1371 = tpu.memref_slice %arg5[%dma_wait3A] : memref<3072xf32, #tpu.memory_space<vmem>> -> memref<3072xf32, #tpu.memory_space<vmem>>
          %dma_wait3A_1372 = tpu.memref_slice %arg3[%mul3A_1365] : memref<4800000xf32, #tpu.memory_space<hbm>> -> memref<3072xf32, #tpu.memory_space<hbm>>
          %dma_wait3A_1373 = tpu.memref_slice %arg3[%mul3A_1365] : memref<4800000xf32, #tpu.memory_space<hbm>> -> memref<3072xf32, #tpu.memory_space<hbm>>
          %dma_wait3A_1374 = arith.constant 0 : i32
          %dma_wait3A_1375 = tpu.memref_slice %arg5[%dma_wait3A_1374] : memref<3072xf32, #tpu.memory_space<vmem>> -> memref<3072xf32, #tpu.memory_space<vmem>>
          tpu.wait_dma2 semaphore(%run_scoped3A : memref<!tpu.dma_semaphore, #tpu.memory_space<semaphore_mem>>) src(%dma_wait3A_1375 : memref<3072xf32, #tpu.memory_space<vmem>>) dst(%dma_wait3A_1373 : memref<3072xf32, #tpu.memory_space<hbm>>)
          tpu.yield
        }) : () -> ()
      } else {
      }
    }
    %scan3A_8 = arith.constant 49 : i32
    %eq3A = arith.constant 31 : i32
    %eq3A_9 = arith.cmpi eq, %add3A, %eq3A : i32
    %convert_element_type3A = arith.extui %eq3A_9 : i1 to i32
    %cond3A = arith.constant 0 : i32
    %cond3A_10 = arith.cmpi ne, %convert_element_type3A, %cond3A : i32
    scf.if %cond3A_10 {
      "tpu.region"() ({
        %run_scoped3A = tpu.sem_alloc : memref<!tpu.dma_semaphore, #tpu.memory_space<semaphore_mem>>
        %dma_start3A = arith.constant 0 : i32
        %dma_start3A_682 = arith.constant 0 : i32
        %dma_start3A_683 = tpu.memref_slice %arg4[%dma_start3A, %dma_start3A_682] : memref<24x128xf32, #tpu.memory_space<vmem>> -> memref<24x64xf32, #tpu.memory_space<vmem>>
        %dma_start3A_684 = arith.constant 0 : i32
        %dma_start3A_685 = arith.constant 199936 : i32
        %dma_start3A_686 = tpu.memref_slice %arg2[%dma_start3A_684, %dma_start3A_685] : memref<24x200000xf32, #tpu.memory_space<hbm>> -> memref<24x64xf32, #tpu.memory_space<hbm>>
        %dma_start3A_687 = arith.constant 0 : i32
        %dma_start3A_688 = arith.constant 0 : i32
        %dma_start3A_689 = tpu.memref_slice %arg4[%dma_start3A_687, %dma_start3A_688] : memref<24x128xf32, #tpu.memory_space<vmem>> -> memref<24x64xf32, #tpu.memory_space<vmem>>
        %dma_start3A_690 = arith.constant 0 : i32
        %dma_start3A_691 = arith.constant 199936 : i32
        %dma_start3A_692 = tpu.memref_slice %arg2[%dma_start3A_690, %dma_start3A_691] : memref<24x200000xf32, #tpu.memory_space<hbm>> -> memref<24x64xf32, #tpu.memory_space<hbm>>
        tpu.enqueue_dma source(%dma_start3A_692 : memref<24x64xf32, #tpu.memory_space<hbm>>) target(%dma_start3A_689 : memref<24x64xf32, #tpu.memory_space<vmem>>) target_semaphore(%run_scoped3A : memref<!tpu.dma_semaphore, #tpu.memory_space<semaphore_mem>>)
        %dma_wait3A = arith.constant 0 : i32
        %dma_wait3A_693 = arith.constant 0 : i32
        %dma_wait3A_694 = tpu.memref_slice %arg4[%dma_wait3A, %dma_wait3A_693] : memref<24x128xf32, #tpu.memory_space<vmem>> -> memref<24x64xf32, #tpu.memory_space<vmem>>
        %dma_wait3A_695 = arith.constant 0 : i32
        %dma_wait3A_696 = arith.constant 199936 : i32
        %dma_wait3A_697 = tpu.memref_slice %arg2[%dma_wait3A_695, %dma_wait3A_696] : memref<24x200000xf32, #tpu.memory_space<hbm>> -> memref<24x64xf32, #tpu.memory_space<hbm>>
        %dma_wait3A_698 = arith.constant 0 : i32
        %dma_wait3A_699 = arith.constant 0 : i32
        %dma_wait3A_700 = tpu.memref_slice %arg4[%dma_wait3A_698, %dma_wait3A_699] : memref<24x128xf32, #tpu.memory_space<vmem>> -> memref<24x64xf32, #tpu.memory_space<vmem>>
        %dma_wait3A_701 = arith.constant 0 : i32
        %dma_wait3A_702 = arith.constant 199936 : i32
        %dma_wait3A_703 = tpu.memref_slice %arg2[%dma_wait3A_701, %dma_wait3A_702] : memref<24x200000xf32, #tpu.memory_space<hbm>> -> memref<24x64xf32, #tpu.memory_space<hbm>>
        tpu.wait_dma2 semaphore(%run_scoped3A : memref<!tpu.dma_semaphore, #tpu.memory_space<semaphore_mem>>) src(%dma_wait3A_703 : memref<24x64xf32, #tpu.memory_space<hbm>>) dst(%dma_wait3A_700 : memref<24x64xf32, #tpu.memory_space<vmem>>)
        tpu.yield
      }) : () -> ()
      %get3A = arith.constant 0 : i32
      %get3A_11 = arith.index_cast %get3A : i32 to index
      %get3A_12 = arith.constant 0 : index
      %get3A_13 = tpu.vector_load %arg4[%get3A_11, %get3A_12] {strides = array<i32>} : memref<24x128xf32, #tpu.memory_space<vmem>>, vector<16xf32>,
      %add3A_14 = arith.constant 0 : i32
      %add3A_15 = vector.broadcast %add3A_14 : i32 to vector<16xi32>
      %add3A_16 = arith.addi %mul3A_3, %add3A_15 : vector<16xi32>
      tpu.vector_store_idx %arg5[%add3A_16], %get3A_13 : memref<3072xf32, #tpu.memory_space<vmem>>[vector<16xi32>], vector<16xf32>,
      %get3A_17 = arith.constant 0 : i32
      %get3A_18 = arith.index_cast %get3A_17 : i32 to index
      %get3A_19 = arith.constant 16 : index
      %get3A_20 = tpu.vector_load %arg4[%get3A_18, %get3A_19] {strides = array<i32>} : memref<24x128xf32, #tpu.memory_space<vmem>>, vector<16xf32>,
      %add3A_21 = arith.constant 384 : i32
      %add3A_22 = vector.broadcast %add3A_21 : i32 to vector<16xi32>
      %add3A_23 = arith.addi %mul3A_3, %add3A_22 : vector<16xi32>
      tpu.vector_store_idx %arg5[%add3A_23], %get3A_20 : memref<3072xf32, #tpu.memory_space<vmem>>[vector<16xi32>], vector<16xf32>,
      %get3A_24 = arith.constant 0 : i32
      %get3A_25 = arith.index_cast %get3A_24 : i32 to index
      %get3A_26 = arith.constant 32 : index
      %get3A_27 = tpu.vector_load %arg4[%get3A_25, %get3A_26] {strides = array<i32>} : memref<24x128xf32, #tpu.memory_space<vmem>>, vector<16xf32>,
      %add3A_28 = arith.constant 768 : i32
      %add3A_29 = vector.broadcast %add3A_28 : i32 to vector<16xi32>
      %add3A_30 = arith.addi %mul3A_3, %add3A_29 : vector<16xi32>
      tpu.vector_store_idx %arg5[%add3A_30], %get3A_27 : memref<3072xf32, #tpu.memory_space<vmem>>[vector<16xi32>], vector<16xf32>,
      %get3A_31 = arith.constant 0 : i32
      %get3A_32 = arith.index_cast %get3A_31 : i32 to index
      %get3A_33 = arith.constant 48 : index
      %get3A_34 = tpu.vector_load %arg4[%get3A_32, %get3A_33] {strides = array<i32>} : memref<24x128xf32, #tpu.memory_space<vmem>>, vector<16xf32>,
      %add3A_35 = arith.constant 1152 : i32
      %add3A_36 = vector.broadcast %add3A_35 : i32 to vector<16xi32>
      %add3A_37 = arith.addi %mul3A_3, %add3A_36 : vector<16xi32>
      tpu.vector_store_idx %arg5[%add3A_37], %get3A_34 : memref<3072xf32, #tpu.memory_space<vmem>>[vector<16xi32>], vector<16xf32>,
      %get3A_38 = arith.constant 1 : i32
      %get3A_39 = arith.index_cast %get3A_38 : i32 to index
      %get3A_40 = arith.constant 0 : index
      %get3A_41 = tpu.vector_load %arg4[%get3A_39, %get3A_40] {strides = array<i32>} : memref<24x128xf32, #tpu.memory_space<vmem>>, vector<16xf32>,
      %add3A_42 = arith.constant 1 : i32
      %add3A_43 = vector.broadcast %add3A_42 : i32 to vector<16xi32>
      %add3A_44 = arith.addi %mul3A_3, %add3A_43 : vector<16xi32>
      tpu.vector_store_idx %arg5[%add3A_44], %get3A_41 : memref<3072xf32, #tpu.memory_space<vmem>>[vector<16xi32>], vector<16xf32>,
      %get3A_45 = arith.constant 1 : i32
      %get3A_46 = arith.index_cast %get3A_45 : i32 to index
      %get3A_47 = arith.constant 16 : index
      %get3A_48 = tpu.vector_load %arg4[%get3A_46, %get3A_47] {strides = array<i32>} : memref<24x128xf32, #tpu.memory_space<vmem>>, vector<16xf32>,
      %add3A_49 = arith.constant 385 : i32
      %add3A_50 = vector.broadcast %add3A_49 : i32 to vector<16xi32>
      %add3A_51 = arith.addi %mul3A_3, %add3A_50 : vector<16xi32>
      tpu.vector_store_idx %arg5[%add3A_51], %get3A_48 : memref<3072xf32, #tpu.memory_space<vmem>>[vector<16xi32>], vector<16xf32>,
      %get3A_52 = arith.constant 1 : i32
      %get3A_53 = arith.index_cast %get3A_52 : i32 to index
      %get3A_54 = arith.constant 32 : index
      %get3A_55 = tpu.vector_load %arg4[%get3A_53, %get3A_54] {strides = array<i32>} : memref<24x128xf32, #tpu.memory_space<vmem>>, vector<16xf32>,
      %add3A_56 = arith.constant 769 : i32
      %add3A_57 = vector.broadcast %add3A_56 : i32 to vector<16xi32>
      %add3A_58 = arith.addi %mul3A_3, %add3A_57 : vector<16xi32>
      tpu.vector_store_idx %arg5[%add3A_58], %get3A_55 : memref<3072xf32, #tpu.memory_space<vmem>>[vector<16xi32>], vector<16xf32>,
      %get3A_59 = arith.constant 1 : i32
      %get3A_60 = arith.index_cast %get3A_59 : i32 to index
      %get3A_61 = arith.constant 48 : index
      %get3A_62 = tpu.vector_load %arg4[%get3A_60, %get3A_61] {strides = array<i32>} : memref<24x128xf32, #tpu.memory_space<vmem>>, vector<16xf32>,
      %add3A_63 = arith.constant 1153 : i32
      %add3A_64 = vector.broadcast %add3A_63 : i32 to vector<16xi32>
      %add3A_65 = arith.addi %mul3A_3, %add3A_64 : vector<16xi32>
      tpu.vector_store_idx %arg5[%add3A_65], %get3A_62 : memref<3072xf32, #tpu.memory_space<vmem>>[vector<16xi32>], vector<16xf32>,
      %get3A_66 = arith.constant 2 : i32
      %get3A_67 = arith.index_cast %get3A_66 : i32 to index
      %get3A_68 = arith.constant 0 : index
      %get3A_69 = tpu.vector_load %arg4[%get3A_67, %get3A_68] {strides = array<i32>} : memref<24x128xf32, #tpu.memory_space<vmem>>, vector<16xf32>,
      %add3A_70 = arith.constant 2 : i32
      %add3A_71 = vector.broadcast %add3A_70 : i32 to vector<16xi32>
      %add3A_72 = arith.addi %mul3A_3, %add3A_71 : vector<16xi32>
      tpu.vector_store_idx %arg5[%add3A_72], %get3A_69 : memref<3072xf32, #tpu.memory_space<vmem>>[vector<16xi32>], vector<16xf32>,
      %get3A_73 = arith.constant 2 : i32
      %get3A_74 = arith.index_cast %get3A_73 : i32 to index
      %get3A_75 = arith.constant 16 : index
      %get3A_76 = tpu.vector_load %arg4[%get3A_74, %get3A_75] {strides = array<i32>} : memref<24x128xf32, #tpu.memory_space<vmem>>, vector<16xf32>,
      %add3A_77 = arith.constant 386 : i32
      %add3A_78 = vector.broadcast %add3A_77 : i32 to vector<16xi32>
      %add3A_79 = arith.addi %mul3A_3, %add3A_78 : vector<16xi32>
      tpu.vector_store_idx %arg5[%add3A_79], %get3A_76 : memref<3072xf32, #tpu.memory_space<vmem>>[vector<16xi32>], vector<16xf32>,
      %get3A_80 = arith.constant 2 : i32
      %get3A_81 = arith.index_cast %get3A_80 : i32 to index
      %get3A_82 = arith.constant 32 : index
      %get3A_83 = tpu.vector_load %arg4[%get3A_81, %get3A_82] {strides = array<i32>} : memref<24x128xf32, #tpu.memory_space<vmem>>, vector<16xf32>,
      %add3A_84 = arith.constant 770 : i32
      %add3A_85 = vector.broadcast %add3A_84 : i32 to vector<16xi32>
      %add3A_86 = arith.addi %mul3A_3, %add3A_85 : vector<16xi32>
      tpu.vector_store_idx %arg5[%add3A_86], %get3A_83 : memref<3072xf32, #tpu.memory_space<vmem>>[vector<16xi32>], vector<16xf32>,
      %get3A_87 = arith.constant 2 : i32
      %get3A_88 = arith.index_cast %get3A_87 : i32 to index
      %get3A_89 = arith.constant 48 : index
      %get3A_90 = tpu.vector_load %arg4[%get3A_88, %get3A_89] {strides = array<i32>} : memref<24x128xf32, #tpu.memory_space<vmem>>, vector<16xf32>,
      %add3A_91 = arith.constant 1154 : i32
      %add3A_92 = vector.broadcast %add3A_91 : i32 to vector<16xi32>
      %add3A_93 = arith.addi %mul3A_3, %add3A_92 : vector<16xi32>
      tpu.vector_store_idx %arg5[%add3A_93], %get3A_90 : memref<3072xf32, #tpu.memory_space<vmem>>[vector<16xi32>], vector<16xf32>,
      %get3A_94 = arith.constant 3 : i32
      %get3A_95 = arith.index_cast %get3A_94 : i32 to index
      %get3A_96 = arith.constant 0 : index
      %get3A_97 = tpu.vector_load %arg4[%get3A_95, %get3A_96] {strides = array<i32>} : memref<24x128xf32, #tpu.memory_space<vmem>>, vector<16xf32>,
      %add3A_98 = arith.constant 3 : i32
      %add3A_99 = vector.broadcast %add3A_98 : i32 to vector<16xi32>
      %add3A_100 = arith.addi %mul3A_3, %add3A_99 : vector<16xi32>
      tpu.vector_store_idx %arg5[%add3A_100], %get3A_97 : memref<3072xf32, #tpu.memory_space<vmem>>[vector<16xi32>], vector<16xf32>,
      %get3A_101 = arith.constant 3 : i32
      %get3A_102 = arith.index_cast %get3A_101 : i32 to index
      %get3A_103 = arith.constant 16 : index
      %get3A_104 = tpu.vector_load %arg4[%get3A_102, %get3A_103] {strides = array<i32>} : memref<24x128xf32, #tpu.memory_space<vmem>>, vector<16xf32>,
      %add3A_105 = arith.constant 387 : i32
      %add3A_106 = vector.broadcast %add3A_105 : i32 to vector<16xi32>
      %add3A_107 = arith.addi %mul3A_3, %add3A_106 : vector<16xi32>
      tpu.vector_store_idx %arg5[%add3A_107], %get3A_104 : memref<3072xf32, #tpu.memory_space<vmem>>[vector<16xi32>], vector<16xf32>,
      %get3A_108 = arith.constant 3 : i32
      %get3A_109 = arith.index_cast %get3A_108 : i32 to index
      %get3A_110 = arith.constant 32 : index
      %get3A_111 = tpu.vector_load %arg4[%get3A_109, %get3A_110] {strides = array<i32>} : memref<24x128xf32, #tpu.memory_space<vmem>>, vector<16xf32>,
      %add3A_112 = arith.constant 771 : i32
      %add3A_113 = vector.broadcast %add3A_112 : i32 to vector<16xi32>
      %add3A_114 = arith.addi %mul3A_3, %add3A_113 : vector<16xi32>
      tpu.vector_store_idx %arg5[%add3A_114], %get3A_111 : memref<3072xf32, #tpu.memory_space<vmem>>[vector<16xi32>], vector<16xf32>,
      %get3A_115 = arith.constant 3 : i32
      %get3A_116 = arith.index_cast %get3A_115 : i32 to index
      %get3A_117 = arith.constant 48 : index
      %get3A_118 = tpu.vector_load %arg4[%get3A_116, %get3A_117] {strides = array<i32>} : memref<24x128xf32, #tpu.memory_space<vmem>>, vector<16xf32>,
      %add3A_119 = arith.constant 1155 : i32
      %add3A_120 = vector.broadcast %add3A_119 : i32 to vector<16xi32>
      %add3A_121 = arith.addi %mul3A_3, %add3A_120 : vector<16xi32>
      tpu.vector_store_idx %arg5[%add3A_121], %get3A_118 : memref<3072xf32, #tpu.memory_space<vmem>>[vector<16xi32>], vector<16xf32>,
      %get3A_122 = arith.constant 4 : i32
      %get3A_123 = arith.index_cast %get3A_122 : i32 to index
      %get3A_124 = arith.constant 0 : index
      %get3A_125 = tpu.vector_load %arg4[%get3A_123, %get3A_124] {strides = array<i32>} : memref<24x128xf32, #tpu.memory_space<vmem>>, vector<16xf32>,
      %add3A_126 = arith.constant 4 : i32
      %add3A_127 = vector.broadcast %add3A_126 : i32 to vector<16xi32>
      %add3A_128 = arith.addi %mul3A_3, %add3A_127 : vector<16xi32>
      tpu.vector_store_idx %arg5[%add3A_128], %get3A_125 : memref<3072xf32, #tpu.memory_space<vmem>>[vector<16xi32>], vector<16xf32>,
      %get3A_129 = arith.constant 4 : i32
      %get3A_130 = arith.index_cast %get3A_129 : i32 to index
      %get3A_131 = arith.constant 16 : index
      %get3A_132 = tpu.vector_load %arg4[%get3A_130, %get3A_131] {strides = array<i32>} : memref<24x128xf32, #tpu.memory_space<vmem>>, vector<16xf32>,
      %add3A_133 = arith.constant 388 : i32
      %add3A_134 = vector.broadcast %add3A_133 : i32 to vector<16xi32>
      %add3A_135 = arith.addi %mul3A_3, %add3A_134 : vector<16xi32>
      tpu.vector_store_idx %arg5[%add3A_135], %get3A_132 : memref<3072xf32, #tpu.memory_space<vmem>>[vector<16xi32>], vector<16xf32>,
      %get3A_136 = arith.constant 4 : i32
      %get3A_137 = arith.index_cast %get3A_136 : i32 to index
      %get3A_138 = arith.constant 32 : index
      %get3A_139 = tpu.vector_load %arg4[%get3A_137, %get3A_138] {strides = array<i32>} : memref<24x128xf32, #tpu.memory_space<vmem>>, vector<16xf32>,
      %add3A_140 = arith.constant 772 : i32
      %add3A_141 = vector.broadcast %add3A_140 : i32 to vector<16xi32>
      %add3A_142 = arith.addi %mul3A_3, %add3A_141 : vector<16xi32>
      tpu.vector_store_idx %arg5[%add3A_142], %get3A_139 : memref<3072xf32, #tpu.memory_space<vmem>>[vector<16xi32>], vector<16xf32>,
      %get3A_143 = arith.constant 4 : i32
      %get3A_144 = arith.index_cast %get3A_143 : i32 to index
      %get3A_145 = arith.constant 48 : index
      %get3A_146 = tpu.vector_load %arg4[%get3A_144, %get3A_145] {strides = array<i32>} : memref<24x128xf32, #tpu.memory_space<vmem>>, vector<16xf32>,
      %add3A_147 = arith.constant 1156 : i32
      %add3A_148 = vector.broadcast %add3A_147 : i32 to vector<16xi32>
      %add3A_149 = arith.addi %mul3A_3, %add3A_148 : vector<16xi32>
      tpu.vector_store_idx %arg5[%add3A_149], %get3A_146 : memref<3072xf32, #tpu.memory_space<vmem>>[vector<16xi32>], vector<16xf32>,
      %get3A_150 = arith.constant 5 : i32
      %get3A_151 = arith.index_cast %get3A_150 : i32 to index
      %get3A_152 = arith.constant 0 : index
      %get3A_153 = tpu.vector_load %arg4[%get3A_151, %get3A_152] {strides = array<i32>} : memref<24x128xf32, #tpu.memory_space<vmem>>, vector<16xf32>,
      %add3A_154 = arith.constant 5 : i32
      %add3A_155 = vector.broadcast %add3A_154 : i32 to vector<16xi32>
      %add3A_156 = arith.addi %mul3A_3, %add3A_155 : vector<16xi32>
      tpu.vector_store_idx %arg5[%add3A_156], %get3A_153 : memref<3072xf32, #tpu.memory_space<vmem>>[vector<16xi32>], vector<16xf32>,
      %get3A_157 = arith.constant 5 : i32
      %get3A_158 = arith.index_cast %get3A_157 : i32 to index
      %get3A_159 = arith.constant 16 : index
      %get3A_160 = tpu.vector_load %arg4[%get3A_158, %get3A_159] {strides = array<i32>} : memref<24x128xf32, #tpu.memory_space<vmem>>, vector<16xf32>,
      %add3A_161 = arith.constant 389 : i32
      %add3A_162 = vector.broadcast %add3A_161 : i32 to vector<16xi32>
      %add3A_163 = arith.addi %mul3A_3, %add3A_162 : vector<16xi32>
      tpu.vector_store_idx %arg5[%add3A_163], %get3A_160 : memref<3072xf32, #tpu.memory_space<vmem>>[vector<16xi32>], vector<16xf32>,
      %get3A_164 = arith.constant 5 : i32
      %get3A_165 = arith.index_cast %get3A_164 : i32 to index
      %get3A_166 = arith.constant 32 : index
      %get3A_167 = tpu.vector_load %arg4[%get3A_165, %get3A_166] {strides = array<i32>} : memref<24x128xf32, #tpu.memory_space<vmem>>, vector<16xf32>,
      %add3A_168 = arith.constant 773 : i32
      %add3A_169 = vector.broadcast %add3A_168 : i32 to vector<16xi32>
      %add3A_170 = arith.addi %mul3A_3, %add3A_169 : vector<16xi32>
      tpu.vector_store_idx %arg5[%add3A_170], %get3A_167 : memref<3072xf32, #tpu.memory_space<vmem>>[vector<16xi32>], vector<16xf32>,
      %get3A_171 = arith.constant 5 : i32
      %get3A_172 = arith.index_cast %get3A_171 : i32 to index
      %get3A_173 = arith.constant 48 : index
      %get3A_174 = tpu.vector_load %arg4[%get3A_172, %get3A_173] {strides = array<i32>} : memref<24x128xf32, #tpu.memory_space<vmem>>, vector<16xf32>,
      %add3A_175 = arith.constant 1157 : i32
      %add3A_176 = vector.broadcast %add3A_175 : i32 to vector<16xi32>
      %add3A_177 = arith.addi %mul3A_3, %add3A_176 : vector<16xi32>
      tpu.vector_store_idx %arg5[%add3A_177], %get3A_174 : memref<3072xf32, #tpu.memory_space<vmem>>[vector<16xi32>], vector<16xf32>,
      %get3A_178 = arith.constant 6 : i32
      %get3A_179 = arith.index_cast %get3A_178 : i32 to index
      %get3A_180 = arith.constant 0 : index
      %get3A_181 = tpu.vector_load %arg4[%get3A_179, %get3A_180] {strides = array<i32>} : memref<24x128xf32, #tpu.memory_space<vmem>>, vector<16xf32>,
      %add3A_182 = arith.constant 6 : i32
      %add3A_183 = vector.broadcast %add3A_182 : i32 to vector<16xi32>
      %add3A_184 = arith.addi %mul3A_3, %add3A_183 : vector<16xi32>
      tpu.vector_store_idx %arg5[%add3A_184], %get3A_181 : memref<3072xf32, #tpu.memory_space<vmem>>[vector<16xi32>], vector<16xf32>,
      %get3A_185 = arith.constant 6 : i32
      %get3A_186 = arith.index_cast %get3A_185 : i32 to index
      %get3A_187 = arith.constant 16 : index
      %get3A_188 = tpu.vector_load %arg4[%get3A_186, %get3A_187] {strides = array<i32>} : memref<24x128xf32, #tpu.memory_space<vmem>>, vector<16xf32>,
      %add3A_189 = arith.constant 390 : i32
      %add3A_190 = vector.broadcast %add3A_189 : i32 to vector<16xi32>
      %add3A_191 = arith.addi %mul3A_3, %add3A_190 : vector<16xi32>
      tpu.vector_store_idx %arg5[%add3A_191], %get3A_188 : memref<3072xf32, #tpu.memory_space<vmem>>[vector<16xi32>], vector<16xf32>,
      %get3A_192 = arith.constant 6 : i32
      %get3A_193 = arith.index_cast %get3A_192 : i32 to index
      %get3A_194 = arith.constant 32 : index
      %get3A_195 = tpu.vector_load %arg4[%get3A_193, %get3A_194] {strides = array<i32>} : memref<24x128xf32, #tpu.memory_space<vmem>>, vector<16xf32>,
      %add3A_196 = arith.constant 774 : i32
      %add3A_197 = vector.broadcast %add3A_196 : i32 to vector<16xi32>
      %add3A_198 = arith.addi %mul3A_3, %add3A_197 : vector<16xi32>
      tpu.vector_store_idx %arg5[%add3A_198], %get3A_195 : memref<3072xf32, #tpu.memory_space<vmem>>[vector<16xi32>], vector<16xf32>,
      %get3A_199 = arith.constant 6 : i32
      %get3A_200 = arith.index_cast %get3A_199 : i32 to index
      %get3A_201 = arith.constant 48 : index
      %get3A_202 = tpu.vector_load %arg4[%get3A_200, %get3A_201] {strides = array<i32>} : memref<24x128xf32, #tpu.memory_space<vmem>>, vector<16xf32>,
      %add3A_203 = arith.constant 1158 : i32
      %add3A_204 = vector.broadcast %add3A_203 : i32 to vector<16xi32>
      %add3A_205 = arith.addi %mul3A_3, %add3A_204 : vector<16xi32>
      tpu.vector_store_idx %arg5[%add3A_205], %get3A_202 : memref<3072xf32, #tpu.memory_space<vmem>>[vector<16xi32>], vector<16xf32>,
      %get3A_206 = arith.constant 7 : i32
      %get3A_207 = arith.index_cast %get3A_206 : i32 to index
      %get3A_208 = arith.constant 0 : index
      %get3A_209 = tpu.vector_load %arg4[%get3A_207, %get3A_208] {strides = array<i32>} : memref<24x128xf32, #tpu.memory_space<vmem>>, vector<16xf32>,
      %add3A_210 = arith.constant 7 : i32
      %add3A_211 = vector.broadcast %add3A_210 : i32 to vector<16xi32>
      %add3A_212 = arith.addi %mul3A_3, %add3A_211 : vector<16xi32>
      tpu.vector_store_idx %arg5[%add3A_212], %get3A_209 : memref<3072xf32, #tpu.memory_space<vmem>>[vector<16xi32>], vector<16xf32>,
      %get3A_213 = arith.constant 7 : i32
      %get3A_214 = arith.index_cast %get3A_213 : i32 to index
      %get3A_215 = arith.constant 16 : index
      %get3A_216 = tpu.vector_load %arg4[%get3A_214, %get3A_215] {strides = array<i32>} : memref<24x128xf32, #tpu.memory_space<vmem>>, vector<16xf32>,
      %add3A_217 = arith.constant 391 : i32
      %add3A_218 = vector.broadcast %add3A_217 : i32 to vector<16xi32>
      %add3A_219 = arith.addi %mul3A_3, %add3A_218 : vector<16xi32>
      tpu.vector_store_idx %arg5[%add3A_219], %get3A_216 : memref<3072xf32, #tpu.memory_space<vmem>>[vector<16xi32>], vector<16xf32>,
      %get3A_220 = arith.constant 7 : i32
      %get3A_221 = arith.index_cast %get3A_220 : i32 to index
      %get3A_222 = arith.constant 32 : index
      %get3A_223 = tpu.vector_load %arg4[%get3A_221, %get3A_222] {strides = array<i32>} : memref<24x128xf32, #tpu.memory_space<vmem>>, vector<16xf32>,
      %add3A_224 = arith.constant 775 : i32
      %add3A_225 = vector.broadcast %add3A_224 : i32 to vector<16xi32>
      %add3A_226 = arith.addi %mul3A_3, %add3A_225 : vector<16xi32>
      tpu.vector_store_idx %arg5[%add3A_226], %get3A_223 : memref<3072xf32, #tpu.memory_space<vmem>>[vector<16xi32>], vector<16xf32>,
      %get3A_227 = arith.constant 7 : i32
      %get3A_228 = arith.index_cast %get3A_227 : i32 to index
      %get3A_229 = arith.constant 48 : index
      %get3A_230 = tpu.vector_load %arg4[%get3A_228, %get3A_229] {strides = array<i32>} : memref<24x128xf32, #tpu.memory_space<vmem>>, vector<16xf32>,
      %add3A_231 = arith.constant 1159 : i32
      %add3A_232 = vector.broadcast %add3A_231 : i32 to vector<16xi32>
      %add3A_233 = arith.addi %mul3A_3, %add3A_232 : vector<16xi32>
      tpu.vector_store_idx %arg5[%add3A_233], %get3A_230 : memref<3072xf32, #tpu.memory_space<vmem>>[vector<16xi32>], vector<16xf32>,
      %get3A_234 = arith.constant 8 : i32
      %get3A_235 = arith.index_cast %get3A_234 : i32 to index
      %get3A_236 = arith.constant 0 : index
      %get3A_237 = tpu.vector_load %arg4[%get3A_235, %get3A_236] {strides = array<i32>} : memref<24x128xf32, #tpu.memory_space<vmem>>, vector<16xf32>,
      %add3A_238 = arith.constant 8 : i32
      %add3A_239 = vector.broadcast %add3A_238 : i32 to vector<16xi32>
      %add3A_240 = arith.addi %mul3A_3, %add3A_239 : vector<16xi32>
      tpu.vector_store_idx %arg5[%add3A_240], %get3A_237 : memref<3072xf32, #tpu.memory_space<vmem>>[vector<16xi32>], vector<16xf32>,
      %get3A_241 = arith.constant 8 : i32
      %get3A_242 = arith.index_cast %get3A_241 : i32 to index
      %get3A_243 = arith.constant 16 : index
      %get3A_244 = tpu.vector_load %arg4[%get3A_242, %get3A_243] {strides = array<i32>} : memref<24x128xf32, #tpu.memory_space<vmem>>, vector<16xf32>,
      %add3A_245 = arith.constant 392 : i32
      %add3A_246 = vector.broadcast %add3A_245 : i32 to vector<16xi32>
      %add3A_247 = arith.addi %mul3A_3, %add3A_246 : vector<16xi32>
      tpu.vector_store_idx %arg5[%add3A_247], %get3A_244 : memref<3072xf32, #tpu.memory_space<vmem>>[vector<16xi32>], vector<16xf32>,
      %get3A_248 = arith.constant 8 : i32
      %get3A_249 = arith.index_cast %get3A_248 : i32 to index
      %get3A_250 = arith.constant 32 : index
      %get3A_251 = tpu.vector_load %arg4[%get3A_249, %get3A_250] {strides = array<i32>} : memref<24x128xf32, #tpu.memory_space<vmem>>, vector<16xf32>,
      %add3A_252 = arith.constant 776 : i32
      %add3A_253 = vector.broadcast %add3A_252 : i32 to vector<16xi32>
      %add3A_254 = arith.addi %mul3A_3, %add3A_253 : vector<16xi32>
      tpu.vector_store_idx %arg5[%add3A_254], %get3A_251 : memref<3072xf32, #tpu.memory_space<vmem>>[vector<16xi32>], vector<16xf32>,
      %get3A_255 = arith.constant 8 : i32
      %get3A_256 = arith.index_cast %get3A_255 : i32 to index
      %get3A_257 = arith.constant 48 : index
      %get3A_258 = tpu.vector_load %arg4[%get3A_256, %get3A_257] {strides = array<i32>} : memref<24x128xf32, #tpu.memory_space<vmem>>, vector<16xf32>,
      %add3A_259 = arith.constant 1160 : i32
      %add3A_260 = vector.broadcast %add3A_259 : i32 to vector<16xi32>
      %add3A_261 = arith.addi %mul3A_3, %add3A_260 : vector<16xi32>
      tpu.vector_store_idx %arg5[%add3A_261], %get3A_258 : memref<3072xf32, #tpu.memory_space<vmem>>[vector<16xi32>], vector<16xf32>,
      %get3A_262 = arith.constant 9 : i32
      %get3A_263 = arith.index_cast %get3A_262 : i32 to index
      %get3A_264 = arith.constant 0 : index
      %get3A_265 = tpu.vector_load %arg4[%get3A_263, %get3A_264] {strides = array<i32>} : memref<24x128xf32, #tpu.memory_space<vmem>>, vector<16xf32>,
      %add3A_266 = arith.constant 9 : i32
      %add3A_267 = vector.broadcast %add3A_266 : i32 to vector<16xi32>
      %add3A_268 = arith.addi %mul3A_3, %add3A_267 : vector<16xi32>
      tpu.vector_store_idx %arg5[%add3A_268], %get3A_265 : memref<3072xf32, #tpu.memory_space<vmem>>[vector<16xi32>], vector<16xf32>,
      %get3A_269 = arith.constant 9 : i32
      %get3A_270 = arith.index_cast %get3A_269 : i32 to index
      %get3A_271 = arith.constant 16 : index
      %get3A_272 = tpu.vector_load %arg4[%get3A_270, %get3A_271] {strides = array<i32>} : memref<24x128xf32, #tpu.memory_space<vmem>>, vector<16xf32>,
      %add3A_273 = arith.constant 393 : i32
      %add3A_274 = vector.broadcast %add3A_273 : i32 to vector<16xi32>
      %add3A_275 = arith.addi %mul3A_3, %add3A_274 : vector<16xi32>
      tpu.vector_store_idx %arg5[%add3A_275], %get3A_272 : memref<3072xf32, #tpu.memory_space<vmem>>[vector<16xi32>], vector<16xf32>,
      %get3A_276 = arith.constant 9 : i32
      %get3A_277 = arith.index_cast %get3A_276 : i32 to index
      %get3A_278 = arith.constant 32 : index
      %get3A_279 = tpu.vector_load %arg4[%get3A_277, %get3A_278] {strides = array<i32>} : memref<24x128xf32, #tpu.memory_space<vmem>>, vector<16xf32>,
      %add3A_280 = arith.constant 777 : i32
      %add3A_281 = vector.broadcast %add3A_280 : i32 to vector<16xi32>
      %add3A_282 = arith.addi %mul3A_3, %add3A_281 : vector<16xi32>
      tpu.vector_store_idx %arg5[%add3A_282], %get3A_279 : memref<3072xf32, #tpu.memory_space<vmem>>[vector<16xi32>], vector<16xf32>,
      %get3A_283 = arith.constant 9 : i32
      %get3A_284 = arith.index_cast %get3A_283 : i32 to index
      %get3A_285 = arith.constant 48 : index
      %get3A_286 = tpu.vector_load %arg4[%get3A_284, %get3A_285] {strides = array<i32>} : memref<24x128xf32, #tpu.memory_space<vmem>>, vector<16xf32>,
      %add3A_287 = arith.constant 1161 : i32
      %add3A_288 = vector.broadcast %add3A_287 : i32 to vector<16xi32>
      %add3A_289 = arith.addi %mul3A_3, %add3A_288 : vector<16xi32>
      tpu.vector_store_idx %arg5[%add3A_289], %get3A_286 : memref<3072xf32, #tpu.memory_space<vmem>>[vector<16xi32>], vector<16xf32>,
      %get3A_290 = arith.constant 10 : i32
      %get3A_291 = arith.index_cast %get3A_290 : i32 to index
      %get3A_292 = arith.constant 0 : index
      %get3A_293 = tpu.vector_load %arg4[%get3A_291, %get3A_292] {strides = array<i32>} : memref<24x128xf32, #tpu.memory_space<vmem>>, vector<16xf32>,
      %add3A_294 = arith.constant 10 : i32
      %add3A_295 = vector.broadcast %add3A_294 : i32 to vector<16xi32>
      %add3A_296 = arith.addi %mul3A_3, %add3A_295 : vector<16xi32>
      tpu.vector_store_idx %arg5[%add3A_296], %get3A_293 : memref<3072xf32, #tpu.memory_space<vmem>>[vector<16xi32>], vector<16xf32>,
      %get3A_297 = arith.constant 10 : i32
      %get3A_298 = arith.index_cast %get3A_297 : i32 to index
      %get3A_299 = arith.constant 16 : index
      %get3A_300 = tpu.vector_load %arg4[%get3A_298, %get3A_299] {strides = array<i32>} : memref<24x128xf32, #tpu.memory_space<vmem>>, vector<16xf32>,
      %add3A_301 = arith.constant 394 : i32
      %add3A_302 = vector.broadcast %add3A_301 : i32 to vector<16xi32>
      %add3A_303 = arith.addi %mul3A_3, %add3A_302 : vector<16xi32>
      tpu.vector_store_idx %arg5[%add3A_303], %get3A_300 : memref<3072xf32, #tpu.memory_space<vmem>>[vector<16xi32>], vector<16xf32>,
      %get3A_304 = arith.constant 10 : i32
      %get3A_305 = arith.index_cast %get3A_304 : i32 to index
      %get3A_306 = arith.constant 32 : index
      %get3A_307 = tpu.vector_load %arg4[%get3A_305, %get3A_306] {strides = array<i32>} : memref<24x128xf32, #tpu.memory_space<vmem>>, vector<16xf32>,
      %add3A_308 = arith.constant 778 : i32
      %add3A_309 = vector.broadcast %add3A_308 : i32 to vector<16xi32>
      %add3A_310 = arith.addi %mul3A_3, %add3A_309 : vector<16xi32>
      tpu.vector_store_idx %arg5[%add3A_310], %get3A_307 : memref<3072xf32, #tpu.memory_space<vmem>>[vector<16xi32>], vector<16xf32>,
      %get3A_311 = arith.constant 10 : i32
      %get3A_312 = arith.index_cast %get3A_311 : i32 to index
      %get3A_313 = arith.constant 48 : index
      %get3A_314 = tpu.vector_load %arg4[%get3A_312, %get3A_313] {strides = array<i32>} : memref<24x128xf32, #tpu.memory_space<vmem>>, vector<16xf32>,
      %add3A_315 = arith.constant 1162 : i32
      %add3A_316 = vector.broadcast %add3A_315 : i32 to vector<16xi32>
      %add3A_317 = arith.addi %mul3A_3, %add3A_316 : vector<16xi32>
      tpu.vector_store_idx %arg5[%add3A_317], %get3A_314 : memref<3072xf32, #tpu.memory_space<vmem>>[vector<16xi32>], vector<16xf32>,
      %get3A_318 = arith.constant 11 : i32
      %get3A_319 = arith.index_cast %get3A_318 : i32 to index
      %get3A_320 = arith.constant 0 : index
      %get3A_321 = tpu.vector_load %arg4[%get3A_319, %get3A_320] {strides = array<i32>} : memref<24x128xf32, #tpu.memory_space<vmem>>, vector<16xf32>,
      %add3A_322 = arith.constant 11 : i32
      %add3A_323 = vector.broadcast %add3A_322 : i32 to vector<16xi32>
      %add3A_324 = arith.addi %mul3A_3, %add3A_323 : vector<16xi32>
      tpu.vector_store_idx %arg5[%add3A_324], %get3A_321 : memref<3072xf32, #tpu.memory_space<vmem>>[vector<16xi32>], vector<16xf32>,
      %get3A_325 = arith.constant 11 : i32
      %get3A_326 = arith.index_cast %get3A_325 : i32 to index
      %get3A_327 = arith.constant 16 : index
      %get3A_328 = tpu.vector_load %arg4[%get3A_326, %get3A_327] {strides = array<i32>} : memref<24x128xf32, #tpu.memory_space<vmem>>, vector<16xf32>,
      %add3A_329 = arith.constant 395 : i32
      %add3A_330 = vector.broadcast %add3A_329 : i32 to vector<16xi32>
      %add3A_331 = arith.addi %mul3A_3, %add3A_330 : vector<16xi32>
      tpu.vector_store_idx %arg5[%add3A_331], %get3A_328 : memref<3072xf32, #tpu.memory_space<vmem>>[vector<16xi32>], vector<16xf32>,
      %get3A_332 = arith.constant 11 : i32
      %get3A_333 = arith.index_cast %get3A_332 : i32 to index
      %get3A_334 = arith.constant 32 : index
      %get3A_335 = tpu.vector_load %arg4[%get3A_333, %get3A_334] {strides = array<i32>} : memref<24x128xf32, #tpu.memory_space<vmem>>, vector<16xf32>,
      %add3A_336 = arith.constant 779 : i32
      %add3A_337 = vector.broadcast %add3A_336 : i32 to vector<16xi32>
      %add3A_338 = arith.addi %mul3A_3, %add3A_337 : vector<16xi32>
      tpu.vector_store_idx %arg5[%add3A_338], %get3A_335 : memref<3072xf32, #tpu.memory_space<vmem>>[vector<16xi32>], vector<16xf32>,
      %get3A_339 = arith.constant 11 : i32
      %get3A_340 = arith.index_cast %get3A_339 : i32 to index
      %get3A_341 = arith.constant 48 : index
      %get3A_342 = tpu.vector_load %arg4[%get3A_340, %get3A_341] {strides = array<i32>} : memref<24x128xf32, #tpu.memory_space<vmem>>, vector<16xf32>,
      %add3A_343 = arith.constant 1163 : i32
      %add3A_344 = vector.broadcast %add3A_343 : i32 to vector<16xi32>
      %add3A_345 = arith.addi %mul3A_3, %add3A_344 : vector<16xi32>
      tpu.vector_store_idx %arg5[%add3A_345], %get3A_342 : memref<3072xf32, #tpu.memory_space<vmem>>[vector<16xi32>], vector<16xf32>,
      %get3A_346 = arith.constant 12 : i32
      %get3A_347 = arith.index_cast %get3A_346 : i32 to index
      %get3A_348 = arith.constant 0 : index
      %get3A_349 = tpu.vector_load %arg4[%get3A_347, %get3A_348] {strides = array<i32>} : memref<24x128xf32, #tpu.memory_space<vmem>>, vector<16xf32>,
      %add3A_350 = arith.constant 12 : i32
      %add3A_351 = vector.broadcast %add3A_350 : i32 to vector<16xi32>
      %add3A_352 = arith.addi %mul3A_3, %add3A_351 : vector<16xi32>
      tpu.vector_store_idx %arg5[%add3A_352], %get3A_349 : memref<3072xf32, #tpu.memory_space<vmem>>[vector<16xi32>], vector<16xf32>,
      %get3A_353 = arith.constant 12 : i32
      %get3A_354 = arith.index_cast %get3A_353 : i32 to index
      %get3A_355 = arith.constant 16 : index
      %get3A_356 = tpu.vector_load %arg4[%get3A_354, %get3A_355] {strides = array<i32>} : memref<24x128xf32, #tpu.memory_space<vmem>>, vector<16xf32>,
      %add3A_357 = arith.constant 396 : i32
      %add3A_358 = vector.broadcast %add3A_357 : i32 to vector<16xi32>
      %add3A_359 = arith.addi %mul3A_3, %add3A_358 : vector<16xi32>
      tpu.vector_store_idx %arg5[%add3A_359], %get3A_356 : memref<3072xf32, #tpu.memory_space<vmem>>[vector<16xi32>], vector<16xf32>,
      %get3A_360 = arith.constant 12 : i32
      %get3A_361 = arith.index_cast %get3A_360 : i32 to index
      %get3A_362 = arith.constant 32 : index
      %get3A_363 = tpu.vector_load %arg4[%get3A_361, %get3A_362] {strides = array<i32>} : memref<24x128xf32, #tpu.memory_space<vmem>>, vector<16xf32>,
      %add3A_364 = arith.constant 780 : i32
      %add3A_365 = vector.broadcast %add3A_364 : i32 to vector<16xi32>
      %add3A_366 = arith.addi %mul3A_3, %add3A_365 : vector<16xi32>
      tpu.vector_store_idx %arg5[%add3A_366], %get3A_363 : memref<3072xf32, #tpu.memory_space<vmem>>[vector<16xi32>], vector<16xf32>,
      %get3A_367 = arith.constant 12 : i32
      %get3A_368 = arith.index_cast %get3A_367 : i32 to index
      %get3A_369 = arith.constant 48 : index
      %get3A_370 = tpu.vector_load %arg4[%get3A_368, %get3A_369] {strides = array<i32>} : memref<24x128xf32, #tpu.memory_space<vmem>>, vector<16xf32>,
      %add3A_371 = arith.constant 1164 : i32
      %add3A_372 = vector.broadcast %add3A_371 : i32 to vector<16xi32>
      %add3A_373 = arith.addi %mul3A_3, %add3A_372 : vector<16xi32>
      tpu.vector_store_idx %arg5[%add3A_373], %get3A_370 : memref<3072xf32, #tpu.memory_space<vmem>>[vector<16xi32>], vector<16xf32>,
      %get3A_374 = arith.constant 13 : i32
      %get3A_375 = arith.index_cast %get3A_374 : i32 to index
      %get3A_376 = arith.constant 0 : index
      %get3A_377 = tpu.vector_load %arg4[%get3A_375, %get3A_376] {strides = array<i32>} : memref<24x128xf32, #tpu.memory_space<vmem>>, vector<16xf32>,
      %add3A_378 = arith.constant 13 : i32
      %add3A_379 = vector.broadcast %add3A_378 : i32 to vector<16xi32>
      %add3A_380 = arith.addi %mul3A_3, %add3A_379 : vector<16xi32>
      tpu.vector_store_idx %arg5[%add3A_380], %get3A_377 : memref<3072xf32, #tpu.memory_space<vmem>>[vector<16xi32>], vector<16xf32>,
      %get3A_381 = arith.constant 13 : i32
      %get3A_382 = arith.index_cast %get3A_381 : i32 to index
      %get3A_383 = arith.constant 16 : index
      %get3A_384 = tpu.vector_load %arg4[%get3A_382, %get3A_383] {strides = array<i32>} : memref<24x128xf32, #tpu.memory_space<vmem>>, vector<16xf32>,
      %add3A_385 = arith.constant 397 : i32
      %add3A_386 = vector.broadcast %add3A_385 : i32 to vector<16xi32>
      %add3A_387 = arith.addi %mul3A_3, %add3A_386 : vector<16xi32>
      tpu.vector_store_idx %arg5[%add3A_387], %get3A_384 : memref<3072xf32, #tpu.memory_space<vmem>>[vector<16xi32>], vector<16xf32>,
      %get3A_388 = arith.constant 13 : i32
      %get3A_389 = arith.index_cast %get3A_388 : i32 to index
      %get3A_390 = arith.constant 32 : index
      %get3A_391 = tpu.vector_load %arg4[%get3A_389, %get3A_390] {strides = array<i32>} : memref<24x128xf32, #tpu.memory_space<vmem>>, vector<16xf32>,
      %add3A_392 = arith.constant 781 : i32
      %add3A_393 = vector.broadcast %add3A_392 : i32 to vector<16xi32>
      %add3A_394 = arith.addi %mul3A_3, %add3A_393 : vector<16xi32>
      tpu.vector_store_idx %arg5[%add3A_394], %get3A_391 : memref<3072xf32, #tpu.memory_space<vmem>>[vector<16xi32>], vector<16xf32>,
      %get3A_395 = arith.constant 13 : i32
      %get3A_396 = arith.index_cast %get3A_395 : i32 to index
      %get3A_397 = arith.constant 48 : index
      %get3A_398 = tpu.vector_load %arg4[%get3A_396, %get3A_397] {strides = array<i32>} : memref<24x128xf32, #tpu.memory_space<vmem>>, vector<16xf32>,
      %add3A_399 = arith.constant 1165 : i32
      %add3A_400 = vector.broadcast %add3A_399 : i32 to vector<16xi32>
      %add3A_401 = arith.addi %mul3A_3, %add3A_400 : vector<16xi32>
      tpu.vector_store_idx %arg5[%add3A_401], %get3A_398 : memref<3072xf32, #tpu.memory_space<vmem>>[vector<16xi32>], vector<16xf32>,
      %get3A_402 = arith.constant 14 : i32
      %get3A_403 = arith.index_cast %get3A_402 : i32 to index
      %get3A_404 = arith.constant 0 : index
      %get3A_405 = tpu.vector_load %arg4[%get3A_403, %get3A_404] {strides = array<i32>} : memref<24x128xf32, #tpu.memory_space<vmem>>, vector<16xf32>,
      %add3A_406 = arith.constant 14 : i32
      %add3A_407 = vector.broadcast %add3A_406 : i32 to vector<16xi32>
      %add3A_408 = arith.addi %mul3A_3, %add3A_407 : vector<16xi32>
      tpu.vector_store_idx %arg5[%add3A_408], %get3A_405 : memref<3072xf32, #tpu.memory_space<vmem>>[vector<16xi32>], vector<16xf32>,
      %get3A_409 = arith.constant 14 : i32
      %get3A_410 = arith.index_cast %get3A_409 : i32 to index
      %get3A_411 = arith.constant 16 : index
      %get3A_412 = tpu.vector_load %arg4[%get3A_410, %get3A_411] {strides = array<i32>} : memref<24x128xf32, #tpu.memory_space<vmem>>, vector<16xf32>,
      %add3A_413 = arith.constant 398 : i32
      %add3A_414 = vector.broadcast %add3A_413 : i32 to vector<16xi32>
      %add3A_415 = arith.addi %mul3A_3, %add3A_414 : vector<16xi32>
      tpu.vector_store_idx %arg5[%add3A_415], %get3A_412 : memref<3072xf32, #tpu.memory_space<vmem>>[vector<16xi32>], vector<16xf32>,
      %get3A_416 = arith.constant 14 : i32
      %get3A_417 = arith.index_cast %get3A_416 : i32 to index
      %get3A_418 = arith.constant 32 : index
      %get3A_419 = tpu.vector_load %arg4[%get3A_417, %get3A_418] {strides = array<i32>} : memref<24x128xf32, #tpu.memory_space<vmem>>, vector<16xf32>,
      %add3A_420 = arith.constant 782 : i32
      %add3A_421 = vector.broadcast %add3A_420 : i32 to vector<16xi32>
      %add3A_422 = arith.addi %mul3A_3, %add3A_421 : vector<16xi32>
      tpu.vector_store_idx %arg5[%add3A_422], %get3A_419 : memref<3072xf32, #tpu.memory_space<vmem>>[vector<16xi32>], vector<16xf32>,
      %get3A_423 = arith.constant 14 : i32
      %get3A_424 = arith.index_cast %get3A_423 : i32 to index
      %get3A_425 = arith.constant 48 : index
      %get3A_426 = tpu.vector_load %arg4[%get3A_424, %get3A_425] {strides = array<i32>} : memref<24x128xf32, #tpu.memory_space<vmem>>, vector<16xf32>,
      %add3A_427 = arith.constant 1166 : i32
      %add3A_428 = vector.broadcast %add3A_427 : i32 to vector<16xi32>
      %add3A_429 = arith.addi %mul3A_3, %add3A_428 : vector<16xi32>
      tpu.vector_store_idx %arg5[%add3A_429], %get3A_426 : memref<3072xf32, #tpu.memory_space<vmem>>[vector<16xi32>], vector<16xf32>,
      %get3A_430 = arith.constant 15 : i32
      %get3A_431 = arith.index_cast %get3A_430 : i32 to index
      %get3A_432 = arith.constant 0 : index
      %get3A_433 = tpu.vector_load %arg4[%get3A_431, %get3A_432] {strides = array<i32>} : memref<24x128xf32, #tpu.memory_space<vmem>>, vector<16xf32>,
      %add3A_434 = arith.constant 15 : i32
      %add3A_435 = vector.broadcast %add3A_434 : i32 to vector<16xi32>
      %add3A_436 = arith.addi %mul3A_3, %add3A_435 : vector<16xi32>
      tpu.vector_store_idx %arg5[%add3A_436], %get3A_433 : memref<3072xf32, #tpu.memory_space<vmem>>[vector<16xi32>], vector<16xf32>,
      %get3A_437 = arith.constant 15 : i32
      %get3A_438 = arith.index_cast %get3A_437 : i32 to index
      %get3A_439 = arith.constant 16 : index
      %get3A_440 = tpu.vector_load %arg4[%get3A_438, %get3A_439] {strides = array<i32>} : memref<24x128xf32, #tpu.memory_space<vmem>>, vector<16xf32>,
      %add3A_441 = arith.constant 399 : i32
      %add3A_442 = vector.broadcast %add3A_441 : i32 to vector<16xi32>
      %add3A_443 = arith.addi %mul3A_3, %add3A_442 : vector<16xi32>
      tpu.vector_store_idx %arg5[%add3A_443], %get3A_440 : memref<3072xf32, #tpu.memory_space<vmem>>[vector<16xi32>], vector<16xf32>,
      %get3A_444 = arith.constant 15 : i32
      %get3A_445 = arith.index_cast %get3A_444 : i32 to index
      %get3A_446 = arith.constant 32 : index
      %get3A_447 = tpu.vector_load %arg4[%get3A_445, %get3A_446] {strides = array<i32>} : memref<24x128xf32, #tpu.memory_space<vmem>>, vector<16xf32>,
      %add3A_448 = arith.constant 783 : i32
      %add3A_449 = vector.broadcast %add3A_448 : i32 to vector<16xi32>
      %add3A_450 = arith.addi %mul3A_3, %add3A_449 : vector<16xi32>
      tpu.vector_store_idx %arg5[%add3A_450], %get3A_447 : memref<3072xf32, #tpu.memory_space<vmem>>[vector<16xi32>], vector<16xf32>,
      %get3A_451 = arith.constant 15 : i32
      %get3A_452 = arith.index_cast %get3A_451 : i32 to index
      %get3A_453 = arith.constant 48 : index
      %get3A_454 = tpu.vector_load %arg4[%get3A_452, %get3A_453] {strides = array<i32>} : memref<24x128xf32, #tpu.memory_space<vmem>>, vector<16xf32>,
      %add3A_455 = arith.constant 1167 : i32
      %add3A_456 = vector.broadcast %add3A_455 : i32 to vector<16xi32>
      %add3A_457 = arith.addi %mul3A_3, %add3A_456 : vector<16xi32>
      tpu.vector_store_idx %arg5[%add3A_457], %get3A_454 : memref<3072xf32, #tpu.memory_space<vmem>>[vector<16xi32>], vector<16xf32>,
      %get3A_458 = arith.constant 16 : i32
      %get3A_459 = arith.index_cast %get3A_458 : i32 to index
      %get3A_460 = arith.constant 0 : index
      %get3A_461 = tpu.vector_load %arg4[%get3A_459, %get3A_460] {strides = array<i32>} : memref<24x128xf32, #tpu.memory_space<vmem>>, vector<16xf32>,
      %add3A_462 = arith.constant 16 : i32
      %add3A_463 = vector.broadcast %add3A_462 : i32 to vector<16xi32>
      %add3A_464 = arith.addi %mul3A_3, %add3A_463 : vector<16xi32>
      tpu.vector_store_idx %arg5[%add3A_464], %get3A_461 : memref<3072xf32, #tpu.memory_space<vmem>>[vector<16xi32>], vector<16xf32>,
      %get3A_465 = arith.constant 16 : i32
      %get3A_466 = arith.index_cast %get3A_465 : i32 to index
      %get3A_467 = arith.constant 16 : index
      %get3A_468 = tpu.vector_load %arg4[%get3A_466, %get3A_467] {strides = array<i32>} : memref<24x128xf32, #tpu.memory_space<vmem>>, vector<16xf32>,
      %add3A_469 = arith.constant 400 : i32
      %add3A_470 = vector.broadcast %add3A_469 : i32 to vector<16xi32>
      %add3A_471 = arith.addi %mul3A_3, %add3A_470 : vector<16xi32>
      tpu.vector_store_idx %arg5[%add3A_471], %get3A_468 : memref<3072xf32, #tpu.memory_space<vmem>>[vector<16xi32>], vector<16xf32>,
      %get3A_472 = arith.constant 16 : i32
      %get3A_473 = arith.index_cast %get3A_472 : i32 to index
      %get3A_474 = arith.constant 32 : index
      %get3A_475 = tpu.vector_load %arg4[%get3A_473, %get3A_474] {strides = array<i32>} : memref<24x128xf32, #tpu.memory_space<vmem>>, vector<16xf32>,
      %add3A_476 = arith.constant 784 : i32
      %add3A_477 = vector.broadcast %add3A_476 : i32 to vector<16xi32>
      %add3A_478 = arith.addi %mul3A_3, %add3A_477 : vector<16xi32>
      tpu.vector_store_idx %arg5[%add3A_478], %get3A_475 : memref<3072xf32, #tpu.memory_space<vmem>>[vector<16xi32>], vector<16xf32>,
      %get3A_479 = arith.constant 16 : i32
      %get3A_480 = arith.index_cast %get3A_479 : i32 to index
      %get3A_481 = arith.constant 48 : index
      %get3A_482 = tpu.vector_load %arg4[%get3A_480, %get3A_481] {strides = array<i32>} : memref<24x128xf32, #tpu.memory_space<vmem>>, vector<16xf32>,
      %add3A_483 = arith.constant 1168 : i32
      %add3A_484 = vector.broadcast %add3A_483 : i32 to vector<16xi32>
      %add3A_485 = arith.addi %mul3A_3, %add3A_484 : vector<16xi32>
      tpu.vector_store_idx %arg5[%add3A_485], %get3A_482 : memref<3072xf32, #tpu.memory_space<vmem>>[vector<16xi32>], vector<16xf32>,
      %get3A_486 = arith.constant 17 : i32
      %get3A_487 = arith.index_cast %get3A_486 : i32 to index
      %get3A_488 = arith.constant 0 : index
      %get3A_489 = tpu.vector_load %arg4[%get3A_487, %get3A_488] {strides = array<i32>} : memref<24x128xf32, #tpu.memory_space<vmem>>, vector<16xf32>,
      %add3A_490 = arith.constant 17 : i32
      %add3A_491 = vector.broadcast %add3A_490 : i32 to vector<16xi32>
      %add3A_492 = arith.addi %mul3A_3, %add3A_491 : vector<16xi32>
      tpu.vector_store_idx %arg5[%add3A_492], %get3A_489 : memref<3072xf32, #tpu.memory_space<vmem>>[vector<16xi32>], vector<16xf32>,
      %get3A_493 = arith.constant 17 : i32
      %get3A_494 = arith.index_cast %get3A_493 : i32 to index
      %get3A_495 = arith.constant 16 : index
      %get3A_496 = tpu.vector_load %arg4[%get3A_494, %get3A_495] {strides = array<i32>} : memref<24x128xf32, #tpu.memory_space<vmem>>, vector<16xf32>,
      %add3A_497 = arith.constant 401 : i32
      %add3A_498 = vector.broadcast %add3A_497 : i32 to vector<16xi32>
      %add3A_499 = arith.addi %mul3A_3, %add3A_498 : vector<16xi32>
      tpu.vector_store_idx %arg5[%add3A_499], %get3A_496 : memref<3072xf32, #tpu.memory_space<vmem>>[vector<16xi32>], vector<16xf32>,
      %get3A_500 = arith.constant 17 : i32
      %get3A_501 = arith.index_cast %get3A_500 : i32 to index
      %get3A_502 = arith.constant 32 : index
      %get3A_503 = tpu.vector_load %arg4[%get3A_501, %get3A_502] {strides = array<i32>} : memref<24x128xf32, #tpu.memory_space<vmem>>, vector<16xf32>,
      %add3A_504 = arith.constant 785 : i32
      %add3A_505 = vector.broadcast %add3A_504 : i32 to vector<16xi32>
      %add3A_506 = arith.addi %mul3A_3, %add3A_505 : vector<16xi32>
      tpu.vector_store_idx %arg5[%add3A_506], %get3A_503 : memref<3072xf32, #tpu.memory_space<vmem>>[vector<16xi32>], vector<16xf32>,
      %get3A_507 = arith.constant 17 : i32
      %get3A_508 = arith.index_cast %get3A_507 : i32 to index
      %get3A_509 = arith.constant 48 : index
      %get3A_510 = tpu.vector_load %arg4[%get3A_508, %get3A_509] {strides = array<i32>} : memref<24x128xf32, #tpu.memory_space<vmem>>, vector<16xf32>,
      %add3A_511 = arith.constant 1169 : i32
      %add3A_512 = vector.broadcast %add3A_511 : i32 to vector<16xi32>
      %add3A_513 = arith.addi %mul3A_3, %add3A_512 : vector<16xi32>
      tpu.vector_store_idx %arg5[%add3A_513], %get3A_510 : memref<3072xf32, #tpu.memory_space<vmem>>[vector<16xi32>], vector<16xf32>,
      %get3A_514 = arith.constant 18 : i32
      %get3A_515 = arith.index_cast %get3A_514 : i32 to index
      %get3A_516 = arith.constant 0 : index
      %get3A_517 = tpu.vector_load %arg4[%get3A_515, %get3A_516] {strides = array<i32>} : memref<24x128xf32, #tpu.memory_space<vmem>>, vector<16xf32>,
      %add3A_518 = arith.constant 18 : i32
      %add3A_519 = vector.broadcast %add3A_518 : i32 to vector<16xi32>
      %add3A_520 = arith.addi %mul3A_3, %add3A_519 : vector<16xi32>
      tpu.vector_store_idx %arg5[%add3A_520], %get3A_517 : memref<3072xf32, #tpu.memory_space<vmem>>[vector<16xi32>], vector<16xf32>,
      %get3A_521 = arith.constant 18 : i32
      %get3A_522 = arith.index_cast %get3A_521 : i32 to index
      %get3A_523 = arith.constant 16 : index
      %get3A_524 = tpu.vector_load %arg4[%get3A_522, %get3A_523] {strides = array<i32>} : memref<24x128xf32, #tpu.memory_space<vmem>>, vector<16xf32>,
      %add3A_525 = arith.constant 402 : i32
      %add3A_526 = vector.broadcast %add3A_525 : i32 to vector<16xi32>
      %add3A_527 = arith.addi %mul3A_3, %add3A_526 : vector<16xi32>
      tpu.vector_store_idx %arg5[%add3A_527], %get3A_524 : memref<3072xf32, #tpu.memory_space<vmem>>[vector<16xi32>], vector<16xf32>,
      %get3A_528 = arith.constant 18 : i32
      %get3A_529 = arith.index_cast %get3A_528 : i32 to index
      %get3A_530 = arith.constant 32 : index
      %get3A_531 = tpu.vector_load %arg4[%get3A_529, %get3A_530] {strides = array<i32>} : memref<24x128xf32, #tpu.memory_space<vmem>>, vector<16xf32>,
      %add3A_532 = arith.constant 786 : i32
      %add3A_533 = vector.broadcast %add3A_532 : i32 to vector<16xi32>
      %add3A_534 = arith.addi %mul3A_3, %add3A_533 : vector<16xi32>
      tpu.vector_store_idx %arg5[%add3A_534], %get3A_531 : memref<3072xf32, #tpu.memory_space<vmem>>[vector<16xi32>], vector<16xf32>,
      %get3A_535 = arith.constant 18 : i32
      %get3A_536 = arith.index_cast %get3A_535 : i32 to index
      %get3A_537 = arith.constant 48 : index
      %get3A_538 = tpu.vector_load %arg4[%get3A_536, %get3A_537] {strides = array<i32>} : memref<24x128xf32, #tpu.memory_space<vmem>>, vector<16xf32>,
      %add3A_539 = arith.constant 1170 : i32
      %add3A_540 = vector.broadcast %add3A_539 : i32 to vector<16xi32>
      %add3A_541 = arith.addi %mul3A_3, %add3A_540 : vector<16xi32>
      tpu.vector_store_idx %arg5[%add3A_541], %get3A_538 : memref<3072xf32, #tpu.memory_space<vmem>>[vector<16xi32>], vector<16xf32>,
      %get3A_542 = arith.constant 19 : i32
      %get3A_543 = arith.index_cast %get3A_542 : i32 to index
      %get3A_544 = arith.constant 0 : index
      %get3A_545 = tpu.vector_load %arg4[%get3A_543, %get3A_544] {strides = array<i32>} : memref<24x128xf32, #tpu.memory_space<vmem>>, vector<16xf32>,
      %add3A_546 = arith.constant 19 : i32
      %add3A_547 = vector.broadcast %add3A_546 : i32 to vector<16xi32>
      %add3A_548 = arith.addi %mul3A_3, %add3A_547 : vector<16xi32>
      tpu.vector_store_idx %arg5[%add3A_548], %get3A_545 : memref<3072xf32, #tpu.memory_space<vmem>>[vector<16xi32>], vector<16xf32>,
      %get3A_549 = arith.constant 19 : i32
      %get3A_550 = arith.index_cast %get3A_549 : i32 to index
      %get3A_551 = arith.constant 16 : index
      %get3A_552 = tpu.vector_load %arg4[%get3A_550, %get3A_551] {strides = array<i32>} : memref<24x128xf32, #tpu.memory_space<vmem>>, vector<16xf32>,
      %add3A_553 = arith.constant 403 : i32
      %add3A_554 = vector.broadcast %add3A_553 : i32 to vector<16xi32>
      %add3A_555 = arith.addi %mul3A_3, %add3A_554 : vector<16xi32>
      tpu.vector_store_idx %arg5[%add3A_555], %get3A_552 : memref<3072xf32, #tpu.memory_space<vmem>>[vector<16xi32>], vector<16xf32>,
      %get3A_556 = arith.constant 19 : i32
      %get3A_557 = arith.index_cast %get3A_556 : i32 to index
      %get3A_558 = arith.constant 32 : index
      %get3A_559 = tpu.vector_load %arg4[%get3A_557, %get3A_558] {strides = array<i32>} : memref<24x128xf32, #tpu.memory_space<vmem>>, vector<16xf32>,
      %add3A_560 = arith.constant 787 : i32
      %add3A_561 = vector.broadcast %add3A_560 : i32 to vector<16xi32>
      %add3A_562 = arith.addi %mul3A_3, %add3A_561 : vector<16xi32>
      tpu.vector_store_idx %arg5[%add3A_562], %get3A_559 : memref<3072xf32, #tpu.memory_space<vmem>>[vector<16xi32>], vector<16xf32>,
      %get3A_563 = arith.constant 19 : i32
      %get3A_564 = arith.index_cast %get3A_563 : i32 to index
      %get3A_565 = arith.constant 48 : index
      %get3A_566 = tpu.vector_load %arg4[%get3A_564, %get3A_565] {strides = array<i32>} : memref<24x128xf32, #tpu.memory_space<vmem>>, vector<16xf32>,
      %add3A_567 = arith.constant 1171 : i32
      %add3A_568 = vector.broadcast %add3A_567 : i32 to vector<16xi32>
      %add3A_569 = arith.addi %mul3A_3, %add3A_568 : vector<16xi32>
      tpu.vector_store_idx %arg5[%add3A_569], %get3A_566 : memref<3072xf32, #tpu.memory_space<vmem>>[vector<16xi32>], vector<16xf32>,
      %get3A_570 = arith.constant 20 : i32
      %get3A_571 = arith.index_cast %get3A_570 : i32 to index
      %get3A_572 = arith.constant 0 : index
      %get3A_573 = tpu.vector_load %arg4[%get3A_571, %get3A_572] {strides = array<i32>} : memref<24x128xf32, #tpu.memory_space<vmem>>, vector<16xf32>,
      %add3A_574 = arith.constant 20 : i32
      %add3A_575 = vector.broadcast %add3A_574 : i32 to vector<16xi32>
      %add3A_576 = arith.addi %mul3A_3, %add3A_575 : vector<16xi32>
      tpu.vector_store_idx %arg5[%add3A_576], %get3A_573 : memref<3072xf32, #tpu.memory_space<vmem>>[vector<16xi32>], vector<16xf32>,
      %get3A_577 = arith.constant 20 : i32
      %get3A_578 = arith.index_cast %get3A_577 : i32 to index
      %get3A_579 = arith.constant 16 : index
      %get3A_580 = tpu.vector_load %arg4[%get3A_578, %get3A_579] {strides = array<i32>} : memref<24x128xf32, #tpu.memory_space<vmem>>, vector<16xf32>,
      %add3A_581 = arith.constant 404 : i32
      %add3A_582 = vector.broadcast %add3A_581 : i32 to vector<16xi32>
      %add3A_583 = arith.addi %mul3A_3, %add3A_582 : vector<16xi32>
      tpu.vector_store_idx %arg5[%add3A_583], %get3A_580 : memref<3072xf32, #tpu.memory_space<vmem>>[vector<16xi32>], vector<16xf32>,
      %get3A_584 = arith.constant 20 : i32
      %get3A_585 = arith.index_cast %get3A_584 : i32 to index
      %get3A_586 = arith.constant 32 : index
      %get3A_587 = tpu.vector_load %arg4[%get3A_585, %get3A_586] {strides = array<i32>} : memref<24x128xf32, #tpu.memory_space<vmem>>, vector<16xf32>,
      %add3A_588 = arith.constant 788 : i32
      %add3A_589 = vector.broadcast %add3A_588 : i32 to vector<16xi32>
      %add3A_590 = arith.addi %mul3A_3, %add3A_589 : vector<16xi32>
      tpu.vector_store_idx %arg5[%add3A_590], %get3A_587 : memref<3072xf32, #tpu.memory_space<vmem>>[vector<16xi32>], vector<16xf32>,
      %get3A_591 = arith.constant 20 : i32
      %get3A_592 = arith.index_cast %get3A_591 : i32 to index
      %get3A_593 = arith.constant 48 : index
      %get3A_594 = tpu.vector_load %arg4[%get3A_592, %get3A_593] {strides = array<i32>} : memref<24x128xf32, #tpu.memory_space<vmem>>, vector<16xf32>,
      %add3A_595 = arith.constant 1172 : i32
      %add3A_596 = vector.broadcast %add3A_595 : i32 to vector<16xi32>
      %add3A_597 = arith.addi %mul3A_3, %add3A_596 : vector<16xi32>
      tpu.vector_store_idx %arg5[%add3A_597], %get3A_594 : memref<3072xf32, #tpu.memory_space<vmem>>[vector<16xi32>], vector<16xf32>,
      %get3A_598 = arith.constant 21 : i32
      %get3A_599 = arith.index_cast %get3A_598 : i32 to index
      %get3A_600 = arith.constant 0 : index
      %get3A_601 = tpu.vector_load %arg4[%get3A_599, %get3A_600] {strides = array<i32>} : memref<24x128xf32, #tpu.memory_space<vmem>>, vector<16xf32>,
      %add3A_602 = arith.constant 21 : i32
      %add3A_603 = vector.broadcast %add3A_602 : i32 to vector<16xi32>
      %add3A_604 = arith.addi %mul3A_3, %add3A_603 : vector<16xi32>
      tpu.vector_store_idx %arg5[%add3A_604], %get3A_601 : memref<3072xf32, #tpu.memory_space<vmem>>[vector<16xi32>], vector<16xf32>,
      %get3A_605 = arith.constant 21 : i32
      %get3A_606 = arith.index_cast %get3A_605 : i32 to index
      %get3A_607 = arith.constant 16 : index
      %get3A_608 = tpu.vector_load %arg4[%get3A_606, %get3A_607] {strides = array<i32>} : memref<24x128xf32, #tpu.memory_space<vmem>>, vector<16xf32>,
      %add3A_609 = arith.constant 405 : i32
      %add3A_610 = vector.broadcast %add3A_609 : i32 to vector<16xi32>
      %add3A_611 = arith.addi %mul3A_3, %add3A_610 : vector<16xi32>
      tpu.vector_store_idx %arg5[%add3A_611], %get3A_608 : memref<3072xf32, #tpu.memory_space<vmem>>[vector<16xi32>], vector<16xf32>,
      %get3A_612 = arith.constant 21 : i32
      %get3A_613 = arith.index_cast %get3A_612 : i32 to index
      %get3A_614 = arith.constant 32 : index
      %get3A_615 = tpu.vector_load %arg4[%get3A_613, %get3A_614] {strides = array<i32>} : memref<24x128xf32, #tpu.memory_space<vmem>>, vector<16xf32>,
      %add3A_616 = arith.constant 789 : i32
      %add3A_617 = vector.broadcast %add3A_616 : i32 to vector<16xi32>
      %add3A_618 = arith.addi %mul3A_3, %add3A_617 : vector<16xi32>
      tpu.vector_store_idx %arg5[%add3A_618], %get3A_615 : memref<3072xf32, #tpu.memory_space<vmem>>[vector<16xi32>], vector<16xf32>,
      %get3A_619 = arith.constant 21 : i32
      %get3A_620 = arith.index_cast %get3A_619 : i32 to index
      %get3A_621 = arith.constant 48 : index
      %get3A_622 = tpu.vector_load %arg4[%get3A_620, %get3A_621] {strides = array<i32>} : memref<24x128xf32, #tpu.memory_space<vmem>>, vector<16xf32>,
      %add3A_623 = arith.constant 1173 : i32
      %add3A_624 = vector.broadcast %add3A_623 : i32 to vector<16xi32>
      %add3A_625 = arith.addi %mul3A_3, %add3A_624 : vector<16xi32>
      tpu.vector_store_idx %arg5[%add3A_625], %get3A_622 : memref<3072xf32, #tpu.memory_space<vmem>>[vector<16xi32>], vector<16xf32>,
      %get3A_626 = arith.constant 22 : i32
      %get3A_627 = arith.index_cast %get3A_626 : i32 to index
      %get3A_628 = arith.constant 0 : index
      %get3A_629 = tpu.vector_load %arg4[%get3A_627, %get3A_628] {strides = array<i32>} : memref<24x128xf32, #tpu.memory_space<vmem>>, vector<16xf32>,
      %add3A_630 = arith.constant 22 : i32
      %add3A_631 = vector.broadcast %add3A_630 : i32 to vector<16xi32>
      %add3A_632 = arith.addi %mul3A_3, %add3A_631 : vector<16xi32>
      tpu.vector_store_idx %arg5[%add3A_632], %get3A_629 : memref<3072xf32, #tpu.memory_space<vmem>>[vector<16xi32>], vector<16xf32>,
      %get3A_633 = arith.constant 22 : i32
      %get3A_634 = arith.index_cast %get3A_633 : i32 to index
      %get3A_635 = arith.constant 16 : index
      %get3A_636 = tpu.vector_load %arg4[%get3A_634, %get3A_635] {strides = array<i32>} : memref<24x128xf32, #tpu.memory_space<vmem>>, vector<16xf32>,
      %add3A_637 = arith.constant 406 : i32
      %add3A_638 = vector.broadcast %add3A_637 : i32 to vector<16xi32>
      %add3A_639 = arith.addi %mul3A_3, %add3A_638 : vector<16xi32>
      tpu.vector_store_idx %arg5[%add3A_639], %get3A_636 : memref<3072xf32, #tpu.memory_space<vmem>>[vector<16xi32>], vector<16xf32>,
      %get3A_640 = arith.constant 22 : i32
      %get3A_641 = arith.index_cast %get3A_640 : i32 to index
      %get3A_642 = arith.constant 32 : index
      %get3A_643 = tpu.vector_load %arg4[%get3A_641, %get3A_642] {strides = array<i32>} : memref<24x128xf32, #tpu.memory_space<vmem>>, vector<16xf32>,
      %add3A_644 = arith.constant 790 : i32
      %add3A_645 = vector.broadcast %add3A_644 : i32 to vector<16xi32>
      %add3A_646 = arith.addi %mul3A_3, %add3A_645 : vector<16xi32>
      tpu.vector_store_idx %arg5[%add3A_646], %get3A_643 : memref<3072xf32, #tpu.memory_space<vmem>>[vector<16xi32>], vector<16xf32>,
      %get3A_647 = arith.constant 22 : i32
      %get3A_648 = arith.index_cast %get3A_647 : i32 to index
      %get3A_649 = arith.constant 48 : index
      %get3A_650 = tpu.vector_load %arg4[%get3A_648, %get3A_649] {strides = array<i32>} : memref<24x128xf32, #tpu.memory_space<vmem>>, vector<16xf32>,
      %add3A_651 = arith.constant 1174 : i32
      %add3A_652 = vector.broadcast %add3A_651 : i32 to vector<16xi32>
      %add3A_653 = arith.addi %mul3A_3, %add3A_652 : vector<16xi32>
      tpu.vector_store_idx %arg5[%add3A_653], %get3A_650 : memref<3072xf32, #tpu.memory_space<vmem>>[vector<16xi32>], vector<16xf32>,
      %get3A_654 = arith.constant 23 : i32
      %get3A_655 = arith.index_cast %get3A_654 : i32 to index
      %get3A_656 = arith.constant 0 : index
      %get3A_657 = tpu.vector_load %arg4[%get3A_655, %get3A_656] {strides = array<i32>} : memref<24x128xf32, #tpu.memory_space<vmem>>, vector<16xf32>,
      %add3A_658 = arith.constant 23 : i32
      %add3A_659 = vector.broadcast %add3A_658 : i32 to vector<16xi32>
      %add3A_660 = arith.addi %mul3A_3, %add3A_659 : vector<16xi32>
      tpu.vector_store_idx %arg5[%add3A_660], %get3A_657 : memref<3072xf32, #tpu.memory_space<vmem>>[vector<16xi32>], vector<16xf32>,
      %get3A_661 = arith.constant 23 : i32
      %get3A_662 = arith.index_cast %get3A_661 : i32 to index
      %get3A_663 = arith.constant 16 : index
      %get3A_664 = tpu.vector_load %arg4[%get3A_662, %get3A_663] {strides = array<i32>} : memref<24x128xf32, #tpu.memory_space<vmem>>, vector<16xf32>,
      %add3A_665 = arith.constant 407 : i32
      %add3A_666 = vector.broadcast %add3A_665 : i32 to vector<16xi32>
      %add3A_667 = arith.addi %mul3A_3, %add3A_666 : vector<16xi32>
      tpu.vector_store_idx %arg5[%add3A_667], %get3A_664 : memref<3072xf32, #tpu.memory_space<vmem>>[vector<16xi32>], vector<16xf32>,
      %get3A_668 = arith.constant 23 : i32
      %get3A_669 = arith.index_cast %get3A_668 : i32 to index
      %get3A_670 = arith.constant 32 : index
      %get3A_671 = tpu.vector_load %arg4[%get3A_669, %get3A_670] {strides = array<i32>} : memref<24x128xf32, #tpu.memory_space<vmem>>, vector<16xf32>,
      %add3A_672 = arith.constant 791 : i32
      %add3A_673 = vector.broadcast %add3A_672 : i32 to vector<16xi32>
      %add3A_674 = arith.addi %mul3A_3, %add3A_673 : vector<16xi32>
      tpu.vector_store_idx %arg5[%add3A_674], %get3A_671 : memref<3072xf32, #tpu.memory_space<vmem>>[vector<16xi32>], vector<16xf32>,
      %get3A_675 = arith.constant 23 : i32
      %get3A_676 = arith.index_cast %get3A_675 : i32 to index
      %get3A_677 = arith.constant 48 : index
      %get3A_678 = tpu.vector_load %arg4[%get3A_676, %get3A_677] {strides = array<i32>} : memref<24x128xf32, #tpu.memory_space<vmem>>, vector<16xf32>,
      %add3A_679 = arith.constant 1175 : i32
      %add3A_680 = vector.broadcast %add3A_679 : i32 to vector<16xi32>
      %add3A_681 = arith.addi %mul3A_3, %add3A_680 : vector<16xi32>
      tpu.vector_store_idx %arg5[%add3A_681], %get3A_678 : memref<3072xf32, #tpu.memory_space<vmem>>[vector<16xi32>], vector<16xf32>,
      "tpu.region"() ({
        %run_scoped3A = tpu.sem_alloc : memref<!tpu.dma_semaphore, #tpu.memory_space<semaphore_mem>>
        %dma_start3A = arith.constant 0 : i32
        %dma_start3A_682 = tpu.memref_slice %arg5[%dma_start3A] : memref<3072xf32, #tpu.memory_space<vmem>> -> memref<1536xf32, #tpu.memory_space<vmem>>
        %dma_start3A_683 = arith.constant 4798464 : i32
        %dma_start3A_684 = tpu.memref_slice %arg3[%dma_start3A_683] : memref<4800000xf32, #tpu.memory_space<hbm>> -> memref<1536xf32, #tpu.memory_space<hbm>>
        %dma_start3A_685 = arith.constant 4798464 : i32
        %dma_start3A_686 = tpu.memref_slice %arg3[%dma_start3A_685] : memref<4800000xf32, #tpu.memory_space<hbm>> -> memref<1536xf32, #tpu.memory_space<hbm>>
        %dma_start3A_687 = arith.constant 0 : i32
        %dma_start3A_688 = tpu.memref_slice %arg5[%dma_start3A_687] : memref<3072xf32, #tpu.memory_space<vmem>> -> memref<1536xf32, #tpu.memory_space<vmem>>
        tpu.enqueue_dma source(%dma_start3A_688 : memref<1536xf32, #tpu.memory_space<vmem>>) target(%dma_start3A_686 : memref<1536xf32, #tpu.memory_space<hbm>>) target_semaphore(%run_scoped3A : memref<!tpu.dma_semaphore, #tpu.memory_space<semaphore_mem>>)
        %dma_wait3A = arith.constant 0 : i32
        %dma_wait3A_689 = tpu.memref_slice %arg5[%dma_wait3A] : memref<3072xf32, #tpu.memory_space<vmem>> -> memref<1536xf32, #tpu.memory_space<vmem>>
        %dma_wait3A_690 = arith.constant 4798464 : i32
        %dma_wait3A_691 = tpu.memref_slice %arg3[%dma_wait3A_690] : memref<4800000xf32, #tpu.memory_space<hbm>> -> memref<1536xf32, #tpu.memory_space<hbm>>
        %dma_wait3A_692 = arith.constant 4798464 : i32
        %dma_wait3A_693 = tpu.memref_slice %arg3[%dma_wait3A_692] : memref<4800000xf32, #tpu.memory_space<hbm>> -> memref<1536xf32, #tpu.memory_space<hbm>>
        %dma_wait3A_694 = arith.constant 0 : i32
        %dma_wait3A_695 = tpu.memref_slice %arg5[%dma_wait3A_694] : memref<3072xf32, #tpu.memory_space<vmem>> -> memref<1536xf32, #tpu.memory_space<vmem>>
        tpu.wait_dma2 semaphore(%run_scoped3A : memref<!tpu.dma_semaphore, #tpu.memory_space<semaphore_mem>>) src(%dma_wait3A_695 : memref<1536xf32, #tpu.memory_space<vmem>>) dst(%dma_wait3A_693 : memref<1536xf32, #tpu.memory_space<hbm>>)
        tpu.yield
      }) : () -> ()
    } else {
    }
    return
  }
}

</mosaic_0001>

<sc_bundles>
// kernel: _sc_pack.3.cloned.1.call-start
scs
__scs_entry_jumppad:
0x0: {  	(pc) =	sbr.rel $0x88, $3  }
0x1: {  	(tag) =	ssettag $0x0;
	lr =	simm.s32 $0x1  }
0x2: {  	[smem:$0x3FA0] =	sst lr;
	_ =	strace $0xD0000000  }
0x3: {  	_ = 	snop  }
0x4: {  	_ = 	snop  }
0x5: {  	_ = 	snop  }
0x6: {  	_ = 	snop  }
0x7: {  	_ = 	snop  }
__scs_overlays_trampoline_lowered:
0x8: {  	[smem:$0x3FAF] =	sst s0  }
0x9: {  	[smem:$0x3FB0] =	sst s1  }
0xa: {  	[smem:$0x3FB1] =	sst s2  }
0xb: {  	[smem:$0x3FB2] =	sst s3  }
0xc: {  	[smem:$0x3FB3] =	sst s4  }
0xd: {  	[smem:$0x3FB4] =	sst s5  }
0xe: {  	[smem:$0x3FB5] =	sst s6  }
0xf: {  	[smem:$0x3FB6] =	sst s7  }
0x10: {  	[smem:$0x3FB7] =	sst s8  }
0x11: {  	[smem:$0x3FB8] =	sst s9;
	s0 =	simm.s32 @!p0 $0x0  }
0x12: {  	s1 =	sld [smem:$0x3F9E];
	s0 =	simm.s32 @p0 $0x1  }
0x13: {  	[smem:$0x3FB9] =	sst s0;
	s0 =	simm.s32 @!p1 $0x0  }
0x14: {  	s2 =	sld [smem:$0x3F9D];
	s0 =	simm.s32 @p1 $0x1  }
0x15: {  	[smem:$0x3FBA] =	sst s0;
	s0 =	simm.s32 @!p2 $0x0  }
0x16: {  	s3 =	sld [smem:$0x3FDB];
	s0 =	simm.s32 @p2 $0x1  }
0x17: {  	s4 =	simm.s32 $0x1BF5;
	[smem:$0x3FBC] =	sst s0  }
0x18: {  	s0 =	sld [smem:$0x3F9F];
	_ =	swait.ge [sflag:s4], $0x0  }
0x19: {  	s7 =	sld [smem:$0x3FA0]  }
0x1a: {  	s8 =	sadd.s32 $0xFFFFE003, lr  }
0x1b: {  	s9 =	sadd.s32 $0xFFFFFEF7, lr;
	s5 =	simm.s32 $0xFFFFFFFF;
	p2 =	slt.u32 s8, $0xFFFFF086  }
0x1c: {  	p1 =	slt.u32 s9, $0xF7A;
	s5 =	simm.s32 @!p2 $0x0  }
0x1d: {  	s5 =	simm.s32 @p1 $0x1;
	p0 =	seq.s32 s7, s2  }
0x1e: {  	s7 =	smul.u32 @!p0 $0xF7A, s2;
	p2 =	seq.s32 @!p0 s5, $0x0  }
0x1f: {  	s9 =	smul.u32 $0xF7A, s1;
	s8 =	simm.s32 @!p0 $0x1BF5;
	p2 =	por !p2, p0  }
0x20: {  	[sflag:s8] =	ssyncset.s32 @!p0 $0xFFFFF086;
	s6 =	sadd.s32 @!p0 s3, s7;
	s7 =	simm.s32 @!p0 $0x108  }
0x21: {  	s3 =	sadd.s32 s3, s9;
	s6 =	sadd.s32 @!p0 $0x88, s6;
	s7 =	simm.s32 @p2 $0x1082  }
0x22: {  	[simem:s7], [sflag:s8] =	dma.local @!p0 [hbm:s6], $0xF7A  }
0x23: {  	s9 =	sor.u32 $0xD0000000, s2;
	s6 =	simm.s32 $0x108;
	_ =	swait.ge @!p0 [sflag:s8], $0x0  }
0x24: {  	s3 =	sadd.s32 $0x88, s3;
	s6 =	simm.s32 @!p1 $0x1082;
	[sflag:s4] =	ssyncset.s32 $0xFFFFF086  }
0x25: {  	[simem:s6], [sflag:s4] =	dma.local [hbm:s3], $0xF7A  }
0x26: {  	[smem:$0x3FA0] =	sst s1;
	(tag) =	ssettag s2;
	_ =	strace s9  }
0x27: {  	s1 =	sld [smem:$0x3FB0]  }
0x28: {  	s2 =	sld [smem:$0x3FB1]  }
0x29: {  	s4 =	sld [smem:$0x3FB3]  }
0x2a: {  	p0 =	seq.s32 s5, $0x0;
	s5 =	sld [smem:$0x3FB4]  }
0x2b: {  	s6 =	sld [smem:$0x3FB5]  }
0x2c: {  	s7 =	sld [smem:$0x3FB6]  }
0x2d: {  	s3 =	simm.s32 $0x108;
	s8 =	sld [smem:$0x3FB7]  }
0x2e: {  	s3 =	simm.s32 @!p0 $0x1082;
	s9 =	sld [smem:$0x3FB8]  }
0x2f: {  	lr =	sadd.s32 s0, s3;
	s0 =	sld [smem:$0x3FAF]  }
0x30: {  	s3 =	sld [smem:$0x3FB2]  }
0x31: {  	[smem:$0x3FBB] =	sst s10  }
0x32: {  	s10 =	sld [smem:$0x3FB9];
	_ =	sdelay $0x3  }
0x33: {  	p0 =	seq.s32 s10, $0x1;
	s10 =	sld [smem:$0x3FBB];
	_ =	sdelay $0x3  }
0x34: {  	[smem:$0x3FBB] =	sst s10  }
0x35: {  	s10 =	sld [smem:$0x3FBA];
	_ =	sdelay $0x3  }
0x36: {  	p1 =	seq.s32 s10, $0x1;
	s10 =	sld [smem:$0x3FBB];
	_ =	sdelay $0x3  }
0x37: {  	[smem:$0x3FBB] =	sst s10  }
0x38: {  	s10 =	sld [smem:$0x3FBC]  }
0x39: {  	_ = 	snop;
	(pc) =	sbr.ind lr, $3  }
0x3a: {  	_ = 	snop  }
0x3b: {  	_ = 	snop  }
0x3c: {  	p2 =	seq.s32 s10, $0x1;
	s10 =	sld [smem:$0x3FBB]  }
0x3d: {  	_ =	shalt  }
0x3e: {  	_ =	shalt  }
0x3f: {  	_ =	shalt  }
0x40: {  	_ =	shalt  }
0x41: {  	_ =	shalt  }
0x42: {  	_ =	shalt  }
0x43: {  	_ =	shalt  }
0x44: {  	_ =	shalt  }
0x45: {  	_ =	shalt  }
0x46: {  	_ =	shalt  }
0x47: {  	_ =	shalt  }
0x48: {  	_ =	shalt  }
0x49: {  	_ =	shalt  }
0x4a: {  	_ =	shalt  }
0x4b: {  	_ =	shalt  }
0x4c: {  	_ =	shalt  }
0x4d: {  	_ =	shalt  }
0x4e: {  	_ =	shalt  }
0x4f: {  	_ =	shalt  }
0x50: {  	_ =	shalt  }
0x51: {  	_ =	shalt  }
0x52: {  	_ =	shalt  }
0x53: {  	_ =	shalt  }
0x54: {  	_ =	shalt  }
0x55: {  	_ =	shalt  }
0x56: {  	_ =	shalt  }
0x57: {  	_ =	shalt  }
0x58: {  	_ =	shalt  }
0x59: {  	_ =	shalt  }
0x5a: {  	_ =	shalt  }
0x5b: {  	_ =	shalt  }
0x5c: {  	_ =	shalt  }
0x5d: {  	_ =	shalt  }
0x5e: {  	_ =	shalt  }
0x5f: {  	_ =	shalt  }
0x60: {  	_ =	shalt  }
0x61: {  	_ =	shalt  }
0x62: {  	_ =	shalt  }
0x63: {  	_ =	shalt  }
0x64: {  	_ =	shalt  }
0x65: {  	_ =	shalt  }
0x66: {  	_ =	shalt  }
0x67: {  	_ =	shalt  }
0x68: {  	_ =	shalt  }
0x69: {  	_ =	shalt  }
0x6a: {  	_ =	shalt  }
0x6b: {  	_ =	shalt  }
0x6c: {  	_ =	shalt  }
0x6d: {  	_ =	shalt  }
0x6e: {  	_ =	shalt  }
0x6f: {  	_ =	shalt  }
0x70: {  	_ =	shalt  }
0x71: {  	_ =	shalt  }
0x72: {  	_ =	shalt  }
0x73: {  	_ =	shalt  }
0x74: {  	_ =	shalt  }
0x75: {  	_ =	shalt  }
0x76: {  	_ =	shalt  }
0x77: {  	_ =	shalt  }
0x78: {  	_ =	shalt  }
0x79: {  	_ =	shalt  }
0x7a: {  	_ =	shalt  }
0x7b: {  	_ =	shalt  }
0x7c: {  	_ =	shalt  }
0x7d: {  	_ =	shalt  }
0x7e: {  	_ =	shalt  }
0x7f: {  	_ =	shalt  }
0x80: {  	_ =	shalt  }
0x81: {  	_ =	shalt  }
0x82: {  	_ =	shalt  }
0x83: {  	_ =	shalt  }
0x84: {  	_ =	shalt  }
0x85: {  	_ =	shalt  }
0x86: {  	_ =	shalt  }
0x87: {  	_ =	shalt  }
.Lfunc_end0:
.L_simem_size_0:
called_computation_lowered:
.L_overlay_start_0:
0x88: {  	s2 =	sld [smem:$0x3FD9]  }
0x89: {  	s3 =	sld [smem:$0x3FFE];
	_ =	sdelay $0x1  }
0x8a: {  	s1 =	srdreg.scid  }
0x8b: {  	s0 =	sand.u32 $0x1, s1  }
0x8c: {  	s17 =	sshll.u32 s0, $0xA;
	s2 =	sadd.s32 s3, s2  }
0x8d: {  	s2 =	sadd.s32 s2, s17  }
0x8e: {  	[smem:$0x3FC7] =	sst s2  }
0x8f: {  	_ = 	snop  }
0x90: {  	s2 =	sld [smem:$0x3FD0];
	(tm) =	ssettm $0x1  }
0x91: {  	s18 =	sld [smem:$0x3FFB];
	_ =	sdelay $0x3  }
0x92: {  	_ =	strace s18  }
0x93: {  	s3 =	sld [smem:$0x3FFC];
	_ =	sdelay $0x3  }
0x94: {  	_ =	strace s3  }
0x95: {  	s3 =	sld [smem:$0x3FFD];
	_ =	sdelay $0x3  }
0x96: {  	_ =	strace s3  }
0x97: {  	_ =	strace $0x8FFFFFFF  }
0x98: {  	s19 =	sld [smem:$0x3FDB];
	_ =	sdelay $0x1  }
0x99: {  	s4 =	simm.s32 $_scs_section_size  }
0x9a: {  	s5 =	simm.s32 $_size__tile_overlayer_lowered;
	s6 =	simm.s32 $_tile_overlayer_lowered  }
0x9b: {  	s22 =	simm.s32 $0x1BFF;
	s21 =	sshll.u32 s6, $0x1;
	s3 =	sadd.s32 s4, s19  }
0x9c: {  	s7 =	simm.s32 $0x0;
	s20 =	sshll.u32 s5, $0x1;
	s5 =	sadd.s32 s21, s3  }
0x9d: {  	[timem:s7], [sflag:s22] =	dma.local [hbm:s5], s20  }
0x9e: {  	_ =	swait.ge [sflag:s22], s20  }
0x9f: {  	s4 =	ssub.s32 $0x0, s20;
	[sflag:s22] =	ssyncset.done $0x0  }
0xa0: {  	[sflag:s22] =	ssyncadd.s32 s4;
	_ =	sdelay $0x1  }
0xa1: {  	s23 =	simm.s32 $0x1B8B  }
0xa2: {  	_ =	swait.ge [sflag:s23], $0x1  }
0xa3: {  	[sflag:s23] =	ssyncset.done $0x0  }
0xa4: {  	s25 =	simm.s32 $0x1B8E;
	s24 =	sld [smem:$0x3FFE];
	[sflag:s23] =	ssyncadd.s32 $0xFFFFFFFF  }
0xa5: {  	s26 =	simm.s32 $execute0_lowered;
	[smem:$0x3FD2] =	sst s25  }
0xa6: {  	s5 =	sshll.u32 s26, $0x1;
	_ =	strace $0x80000046;
	[dreg:$0x1] =	wrdreg $0xFFFFFFFF  }
0xa7: {  	s28 =	simm.s32 $_size_execute0_lowered;
	s3 =	sadd.s32 s3, s5;
	[dreg:$0x0] =	wrdreg $0x0  }
0xa8: {  	s5 =	sshll.u32 s28, $0x1;
	[dreg:$0x2] =	wrdreg s3  }
0xa9: {  	[dreg:$0x3] =	wrdreg s5  }
0xaa: {  	[dreg:$0x4] =	wrdreg $0xC0  }
0xab: {  	_ =	task [dreg:s7], $0x5FFFF  }
0xac: {  	[dreg:$0x1] =	wrdreg $0xFFFFFFFF  }
0xad: {  	[dreg:$0x0] =	wrdreg $0x60  }
0xae: {  	[dreg:$0x2] =	wrdreg s24  }
0xaf: {  	[dreg:$0x3] =	wrdreg s2  }
0xb0: {  	[dreg:$0x4] =	wrdreg $0x9  }
0xb1: {  	_ =	task.clear_ibuf [dreg:s7], $0x5FFFF;
	_ =	strace $0x90000046  }
0xb2: {  	s29 =	simm.s32 $0x9;
	_ =	strace $0x80000048  }
0xb3: {  	_ =	swait.ge [sflag:s29], $0x1  }
0xb4: {  	[sflag:s29] =	ssyncadd.s32 $0xFFFFFFFF  }
0xb5: {  	_ =	strace $0x90000048  }
0xb6: {  	_ =	sfence  }
0xb7: {  	s30 =	sld [smem:$0x0];
	_ =	sdelay $0x2  }
0xb8: {  	s31 =	sshll.u32 s1, $0xD;
	s1 =	sshrl.u32 s1, $0x2  }
0xb9: {  	s3 =	sand.u32 $0x4000, s31;
	s1 =	sadd.s32 s1, s30  }
0xba: {  	s0 =	sor.u32 s3, s0;
	s1 =	sshll.u32 s1, $0x11  }
0xbb: {  	s0 =	sor.u32 s1, s0  }
0xbc: {  	s0 =	sadd.s32 $0x8F2B, s0  }
0xbd: {  	[sflag:s0] =	ssyncadd.remote.s32 $0x1  }
0xbe: {  	_ =	sfence.sel $0xFFFF  }
0xbf: {  	[dreg:$0x0] =	wrdreg $0xFFFFFFFF;
	(pc) =	sbr.abs _section_cstart, $3  }
0xc0: {  	[dreg:$0x1] =	wrdreg $0xFFFFFFFF  }
0xc1: {  	_ =	task.clear_ibuf [dreg:s7], $0x2FFFF;
	_ =	strace $0x9FFFFFFF  }
0xc2: {  	(tm) =	ssettm $0x7FFFFFFF  }
0xc3: {  	_ =	shalt  }
tec
execute0_lowered:
.L_overlay_start_1:
0x0: {  	(tag) =	ssettag $0x1  }
0x1: {  	v0 =	vlaneseq.u32  }
0x2: {  	v0 =	vmul.u32 $0x18, v0;
	_ =	sdelay $0x1  }
0x3: {  	v1 =	vadd.s32 $0x180, v0;
	v2 =	vadd.s32 $0x300, v0;
	v3 =	vadd.s32 $0x480, v0  }
0x4: {  	v4 =	vor.u32 $0x600, v0;
	v6 =	vadd.s32 $0x900, v0;
	v7 =	vadd.s32 $0xA80, v0  }
0x5: {  	v8 =	vor.u32 $0x1, v0;
	v9 =	vadd.s32 $0x181, v0;
	v10 =	vadd.s32 $0x301, v0  }
0x6: {  	v11 =	vadd.s32 $0x481, v0;
	v12 =	vor.u32 $0x601, v0;
	v13 =	vadd.s32 $0x781, v0  }
0x7: {  	v14 =	vadd.s32 $0x901, v0;
	v15 =	vadd.s32 $0xA81, v0;
	v16 =	vor.u32 $0x2, v0  }
0x8: {  	v17 =	vadd.s32 $0x182, v0;
	v18 =	vadd.s32 $0x302, v0;
	v19 =	vadd.s32 $0x482, v0  }
0x9: {  	v20 =	vor.u32 $0x602, v0;
	v21 =	vadd.s32 $0x782, v0;
	v22 =	vadd.s32 $0x902, v0  }
0xa: {  	v23 =	vadd.s32 $0xA82, v0;
	v24 =	vor.u32 $0x3, v0;
	v25 =	vadd.s32 $0x183, v0  }
0xb: {  	s4 =	rddreg [dreg:$0x0];
	v26 =	vadd.s32 $0x303, v0;
	v27 =	vadd.s32 $0x483, v0;
	v28 =	vor.u32 $0x603, v0  }
0xc: {  	s7 =	rddreg [dreg:$0x1];
	v29 =	vadd.s32 $0x783, v0;
	v30 =	vadd.s32 $0x903, v0;
	v31 =	vadd.s32 $0xA83, v0  }
0xd: {  	s2 =	srdreg.scid;
	s0 =	rddreg [dreg:$0x2];
	v32 =	vor.u32 $0x4, v0;
	v33 =	vadd.s32 $0x184, v0;
	v34 =	vadd.s32 $0x304, v0  }
0xe: {  	s1 =	simm.s32 $0x0;
	s13 =	simm.s32 $0x1;
	s14 =	simm.s32 $0x0;
	v35 =	vadd.s32 $0x484, v0;
	v36 =	vor.u32 $0x604, v0;
	v37 =	vadd.s32 $0x784, v0  }
0xf: {  	s6 =	sand.u32 $0x1, s2;
	[smem:$0x7FF] =	sst s1;
	s2 =	stileid.u32;
	v38 =	vadd.s32 $0x904, v0;
	v39 =	vadd.s32 $0xA84, v0;
	v40 =	vor.u32 $0x5, v0  }
0x10: {  	s3 =	ssub.s32 $0x2, s6;
	s5 =	sshll.u32 s2, $0x5;
	s10 =	smul.u32 $0x300, s2;
	v41 =	vadd.s32 $0x185, v0;
	v42 =	vadd.s32 $0x305, v0;
	v43 =	vadd.s32 $0x485, v0  }
0x11: {  	s29 =	sshll.u32 s2, $0x1;
	s11 =	sshll.u32 s6, $0x4;
	s12 =	smul.u32 $0x180, s6;
	v44 =	vor.u32 $0x605, v0;
	v45 =	vadd.s32 $0x785, v0;
	v46 =	vadd.s32 $0x905, v0  }
0x12: {  	s8 =	sshrl.u32 s3, $0x1;
	s9 =	sadd.s32 s5, s4;
	s4 =	sadd.s32 $0x65A0, s4;
	v47 =	vadd.s32 $0xA85, v0;
	v48 =	vor.u32 $0x6, v0;
	v49 =	vadd.s32 $0x186, v0  }
.Ltmp0:
0x13: {  	s5 =	sadd.s32 $0x92700, s7;
	v50 =	vadd.s32 $0x306, v0;
	v51 =	vadd.s32 $0x486, v0;
	v52 =	vor.u32 $0x606, v0;
	s8 =	ssub.s32 s3, s8;
	(pc) =	sbr.rel .LBB2_1-.Ltmp0, $4  }
0x14: {  	v53 =	vadd.s32 $0x786, v0;
	v54 =	vadd.s32 $0x906, v0;
	v55 =	vadd.s32 $0xA86, v0;
	s3 =	sor.u32 s6, s29;
	s30 =	sadd.s32 s11, s9;
	s31 =	sadd.s32 s10, s7  }
0x15: {  	v57 =	vadd.s32 $0x187, v0;
	v58 =	vadd.s32 $0x307, v0;
	[tilespmem:$0x1FFE0] =	vst v4;
	v4 =	vadd.s32 $0x780, v0;
	s9 =	simm.s32 $0x80;
	s10 =	simm.s32 $0x30D40;
	s11 =	simm.s32 $0x2  }
0x16: {  	v59 =	vadd.s32 $0x487, v0;
	v60 =	vor.u32 $0x607, v0;
	v61 =	vadd.s32 $0x787, v0;
	[tilespmem:$0x1FFF0] =	vst v4;
	s6 =	smax.u32 s8, $0x1;
	s7 =	sadd.s32 $0x400, s30;
	s8 =	sadd.s32 s12, s31  }
0x17: {  	v56 =	vor.u32 $0x7, v0;
	v62 =	vadd.s32 $0x907, v0;
	v63 =	vadd.s32 $0xA87, v0;
	s12 =	simm.s32 $0xC00;
	p0 =	sne.s32 s3, $0x1F;
	_ =	strace $0x80000047  }
.LBB2_8:
0x18: {  	[tilespmem:s18], [sflag:$0x1] =	stream.linear.gather [hbm4b:s17+s1], $0x40, $0x38;
	[tilespmem:$0x1800] =	vst v63  }
0x19: {  	_ =	swait.ge [sflag:s13], $0x600  }
0x1a: {  	[sflag:s13] =	ssyncset.done $0x0  }
0x1b: {  	[sflag:s13] =	ssyncadd.s32 $0xFFFFFA00  }
0x1c: {  	v4 =	vld [tilespmem:$0x0];
	_ =	sdelay $0x4  }
0x1d: {  	[tilespmem:v0+s12+$0x0] =	vst.idx.msk $0xffff, v4  }
0x1e: {  	v4 =	vld [tilespmem:$0x10];
	_ =	sdelay $0x4  }
0x1f: {  	[tilespmem:v1+s12+$0x0] =	vst.idx.msk $0xffff, v4  }
0x20: {  	v4 =	vld [tilespmem:$0x20];
	_ =	sdelay $0x4  }
0x21: {  	[tilespmem:v2+s12+$0x0] =	vst.idx.msk $0xffff, v4  }
0x22: {  	v4 =	vld [tilespmem:$0x30];
	_ =	sdelay $0x4  }
0x23: {  	[tilespmem:v3+s12+$0x0] =	vst.idx.msk $0xffff, v4  }
0x24: {  	v4 =	vld [tilespmem:$0x80];
	_ =	sdelay $0x4  }
0x25: {  	[tilespmem:v8+s12+$0x0] =	vst.idx.msk $0xffff, v4  }
0x26: {  	v4 =	vld [tilespmem:$0x90];
	_ =	sdelay $0x4  }
0x27: {  	[tilespmem:v9+s12+$0x0] =	vst.idx.msk $0xffff, v4  }
0x28: {  	v4 =	vld [tilespmem:$0xA0];
	_ =	sdelay $0x4  }
0x29: {  	[tilespmem:v10+s12+$0x0] =	vst.idx.msk $0xffff, v4  }
0x2a: {  	v4 =	vld [tilespmem:$0xB0];
	_ =	sdelay $0x4  }
0x2b: {  	[tilespmem:v11+s12+$0x0] =	vst.idx.msk $0xffff, v4  }
0x2c: {  	v4 =	vld [tilespmem:$0x100];
	_ =	sdelay $0x4  }
0x2d: {  	[tilespmem:v16+s12+$0x0] =	vst.idx.msk $0xffff, v4  }
0x2e: {  	v4 =	vld [tilespmem:$0x110];
	_ =	sdelay $0x4  }
0x2f: {  	[tilespmem:v17+s12+$0x0] =	vst.idx.msk $0xffff, v4  }
0x30: {  	v4 =	vld [tilespmem:$0x120];
	_ =	sdelay $0x4  }
0x31: {  	[tilespmem:v18+s12+$0x0] =	vst.idx.msk $0xffff, v4  }
0x32: {  	v4 =	vld [tilespmem:$0x130];
	_ =	sdelay $0x4  }
0x33: {  	[tilespmem:v19+s12+$0x0] =	vst.idx.msk $0xffff, v4  }
0x34: {  	v4 =	vld [tilespmem:$0x180];
	_ =	sdelay $0x4  }
0x35: {  	[tilespmem:v24+s12+$0x0] =	vst.idx.msk $0xffff, v4  }
0x36: {  	v4 =	vld [tilespmem:$0x190];
	_ =	sdelay $0x4  }
0x37: {  	[tilespmem:v25+s12+$0x0] =	vst.idx.msk $0xffff, v4  }
0x38: {  	v4 =	vld [tilespmem:$0x1A0];
	_ =	sdelay $0x4  }
0x39: {  	[tilespmem:v26+s12+$0x0] =	vst.idx.msk $0xffff, v4  }
0x3a: {  	v4 =	vld [tilespmem:$0x1B0];
	_ =	sdelay $0x4  }
0x3b: {  	[tilespmem:v27+s12+$0x0] =	vst.idx.msk $0xffff, v4  }
0x3c: {  	v4 =	vld [tilespmem:$0x200];
	_ =	sdelay $0x4  }
0x3d: {  	[tilespmem:v32+s12+$0x0] =	vst.idx.msk $0xffff, v4  }
0x3e: {  	v4 =	vld [tilespmem:$0x210];
	_ =	sdelay $0x4  }
0x3f: {  	[tilespmem:v33+s12+$0x0] =	vst.idx.msk $0xffff, v4  }
0x40: {  	v4 =	vld [tilespmem:$0x220];
	_ =	sdelay $0x4  }
0x41: {  	[tilespmem:v34+s12+$0x0] =	vst.idx.msk $0xffff, v4  }
0x42: {  	v4 =	vld [tilespmem:$0x230];
	_ =	sdelay $0x4  }
0x43: {  	[tilespmem:v35+s12+$0x0] =	vst.idx.msk $0xffff, v4  }
0x44: {  	v4 =	vld [tilespmem:$0x280];
	_ =	sdelay $0x4  }
0x45: {  	[tilespmem:v40+s12+$0x0] =	vst.idx.msk $0xffff, v4  }
0x46: {  	v4 =	vld [tilespmem:$0x290];
	_ =	sdelay $0x4  }
0x47: {  	[tilespmem:v41+s12+$0x0] =	vst.idx.msk $0xffff, v4  }
0x48: {  	v4 =	vld [tilespmem:$0x2A0];
	_ =	sdelay $0x4  }
0x49: {  	[tilespmem:v42+s12+$0x0] =	vst.idx.msk $0xffff, v4  }
0x4a: {  	v4 =	vld [tilespmem:$0x2B0];
	_ =	sdelay $0x4  }
0x4b: {  	[tilespmem:v43+s12+$0x0] =	vst.idx.msk $0xffff, v4  }
0x4c: {  	v4 =	vld [tilespmem:$0x300];
	_ =	sdelay $0x4  }
0x4d: {  	[tilespmem:v48+s12+$0x0] =	vst.idx.msk $0xffff, v4  }
0x4e: {  	v4 =	vld [tilespmem:$0x310];
	_ =	sdelay $0x4  }
0x4f: {  	[tilespmem:v49+s12+$0x0] =	vst.idx.msk $0xffff, v4  }
0x50: {  	v4 =	vld [tilespmem:$0x320];
	_ =	sdelay $0x4  }
0x51: {  	[tilespmem:v50+s12+$0x0] =	vst.idx.msk $0xffff, v4  }
0x52: {  	v4 =	vld [tilespmem:$0x330];
	_ =	sdelay $0x4  }
0x53: {  	[tilespmem:v51+s12+$0x0] =	vst.idx.msk $0xffff, v4  }
0x54: {  	v4 =	vld [tilespmem:$0x380];
	_ =	sdelay $0x4  }
0x55: {  	[tilespmem:v56+s12+$0x0] =	vst.idx.msk $0xffff, v4  }
0x56: {  	v4 =	vld [tilespmem:$0x390];
	_ =	sdelay $0x4  }
0x57: {  	[tilespmem:v57+s12+$0x0] =	vst.idx.msk $0xffff, v4  }
0x58: {  	v4 =	vld [tilespmem:$0x3A0];
	_ =	sdelay $0x4  }
0x59: {  	[tilespmem:v58+s12+$0x0] =	vst.idx.msk $0xffff, v4  }
0x5a: {  	v4 =	vld [tilespmem:$0x3B0];
	_ =	sdelay $0x4  }
0x5b: {  	[tilespmem:v59+s12+$0x0] =	vst.idx.msk $0xffff, v4  }
0x5c: {  	v5 =	vadd.s32 $0x8, v0;
	v4 =	vld [tilespmem:$0x400];
	_ =	sdelay $0x4  }
0x5d: {  	[tilespmem:v5+s12+$0x0] =	vst.idx.msk $0xffff, v4  }
0x5e: {  	v5 =	vadd.s32 $0x188, v0;
	v4 =	vld [tilespmem:$0x410];
	_ =	sdelay $0x4  }
0x5f: {  	[tilespmem:v5+s12+$0x0] =	vst.idx.msk $0xffff, v4  }
0x60: {  	v5 =	vadd.s32 $0x308, v0;
	v4 =	vld [tilespmem:$0x420];
	_ =	sdelay $0x4  }
0x61: {  	[tilespmem:v5+s12+$0x0] =	vst.idx.msk $0xffff, v4  }
0x62: {  	v5 =	vadd.s32 $0x488, v0;
	v4 =	vld [tilespmem:$0x430];
	_ =	sdelay $0x4  }
0x63: {  	[tilespmem:v5+s12+$0x0] =	vst.idx.msk $0xffff, v4  }
0x64: {  	v5 =	vadd.s32 $0x9, v0;
	v4 =	vld [tilespmem:$0x480];
	_ =	sdelay $0x4  }
0x65: {  	[tilespmem:v5+s12+$0x0] =	vst.idx.msk $0xffff, v4  }
0x66: {  	v5 =	vadd.s32 $0x189, v0;
	v4 =	vld [tilespmem:$0x490];
	_ =	sdelay $0x4  }
0x67: {  	[tilespmem:v5+s12+$0x0] =	vst.idx.msk $0xffff, v4  }
0x68: {  	v5 =	vadd.s32 $0x309, v0;
	v4 =	vld [tilespmem:$0x4A0];
	_ =	sdelay $0x4  }
0x69: {  	[tilespmem:v5+s12+$0x0] =	vst.idx.msk $0xffff, v4  }
0x6a: {  	v5 =	vadd.s32 $0x489, v0;
	v4 =	vld [tilespmem:$0x4B0];
	_ =	sdelay $0x4  }
0x6b: {  	[tilespmem:v5+s12+$0x0] =	vst.idx.msk $0xffff, v4  }
0x6c: {  	v5 =	vadd.s32 $0xA, v0;
	v4 =	vld [tilespmem:$0x500];
	_ =	sdelay $0x4  }
0x6d: {  	[tilespmem:v5+s12+$0x0] =	vst.idx.msk $0xffff, v4  }
0x6e: {  	v5 =	vadd.s32 $0x18A, v0;
	v4 =	vld [tilespmem:$0x510];
	_ =	sdelay $0x4  }
0x6f: {  	[tilespmem:v5+s12+$0x0] =	vst.idx.msk $0xffff, v4  }
0x70: {  	v5 =	vadd.s32 $0x30A, v0;
	v4 =	vld [tilespmem:$0x520];
	_ =	sdelay $0x4  }
0x71: {  	[tilespmem:v5+s12+$0x0] =	vst.idx.msk $0xffff, v4  }
0x72: {  	v5 =	vadd.s32 $0x48A, v0;
	v4 =	vld [tilespmem:$0x530];
	_ =	sdelay $0x4  }
0x73: {  	[tilespmem:v5+s12+$0x0] =	vst.idx.msk $0xffff, v4  }
0x74: {  	v5 =	vadd.s32 $0xB, v0;
	v4 =	vld [tilespmem:$0x580];
	_ =	sdelay $0x4  }
0x75: {  	[tilespmem:v5+s12+$0x0] =	vst.idx.msk $0xffff, v4  }
0x76: {  	v5 =	vadd.s32 $0x18B, v0;
	v4 =	vld [tilespmem:$0x590];
	_ =	sdelay $0x4  }
0x77: {  	[tilespmem:v5+s12+$0x0] =	vst.idx.msk $0xffff, v4  }
0x78: {  	v5 =	vadd.s32 $0x30B, v0;
	v4 =	vld [tilespmem:$0x5A0];
	_ =	sdelay $0x4  }
0x79: {  	[tilespmem:v5+s12+$0x0] =	vst.idx.msk $0xffff, v4  }
0x7a: {  	v5 =	vadd.s32 $0x48B, v0;
	v4 =	vld [tilespmem:$0x5B0];
	_ =	sdelay $0x4  }
0x7b: {  	[tilespmem:v5+s12+$0x0] =	vst.idx.msk $0xffff, v4  }
0x7c: {  	v5 =	vadd.s32 $0xC, v0;
	v4 =	vld [tilespmem:$0x600];
	_ =	sdelay $0x4  }
0x7d: {  	[tilespmem:v5+s12+$0x0] =	vst.idx.msk $0xffff, v4  }
0x7e: {  	v5 =	vadd.s32 $0x18C, v0;
	v4 =	vld [tilespmem:$0x610];
	_ =	sdelay $0x4  }
0x7f: {  	[tilespmem:v5+s12+$0x0] =	vst.idx.msk $0xffff, v4  }
0x80: {  	v5 =	vadd.s32 $0x30C, v0;
	v4 =	vld [tilespmem:$0x620];
	_ =	sdelay $0x4  }
0x81: {  	[tilespmem:v5+s12+$0x0] =	vst.idx.msk $0xffff, v4  }
0x82: {  	v5 =	vadd.s32 $0x48C, v0;
	v4 =	vld [tilespmem:$0x630];
	_ =	sdelay $0x4  }
0x83: {  	[tilespmem:v5+s12+$0x0] =	vst.idx.msk $0xffff, v4  }
0x84: {  	v5 =	vadd.s32 $0xD, v0;
	v4 =	vld [tilespmem:$0x680];
	_ =	sdelay $0x4  }
0x85: {  	[tilespmem:v5+s12+$0x0] =	vst.idx.msk $0xffff, v4  }
0x86: {  	v5 =	vadd.s32 $0x18D, v0;
	v4 =	vld [tilespmem:$0x690];
	_ =	sdelay $0x4  }
0x87: {  	[tilespmem:v5+s12+$0x0] =	vst.idx.msk $0xffff, v4  }
0x88: {  	v5 =	vadd.s32 $0x30D, v0;
	v4 =	vld [tilespmem:$0x6A0];
	_ =	sdelay $0x4  }
0x89: {  	[tilespmem:v5+s12+$0x0] =	vst.idx.msk $0xffff, v4  }
0x8a: {  	v5 =	vadd.s32 $0x48D, v0;
	v4 =	vld [tilespmem:$0x6B0];
	_ =	sdelay $0x4  }
0x8b: {  	[tilespmem:v5+s12+$0x0] =	vst.idx.msk $0xffff, v4  }
0x8c: {  	v5 =	vadd.s32 $0xE, v0;
	v4 =	vld [tilespmem:$0x700];
	_ =	sdelay $0x4  }
0x8d: {  	[tilespmem:v5+s12+$0x0] =	vst.idx.msk $0xffff, v4  }
0x8e: {  	v5 =	vadd.s32 $0x18E, v0;
	v4 =	vld [tilespmem:$0x710];
	_ =	sdelay $0x4  }
0x8f: {  	[tilespmem:v5+s12+$0x0] =	vst.idx.msk $0xffff, v4  }
0x90: {  	v5 =	vadd.s32 $0x30E, v0;
	v4 =	vld [tilespmem:$0x720];
	_ =	sdelay $0x4  }
0x91: {  	[tilespmem:v5+s12+$0x0] =	vst.idx.msk $0xffff, v4  }
0x92: {  	v5 =	vadd.s32 $0x48E, v0;
	v4 =	vld [tilespmem:$0x730];
	_ =	sdelay $0x4  }
0x93: {  	[tilespmem:v5+s12+$0x0] =	vst.idx.msk $0xffff, v4  }
0x94: {  	v5 =	vadd.s32 $0xF, v0;
	v4 =	vld [tilespmem:$0x780];
	_ =	sdelay $0x4  }
0x95: {  	[tilespmem:v5+s12+$0x0] =	vst.idx.msk $0xffff, v4  }
0x96: {  	v5 =	vadd.s32 $0x18F, v0;
	v4 =	vld [tilespmem:$0x790];
	_ =	sdelay $0x4  }
0x97: {  	[tilespmem:v5+s12+$0x0] =	vst.idx.msk $0xffff, v4  }
0x98: {  	v5 =	vadd.s32 $0x30F, v0;
	v4 =	vld [tilespmem:$0x7A0];
	_ =	sdelay $0x4  }
0x99: {  	[tilespmem:v5+s12+$0x0] =	vst.idx.msk $0xffff, v4  }
0x9a: {  	v5 =	vadd.s32 $0x48F, v0;
	v4 =	vld [tilespmem:$0x7B0];
	_ =	sdelay $0x4  }
0x9b: {  	[tilespmem:v5+s12+$0x0] =	vst.idx.msk $0xffff, v4  }
0x9c: {  	v5 =	vadd.s32 $0x10, v0;
	v4 =	vld [tilespmem:$0x800];
	_ =	sdelay $0x4  }
0x9d: {  	[tilespmem:v5+s12+$0x0] =	vst.idx.msk $0xffff, v4  }
0x9e: {  	v5 =	vadd.s32 $0x190, v0;
	v4 =	vld [tilespmem:$0x810];
	_ =	sdelay $0x4  }
0x9f: {  	[tilespmem:v5+s12+$0x0] =	vst.idx.msk $0xffff, v4  }
0xa0: {  	v5 =	vadd.s32 $0x310, v0;
	v4 =	vld [tilespmem:$0x820];
	_ =	sdelay $0x4  }
0xa1: {  	[tilespmem:v5+s12+$0x0] =	vst.idx.msk $0xffff, v4  }
0xa2: {  	v5 =	vadd.s32 $0x490, v0;
	v4 =	vld [tilespmem:$0x830];
	_ =	sdelay $0x4  }
0xa3: {  	[tilespmem:v5+s12+$0x0] =	vst.idx.msk $0xffff, v4  }
0xa4: {  	v5 =	vadd.s32 $0x11, v0;
	v4 =	vld [tilespmem:$0x880];
	_ =	sdelay $0x4  }
0xa5: {  	[tilespmem:v5+s12+$0x0] =	vst.idx.msk $0xffff, v4  }
0xa6: {  	v5 =	vadd.s32 $0x191, v0;
	v4 =	vld [tilespmem:$0x890];
	_ =	sdelay $0x4  }
0xa7: {  	[tilespmem:v5+s12+$0x0] =	vst.idx.msk $0xffff, v4  }
0xa8: {  	v5 =	vadd.s32 $0x311, v0;
	v4 =	vld [tilespmem:$0x8A0];
	_ =	sdelay $0x4  }
0xa9: {  	[tilespmem:v5+s12+$0x0] =	vst.idx.msk $0xffff, v4  }
0xaa: {  	v5 =	vadd.s32 $0x491, v0;
	v4 =	vld [tilespmem:$0x8B0];
	_ =	sdelay $0x4  }
0xab: {  	[tilespmem:v5+s12+$0x0] =	vst.idx.msk $0xffff, v4  }
0xac: {  	v5 =	vadd.s32 $0x12, v0;
	v4 =	vld [tilespmem:$0x900];
	_ =	sdelay $0x4  }
0xad: {  	[tilespmem:v5+s12+$0x0] =	vst.idx.msk $0xffff, v4  }
0xae: {  	v5 =	vadd.s32 $0x192, v0;
	v4 =	vld [tilespmem:$0x910];
	_ =	sdelay $0x4  }
0xaf: {  	[tilespmem:v5+s12+$0x0] =	vst.idx.msk $0xffff, v4  }
0xb0: {  	v5 =	vadd.s32 $0x312, v0;
	v4 =	vld [tilespmem:$0x920];
	_ =	sdelay $0x4  }
0xb1: {  	[tilespmem:v5+s12+$0x0] =	vst.idx.msk $0xffff, v4  }
0xb2: {  	v5 =	vadd.s32 $0x492, v0;
	v4 =	vld [tilespmem:$0x930];
	_ =	sdelay $0x4  }
0xb3: {  	[tilespmem:v5+s12+$0x0] =	vst.idx.msk $0xffff, v4  }
0xb4: {  	v5 =	vadd.s32 $0x13, v0;
	v4 =	vld [tilespmem:$0x980];
	_ =	sdelay $0x4  }
0xb5: {  	[tilespmem:v5+s12+$0x0] =	vst.idx.msk $0xffff, v4  }
0xb6: {  	v5 =	vadd.s32 $0x193, v0;
	v4 =	vld [tilespmem:$0x990];
	_ =	sdelay $0x4  }
0xb7: {  	[tilespmem:v5+s12+$0x0] =	vst.idx.msk $0xffff, v4  }
0xb8: {  	v5 =	vadd.s32 $0x313, v0;
	v4 =	vld [tilespmem:$0x9A0];
	_ =	sdelay $0x4  }
0xb9: {  	[tilespmem:v5+s12+$0x0] =	vst.idx.msk $0xffff, v4  }
0xba: {  	v5 =	vadd.s32 $0x493, v0;
	v4 =	vld [tilespmem:$0x9B0];
	_ =	sdelay $0x4  }
0xbb: {  	[tilespmem:v5+s12+$0x0] =	vst.idx.msk $0xffff, v4  }
0xbc: {  	v5 =	vadd.s32 $0x14, v0;
	v4 =	vld [tilespmem:$0xA00];
	_ =	sdelay $0x4  }
0xbd: {  	[tilespmem:v5+s12+$0x0] =	vst.idx.msk $0xffff, v4  }
0xbe: {  	v5 =	vadd.s32 $0x194, v0;
	v4 =	vld [tilespmem:$0xA10];
	_ =	sdelay $0x4  }
0xbf: {  	[tilespmem:v5+s12+$0x0] =	vst.idx.msk $0xffff, v4  }
0xc0: {  	v5 =	vadd.s32 $0x314, v0;
	v4 =	vld [tilespmem:$0xA20];
	_ =	sdelay $0x4  }
0xc1: {  	[tilespmem:v5+s12+$0x0] =	vst.idx.msk $0xffff, v4  }
0xc2: {  	v5 =	vadd.s32 $0x494, v0;
	v4 =	vld [tilespmem:$0xA30];
	_ =	sdelay $0x4  }
0xc3: {  	[tilespmem:v5+s12+$0x0] =	vst.idx.msk $0xffff, v4  }
0xc4: {  	v5 =	vadd.s32 $0x15, v0;
	v4 =	vld [tilespmem:$0xA80];
	_ =	sdelay $0x4  }
0xc5: {  	[tilespmem:v5+s12+$0x0] =	vst.idx.msk $0xffff, v4  }
0xc6: {  	v5 =	vadd.s32 $0x195, v0;
	v4 =	vld [tilespmem:$0xA90];
	_ =	sdelay $0x4  }
0xc7: {  	[tilespmem:v5+s12+$0x0] =	vst.idx.msk $0xffff, v4  }
0xc8: {  	v5 =	vadd.s32 $0x315, v0;
	v4 =	vld [tilespmem:$0xAA0];
	_ =	sdelay $0x4  }
0xc9: {  	[tilespmem:v5+s12+$0x0] =	vst.idx.msk $0xffff, v4  }
0xca: {  	v5 =	vadd.s32 $0x495, v0;
	v4 =	vld [tilespmem:$0xAB0];
	_ =	sdelay $0x4  }
0xcb: {  	[tilespmem:v5+s12+$0x0] =	vst.idx.msk $0xffff, v4  }
0xcc: {  	v5 =	vadd.s32 $0x16, v0;
	v4 =	vld [tilespmem:$0xB00];
	_ =	sdelay $0x4  }
0xcd: {  	[tilespmem:v5+s12+$0x0] =	vst.idx.msk $0xffff, v4  }
0xce: {  	v5 =	vadd.s32 $0x196, v0;
	v4 =	vld [tilespmem:$0xB10];
	_ =	sdelay $0x4  }
0xcf: {  	[tilespmem:v5+s12+$0x0] =	vst.idx.msk $0xffff, v4  }
0xd0: {  	v5 =	vadd.s32 $0x316, v0;
	v4 =	vld [tilespmem:$0xB20];
	_ =	sdelay $0x4  }
0xd1: {  	[tilespmem:v5+s12+$0x0] =	vst.idx.msk $0xffff, v4  }
0xd2: {  	v5 =	vadd.s32 $0x496, v0;
	v4 =	vld [tilespmem:$0xB30];
	_ =	sdelay $0x4  }
0xd3: {  	[tilespmem:v5+s12+$0x0] =	vst.idx.msk $0xffff, v4  }
0xd4: {  	v5 =	vadd.s32 $0x17, v0;
	v4 =	vld [tilespmem:$0xB80];
	_ =	sdelay $0x4  }
0xd5: {  	[tilespmem:v5+s12+$0x0] =	vst.idx.msk $0xffff, v4  }
0xd6: {  	v5 =	vadd.s32 $0x197, v0;
	v4 =	vld [tilespmem:$0xB90];
	_ =	sdelay $0x4  }
0xd7: {  	[tilespmem:v5+s12+$0x0] =	vst.idx.msk $0xffff, v4  }
0xd8: {  	v5 =	vadd.s32 $0x317, v0;
	v4 =	vld [tilespmem:$0xBA0];
	_ =	sdelay $0x4  }
0xd9: {  	[tilespmem:v5+s12+$0x0] =	vst.idx.msk $0xffff, v4  }
0xda: {  	v5 =	vadd.s32 $0x497, v0;
	v4 =	vld [tilespmem:$0xBB0];
	_ =	sdelay $0x4  }
0xdb: {  	[tilespmem:v5+s12+$0x0] =	vst.idx.msk $0xffff, v4  }
0xdc: {  	[hbm4b:s5+s1] =	stream.linear.scatter [tilespmem:s12], [sflag:$0x1], $0x600, $0x38;
	[tilespmem:$0x1800] =	vst v63  }
0xdd: {  	_ =	swait.ge [sflag:s13], $0x600  }
0xde: {  	[sflag:s13] =	ssyncset.done $0x0  }
0xdf: {  	[sflag:s13] =	ssyncadd.s32 $0xFFFFFA00  }
.LBB2_9:
0xe0: {  	s14 =	sadd.s32 $0x1, s14  }
0xe1: {  	p1 =	sne.s32 s14, s6  }
.Ltmp1:
0xe2: {  	_ = 	snop;
	(pc) =	sbr.rel @!p1 .LBB2_10-.Ltmp1, $1  }
0xe3: {  	_ =	sdelay $0x3  }
.LBB2_1:
.Ltmp2:
0xe4: {  	(pc) =	sbr.rel .LBB2_2-.Ltmp2, $2  }
0xe5: {  	_ =	sdelay $0x2  }
0xe6: {  	s15 =	smov.u32 s8;
	s16 =	smov.u32 s7;
	s17 =	simm.s32 $0x0  }
.LBB2_4:
0xe7: {  	s17 =	sadd.s32 $0x20, s17  }
0xe8: {  	p1 =	sne.s32 s17, $0x620  }
.Ltmp3:
0xe9: {  	_ = 	snop;
	(pc) =	sbr.rel @!p1 .LBB2_5-.Ltmp3, $2  }
0xea: {  	_ =	sdelay $0x2  }
0xeb: {  	s16 =	sadd.s32 $0x200, s16;
	s15 =	sadd.s32 $0x3000, s15  }
.LBB2_2:
0xec: {  	s18 =	sadd.s32 s17, s3  }
0xed: {  	p1 =	sgt.u32 s18, $0x619  }
.Ltmp4:
0xee: {  	_ = 	snop;
	(pc) =	sbr.rel @p1 .LBB2_4-.Ltmp4, $1  }
0xef: {  	_ =	sdelay $0x3  }
0xf0: {  	[tilespmem:s1], [sflag:$0x2] =	stream.strided.gather [hbm4b:s16+s9], $0xC00, s10, s9, $0x38;
	[tilespmem:$0x1800] =	vst v63  }
0xf1: {  	_ =	swait.ge [sflag:s11], $0xC00  }
0xf2: {  	[sflag:s11] =	ssyncset.done $0x0  }
0xf3: {  	[sflag:s11] =	ssyncadd.s32 $0xFFFFF400  }
0xf4: {  	v4 =	vld [tilespmem:$0x0];
	_ =	sdelay $0x4  }
0xf5: {  	[tilespmem:v0+s12+$0x0] =	vst.idx.msk $0xffff, v4  }
0xf6: {  	v4 =	vld [tilespmem:$0x10];
	_ =	sdelay $0x4  }
0xf7: {  	[tilespmem:v1+s12+$0x0] =	vst.idx.msk $0xffff, v4  }
0xf8: {  	v4 =	vld [tilespmem:$0x20];
	_ =	sdelay $0x4  }
0xf9: {  	[tilespmem:v2+s12+$0x0] =	vst.idx.msk $0xffff, v4  }
0xfa: {  	v4 =	vld [tilespmem:$0x30];
	_ =	sdelay $0x2  }
0xfb: {  	v5 =	vld [tilespmem:$0x1FFE0];
	_ =	sdelay $0x1  }
0xfc: {  	[tilespmem:v3+s12+$0x0] =	vst.idx.msk $0xffff, v4  }
0xfd: {  	v4 =	vld [tilespmem:$0x40];
	_ =	sdelay $0x4  }
0xfe: {  	[tilespmem:v5+s12+$0x0] =	vst.idx.msk $0xffff, v4;
	v5 =	vld [tilespmem:$0x1FFF0];
	_ =	sdelay $0x2  }
0xff: {  	v4 =	vld [tilespmem:$0x50];
	_ =	sdelay $0x4  }
0x100: {  	[tilespmem:v5+s12+$0x0] =	vst.idx.msk $0xffff, v4  }
0x101: {  	v4 =	vld [tilespmem:$0x60];
	_ =	sdelay $0x4  }
0x102: {  	[tilespmem:v6+s12+$0x0] =	vst.idx.msk $0xffff, v4  }
0x103: {  	v4 =	vld [tilespmem:$0x70];
	_ =	sdelay $0x4  }
0x104: {  	[tilespmem:v7+s12+$0x0] =	vst.idx.msk $0xffff, v4  }
0x105: {  	v4 =	vld [tilespmem:$0x80];
	_ =	sdelay $0x4  }
0x106: {  	[tilespmem:v8+s12+$0x0] =	vst.idx.msk $0xffff, v4  }
0x107: {  	v4 =	vld [tilespmem:$0x90];
	_ =	sdelay $0x4  }
0x108: {  	[tilespmem:v9+s12+$0x0] =	vst.idx.msk $0xffff, v4  }
0x109: {  	v4 =	vld [tilespmem:$0xA0];
	_ =	sdelay $0x4  }
0x10a: {  	[tilespmem:v10+s12+$0x0] =	vst.idx.msk $0xffff, v4  }
0x10b: {  	v4 =	vld [tilespmem:$0xB0];
	_ =	sdelay $0x4  }
0x10c: {  	[tilespmem:v11+s12+$0x0] =	vst.idx.msk $0xffff, v4  }
0x10d: {  	v4 =	vld [tilespmem:$0xC0];
	_ =	sdelay $0x4  }
0x10e: {  	[tilespmem:v12+s12+$0x0] =	vst.idx.msk $0xffff, v4  }
0x10f: {  	v4 =	vld [tilespmem:$0xD0];
	_ =	sdelay $0x4  }
0x110: {  	[tilespmem:v13+s12+$0x0] =	vst.idx.msk $0xffff, v4  }
0x111: {  	v4 =	vld [tilespmem:$0xE0];
	_ =	sdelay $0x4  }
0x112: {  	[tilespmem:v14+s12+$0x0] =	vst.idx.msk $0xffff, v4  }
0x113: {  	v4 =	vld [tilespmem:$0xF0];
	_ =	sdelay $0x4  }
0x114: {  	[tilespmem:v15+s12+$0x0] =	vst.idx.msk $0xffff, v4  }
0x115: {  	v4 =	vld [tilespmem:$0x100];
	_ =	sdelay $0x4  }
0x116: {  	[tilespmem:v16+s12+$0x0] =	vst.idx.msk $0xffff, v4  }
0x117: {  	v4 =	vld [tilespmem:$0x110];
	_ =	sdelay $0x4  }
0x118: {  	[tilespmem:v17+s12+$0x0] =	vst.idx.msk $0xffff, v4  }
0x119: {  	v4 =	vld [tilespmem:$0x120];
	_ =	sdelay $0x4  }
0x11a: {  	[tilespmem:v18+s12+$0x0] =	vst.idx.msk $0xffff, v4  }
0x11b: {  	v4 =	vld [tilespmem:$0x130];
	_ =	sdelay $0x4  }
0x11c: {  	[tilespmem:v19+s12+$0x0] =	vst.idx.msk $0xffff, v4  }
0x11d: {  	v4 =	vld [tilespmem:$0x140];
	_ =	sdelay $0x4  }
0x11e: {  	[tilespmem:v20+s12+$0x0] =	vst.idx.msk $0xffff, v4  }
0x11f: {  	v4 =	vld [tilespmem:$0x150];
	_ =	sdelay $0x4  }
0x120: {  	[tilespmem:v21+s12+$0x0] =	vst.idx.msk $0xffff, v4  }
0x121: {  	v4 =	vld [tilespmem:$0x160];
	_ =	sdelay $0x4  }
0x122: {  	[tilespmem:v22+s12+$0x0] =	vst.idx.msk $0xffff, v4  }
0x123: {  	v4 =	vld [tilespmem:$0x170];
	_ =	sdelay $0x4  }
0x124: {  	[tilespmem:v23+s12+$0x0] =	vst.idx.msk $0xffff, v4  }
0x125: {  	v4 =	vld [tilespmem:$0x180];
	_ =	sdelay $0x4  }
0x126: {  	[tilespmem:v24+s12+$0x0] =	vst.idx.msk $0xffff, v4  }
0x127: {  	v4 =	vld [tilespmem:$0x190];
	_ =	sdelay $0x4  }
0x128: {  	[tilespmem:v25+s12+$0x0] =	vst.idx.msk $0xffff, v4  }
0x129: {  	v4 =	vld [tilespmem:$0x1A0];
	_ =	sdelay $0x4  }
0x12a: {  	[tilespmem:v26+s12+$0x0] =	vst.idx.msk $0xffff, v4  }
0x12b: {  	v4 =	vld [tilespmem:$0x1B0];
	_ =	sdelay $0x4  }
0x12c: {  	[tilespmem:v27+s12+$0x0] =	vst.idx.msk $0xffff, v4  }
0x12d: {  	v4 =	vld [tilespmem:$0x1C0];
	_ =	sdelay $0x4  }
0x12e: {  	[tilespmem:v28+s12+$0x0] =	vst.idx.msk $0xffff, v4  }
0x12f: {  	v4 =	vld [tilespmem:$0x1D0];
	_ =	sdelay $0x4  }
0x130: {  	[tilespmem:v29+s12+$0x0] =	vst.idx.msk $0xffff, v4  }
0x131: {  	v4 =	vld [tilespmem:$0x1E0];
	_ =	sdelay $0x4  }
0x132: {  	[tilespmem:v30+s12+$0x0] =	vst.idx.msk $0xffff, v4  }
0x133: {  	v4 =	vld [tilespmem:$0x1F0];
	_ =	sdelay $0x4  }
0x134: {  	[tilespmem:v31+s12+$0x0] =	vst.idx.msk $0xffff, v4  }
0x135: {  	v4 =	vld [tilespmem:$0x200];
	_ =	sdelay $0x4  }
0x136: {  	[tilespmem:v32+s12+$0x0] =	vst.idx.msk $0xffff, v4  }
0x137: {  	v4 =	vld [tilespmem:$0x210];
	_ =	sdelay $0x4  }
0x138: {  	[tilespmem:v33+s12+$0x0] =	vst.idx.msk $0xffff, v4  }
0x139: {  	v4 =	vld [tilespmem:$0x220];
	_ =	sdelay $0x4  }
0x13a: {  	[tilespmem:v34+s12+$0x0] =	vst.idx.msk $0xffff, v4  }
0x13b: {  	v4 =	vld [tilespmem:$0x230];
	_ =	sdelay $0x4  }
0x13c: {  	[tilespmem:v35+s12+$0x0] =	vst.idx.msk $0xffff, v4  }
0x13d: {  	v4 =	vld [tilespmem:$0x240];
	_ =	sdelay $0x4  }
0x13e: {  	[tilespmem:v36+s12+$0x0] =	vst.idx.msk $0xffff, v4  }
0x13f: {  	v4 =	vld [tilespmem:$0x250];
	_ =	sdelay $0x4  }
0x140: {  	[tilespmem:v37+s12+$0x0] =	vst.idx.msk $0xffff, v4  }
0x141: {  	v4 =	vld [tilespmem:$0x260];
	_ =	sdelay $0x4  }
0x142: {  	[tilespmem:v38+s12+$0x0] =	vst.idx.msk $0xffff, v4  }
0x143: {  	v4 =	vld [tilespmem:$0x270];
	_ =	sdelay $0x4  }
0x144: {  	[tilespmem:v39+s12+$0x0] =	vst.idx.msk $0xffff, v4  }
0x145: {  	v4 =	vld [tilespmem:$0x280];
	_ =	sdelay $0x4  }
0x146: {  	[tilespmem:v40+s12+$0x0] =	vst.idx.msk $0xffff, v4  }
0x147: {  	v4 =	vld [tilespmem:$0x290];
	_ =	sdelay $0x4  }
0x148: {  	[tilespmem:v41+s12+$0x0] =	vst.idx.msk $0xffff, v4  }
0x149: {  	v4 =	vld [tilespmem:$0x2A0];
	_ =	sdelay $0x4  }
0x14a: {  	[tilespmem:v42+s12+$0x0] =	vst.idx.msk $0xffff, v4  }
0x14b: {  	v4 =	vld [tilespmem:$0x2B0];
	_ =	sdelay $0x4  }
0x14c: {  	[tilespmem:v43+s12+$0x0] =	vst.idx.msk $0xffff, v4  }
0x14d: {  	v4 =	vld [tilespmem:$0x2C0];
	_ =	sdelay $0x4  }
0x14e: {  	[tilespmem:v44+s12+$0x0] =	vst.idx.msk $0xffff, v4  }
0x14f: {  	v4 =	vld [tilespmem:$0x2D0];
	_ =	sdelay $0x4  }
0x150: {  	[tilespmem:v45+s12+$0x0] =	vst.idx.msk $0xffff, v4  }
0x151: {  	v4 =	vld [tilespmem:$0x2E0];
	_ =	sdelay $0x4  }
0x152: {  	[tilespmem:v46+s12+$0x0] =	vst.idx.msk $0xffff, v4  }
0x153: {  	v4 =	vld [tilespmem:$0x2F0];
	_ =	sdelay $0x4  }
0x154: {  	[tilespmem:v47+s12+$0x0] =	vst.idx.msk $0xffff, v4  }
0x155: {  	v4 =	vld [tilespmem:$0x300];
	_ =	sdelay $0x4  }
0x156: {  	[tilespmem:v48+s12+$0x0] =	vst.idx.msk $0xffff, v4  }
0x157: {  	v4 =	vld [tilespmem:$0x310];
	_ =	sdelay $0x4  }
0x158: {  	[tilespmem:v49+s12+$0x0] =	vst.idx.msk $0xffff, v4  }
0x159: {  	v4 =	vld [tilespmem:$0x320];
	_ =	sdelay $0x4  }
0x15a: {  	[tilespmem:v50+s12+$0x0] =	vst.idx.msk $0xffff, v4  }
0x15b: {  	v4 =	vld [tilespmem:$0x330];
	_ =	sdelay $0x4  }
0x15c: {  	[tilespmem:v51+s12+$0x0] =	vst.idx.msk $0xffff, v4  }
0x15d: {  	v4 =	vld [tilespmem:$0x340];
	_ =	sdelay $0x4  }
0x15e: {  	[tilespmem:v52+s12+$0x0] =	vst.idx.msk $0xffff, v4  }
0x15f: {  	v4 =	vld [tilespmem:$0x350];
	_ =	sdelay $0x4  }
0x160: {  	[tilespmem:v53+s12+$0x0] =	vst.idx.msk $0xffff, v4  }
0x161: {  	v4 =	vld [tilespmem:$0x360];
	_ =	sdelay $0x4  }
0x162: {  	[tilespmem:v54+s12+$0x0] =	vst.idx.msk $0xffff, v4  }
0x163: {  	v4 =	vld [tilespmem:$0x370];
	_ =	sdelay $0x4  }
0x164: {  	[tilespmem:v55+s12+$0x0] =	vst.idx.msk $0xffff, v4  }
0x165: {  	v4 =	vld [tilespmem:$0x380];
	_ =	sdelay $0x4  }
0x166: {  	[tilespmem:v56+s12+$0x0] =	vst.idx.msk $0xffff, v4  }
0x167: {  	v4 =	vld [tilespmem:$0x390];
	_ =	sdelay $0x4  }
0x168: {  	[tilespmem:v57+s12+$0x0] =	vst.idx.msk $0xffff, v4  }
0x169: {  	v4 =	vld [tilespmem:$0x3A0];
	_ =	sdelay $0x4  }
0x16a: {  	[tilespmem:v58+s12+$0x0] =	vst.idx.msk $0xffff, v4  }
0x16b: {  	v4 =	vld [tilespmem:$0x3B0];
	_ =	sdelay $0x4  }
0x16c: {  	[tilespmem:v59+s12+$0x0] =	vst.idx.msk $0xffff, v4  }
0x16d: {  	v4 =	vld [tilespmem:$0x3C0];
	_ =	sdelay $0x4  }
0x16e: {  	[tilespmem:v60+s12+$0x0] =	vst.idx.msk $0xffff, v4  }
0x16f: {  	v4 =	vld [tilespmem:$0x3D0];
	_ =	sdelay $0x4  }
0x170: {  	[tilespmem:v61+s12+$0x0] =	vst.idx.msk $0xffff, v4  }
0x171: {  	v4 =	vld [tilespmem:$0x3E0];
	_ =	sdelay $0x4  }
0x172: {  	[tilespmem:v62+s12+$0x0] =	vst.idx.msk $0xffff, v4  }
0x173: {  	v4 =	vld [tilespmem:$0x3F0];
	_ =	sdelay $0x4  }
0x174: {  	[tilespmem:v63+s12+$0x0] =	vst.idx.msk $0xffff, v4  }
0x175: {  	v5 =	vadd.s32 $0x8, v0;
	v4 =	vld [tilespmem:$0x400];
	_ =	sdelay $0x4  }
0x176: {  	[tilespmem:v5+s12+$0x0] =	vst.idx.msk $0xffff, v4  }
0x177: {  	v5 =	vadd.s32 $0x188, v0;
	v4 =	vld [tilespmem:$0x410];
	_ =	sdelay $0x4  }
0x178: {  	[tilespmem:v5+s12+$0x0] =	vst.idx.msk $0xffff, v4  }
0x179: {  	v5 =	vadd.s32 $0x308, v0;
	v4 =	vld [tilespmem:$0x420];
	_ =	sdelay $0x4  }
0x17a: {  	[tilespmem:v5+s12+$0x0] =	vst.idx.msk $0xffff, v4  }
0x17b: {  	v5 =	vadd.s32 $0x488, v0;
	v4 =	vld [tilespmem:$0x430];
	_ =	sdelay $0x4  }
0x17c: {  	[tilespmem:v5+s12+$0x0] =	vst.idx.msk $0xffff, v4  }
0x17d: {  	v5 =	vadd.s32 $0x608, v0;
	v4 =	vld [tilespmem:$0x440];
	_ =	sdelay $0x4  }
0x17e: {  	[tilespmem:v5+s12+$0x0] =	vst.idx.msk $0xffff, v4  }
0x17f: {  	v5 =	vadd.s32 $0x788, v0;
	v4 =	vld [tilespmem:$0x450];
	_ =	sdelay $0x4  }
0x180: {  	[tilespmem:v5+s12+$0x0] =	vst.idx.msk $0xffff, v4  }
0x181: {  	v5 =	vadd.s32 $0x908, v0;
	v4 =	vld [tilespmem:$0x460];
	_ =	sdelay $0x4  }
0x182: {  	[tilespmem:v5+s12+$0x0] =	vst.idx.msk $0xffff, v4  }
0x183: {  	v5 =	vadd.s32 $0xA88, v0;
	v4 =	vld [tilespmem:$0x470];
	_ =	sdelay $0x4  }
0x184: {  	[tilespmem:v5+s12+$0x0] =	vst.idx.msk $0xffff, v4  }
0x185: {  	v5 =	vadd.s32 $0x9, v0;
	v4 =	vld [tilespmem:$0x480];
	_ =	sdelay $0x4  }
0x186: {  	[tilespmem:v5+s12+$0x0] =	vst.idx.msk $0xffff, v4  }
0x187: {  	v5 =	vadd.s32 $0x189, v0;
	v4 =	vld [tilespmem:$0x490];
	_ =	sdelay $0x4  }
0x188: {  	[tilespmem:v5+s12+$0x0] =	vst.idx.msk $0xffff, v4  }
0x189: {  	v5 =	vadd.s32 $0x309, v0;
	v4 =	vld [tilespmem:$0x4A0];
	_ =	sdelay $0x4  }
0x18a: {  	[tilespmem:v5+s12+$0x0] =	vst.idx.msk $0xffff, v4  }
0x18b: {  	v5 =	vadd.s32 $0x489, v0;
	v4 =	vld [tilespmem:$0x4B0];
	_ =	sdelay $0x4  }
0x18c: {  	[tilespmem:v5+s12+$0x0] =	vst.idx.msk $0xffff, v4  }
0x18d: {  	v5 =	vadd.s32 $0x609, v0;
	v4 =	vld [tilespmem:$0x4C0];
	_ =	sdelay $0x4  }
0x18e: {  	[tilespmem:v5+s12+$0x0] =	vst.idx.msk $0xffff, v4  }
0x18f: {  	v5 =	vadd.s32 $0x789, v0;
	v4 =	vld [tilespmem:$0x4D0];
	_ =	sdelay $0x4  }
0x190: {  	[tilespmem:v5+s12+$0x0] =	vst.idx.msk $0xffff, v4  }
0x191: {  	v5 =	vadd.s32 $0x909, v0;
	v4 =	vld [tilespmem:$0x4E0];
	_ =	sdelay $0x4  }
0x192: {  	[tilespmem:v5+s12+$0x0] =	vst.idx.msk $0xffff, v4  }
0x193: {  	v5 =	vadd.s32 $0xA89, v0;
	v4 =	vld [tilespmem:$0x4F0];
	_ =	sdelay $0x4  }
0x194: {  	[tilespmem:v5+s12+$0x0] =	vst.idx.msk $0xffff, v4  }
0x195: {  	v5 =	vadd.s32 $0xA, v0;
	v4 =	vld [tilespmem:$0x500];
	_ =	sdelay $0x4  }
0x196: {  	[tilespmem:v5+s12+$0x0] =	vst.idx.msk $0xffff, v4  }
0x197: {  	v5 =	vadd.s32 $0x18A, v0;
	v4 =	vld [tilespmem:$0x510];
	_ =	sdelay $0x4  }
0x198: {  	[tilespmem:v5+s12+$0x0] =	vst.idx.msk $0xffff, v4  }
0x199: {  	v5 =	vadd.s32 $0x30A, v0;
	v4 =	vld [tilespmem:$0x520];
	_ =	sdelay $0x4  }
0x19a: {  	[tilespmem:v5+s12+$0x0] =	vst.idx.msk $0xffff, v4  }
0x19b: {  	v5 =	vadd.s32 $0x48A, v0;
	v4 =	vld [tilespmem:$0x530];
	_ =	sdelay $0x4  }
0x19c: {  	[tilespmem:v5+s12+$0x0] =	vst.idx.msk $0xffff, v4  }
0x19d: {  	v5 =	vadd.s32 $0x60A, v0;
	v4 =	vld [tilespmem:$0x540];
	_ =	sdelay $0x4  }
0x19e: {  	[tilespmem:v5+s12+$0x0] =	vst.idx.msk $0xffff, v4  }
0x19f: {  	v5 =	vadd.s32 $0x78A, v0;
	v4 =	vld [tilespmem:$0x550];
	_ =	sdelay $0x4  }
0x1a0: {  	[tilespmem:v5+s12+$0x0] =	vst.idx.msk $0xffff, v4  }
0x1a1: {  	v5 =	vadd.s32 $0x90A, v0;
	v4 =	vld [tilespmem:$0x560];
	_ =	sdelay $0x4  }
0x1a2: {  	[tilespmem:v5+s12+$0x0] =	vst.idx.msk $0xffff, v4  }
0x1a3: {  	v5 =	vadd.s32 $0xA8A, v0;
	v4 =	vld [tilespmem:$0x570];
	_ =	sdelay $0x4  }
0x1a4: {  	[tilespmem:v5+s12+$0x0] =	vst.idx.msk $0xffff, v4  }
0x1a5: {  	v5 =	vadd.s32 $0xB, v0;
	v4 =	vld [tilespmem:$0x580];
	_ =	sdelay $0x4  }
0x1a6: {  	[tilespmem:v5+s12+$0x0] =	vst.idx.msk $0xffff, v4  }
0x1a7: {  	v5 =	vadd.s32 $0x18B, v0;
	v4 =	vld [tilespmem:$0x590];
	_ =	sdelay $0x4  }
0x1a8: {  	[tilespmem:v5+s12+$0x0] =	vst.idx.msk $0xffff, v4  }
0x1a9: {  	v5 =	vadd.s32 $0x30B, v0;
	v4 =	vld [tilespmem:$0x5A0];
	_ =	sdelay $0x4  }
0x1aa: {  	[tilespmem:v5+s12+$0x0] =	vst.idx.msk $0xffff, v4  }
0x1ab: {  	v5 =	vadd.s32 $0x48B, v0;
	v4 =	vld [tilespmem:$0x5B0];
	_ =	sdelay $0x4  }
0x1ac: {  	[tilespmem:v5+s12+$0x0] =	vst.idx.msk $0xffff, v4  }
0x1ad: {  	v5 =	vadd.s32 $0x60B, v0;
	v4 =	vld [tilespmem:$0x5C0];
	_ =	sdelay $0x4  }
0x1ae: {  	[tilespmem:v5+s12+$0x0] =	vst.idx.msk $0xffff, v4  }
0x1af: {  	v5 =	vadd.s32 $0x78B, v0;
	v4 =	vld [tilespmem:$0x5D0];
	_ =	sdelay $0x4  }
0x1b0: {  	[tilespmem:v5+s12+$0x0] =	vst.idx.msk $0xffff, v4  }
0x1b1: {  	v5 =	vadd.s32 $0x90B, v0;
	v4 =	vld [tilespmem:$0x5E0];
	_ =	sdelay $0x4  }
0x1b2: {  	[tilespmem:v5+s12+$0x0] =	vst.idx.msk $0xffff, v4  }
0x1b3: {  	v5 =	vadd.s32 $0xA8B, v0;
	v4 =	vld [tilespmem:$0x5F0];
	_ =	sdelay $0x4  }
0x1b4: {  	[tilespmem:v5+s12+$0x0] =	vst.idx.msk $0xffff, v4  }
0x1b5: {  	v5 =	vadd.s32 $0xC, v0;
	v4 =	vld [tilespmem:$0x600];
	_ =	sdelay $0x4  }
0x1b6: {  	[tilespmem:v5+s12+$0x0] =	vst.idx.msk $0xffff, v4  }
0x1b7: {  	v5 =	vadd.s32 $0x18C, v0;
	v4 =	vld [tilespmem:$0x610];
	_ =	sdelay $0x4  }
0x1b8: {  	[tilespmem:v5+s12+$0x0] =	vst.idx.msk $0xffff, v4  }
0x1b9: {  	v5 =	vadd.s32 $0x30C, v0;
	v4 =	vld [tilespmem:$0x620];
	_ =	sdelay $0x4  }
0x1ba: {  	[tilespmem:v5+s12+$0x0] =	vst.idx.msk $0xffff, v4  }
0x1bb: {  	v5 =	vadd.s32 $0x48C, v0;
	v4 =	vld [tilespmem:$0x630];
	_ =	sdelay $0x4  }
0x1bc: {  	[tilespmem:v5+s12+$0x0] =	vst.idx.msk $0xffff, v4  }
0x1bd: {  	v5 =	vadd.s32 $0x60C, v0;
	v4 =	vld [tilespmem:$0x640];
	_ =	sdelay $0x4  }
0x1be: {  	[tilespmem:v5+s12+$0x0] =	vst.idx.msk $0xffff, v4  }
0x1bf: {  	v5 =	vadd.s32 $0x78C, v0;
	v4 =	vld [tilespmem:$0x650];
	_ =	sdelay $0x4  }
0x1c0: {  	[tilespmem:v5+s12+$0x0] =	vst.idx.msk $0xffff, v4  }
0x1c1: {  	v5 =	vadd.s32 $0x90C, v0;
	v4 =	vld [tilespmem:$0x660];
	_ =	sdelay $0x4  }
0x1c2: {  	[tilespmem:v5+s12+$0x0] =	vst.idx.msk $0xffff, v4  }
0x1c3: {  	v5 =	vadd.s32 $0xA8C, v0;
	v4 =	vld [tilespmem:$0x670];
	_ =	sdelay $0x4  }
0x1c4: {  	[tilespmem:v5+s12+$0x0] =	vst.idx.msk $0xffff, v4  }
0x1c5: {  	v5 =	vadd.s32 $0xD, v0;
	v4 =	vld [tilespmem:$0x680];
	_ =	sdelay $0x4  }
0x1c6: {  	[tilespmem:v5+s12+$0x0] =	vst.idx.msk $0xffff, v4  }
0x1c7: {  	v5 =	vadd.s32 $0x18D, v0;
	v4 =	vld [tilespmem:$0x690];
	_ =	sdelay $0x4  }
0x1c8: {  	[tilespmem:v5+s12+$0x0] =	vst.idx.msk $0xffff, v4  }
0x1c9: {  	v5 =	vadd.s32 $0x30D, v0;
	v4 =	vld [tilespmem:$0x6A0];
	_ =	sdelay $0x4  }
0x1ca: {  	[tilespmem:v5+s12+$0x0] =	vst.idx.msk $0xffff, v4  }
0x1cb: {  	v5 =	vadd.s32 $0x48D, v0;
	v4 =	vld [tilespmem:$0x6B0];
	_ =	sdelay $0x4  }
0x1cc: {  	[tilespmem:v5+s12+$0x0] =	vst.idx.msk $0xffff, v4  }
0x1cd: {  	v5 =	vadd.s32 $0x60D, v0;
	v4 =	vld [tilespmem:$0x6C0];
	_ =	sdelay $0x4  }
0x1ce: {  	[tilespmem:v5+s12+$0x0] =	vst.idx.msk $0xffff, v4  }
0x1cf: {  	v5 =	vadd.s32 $0x78D, v0;
	v4 =	vld [tilespmem:$0x6D0];
	_ =	sdelay $0x4  }
0x1d0: {  	[tilespmem:v5+s12+$0x0] =	vst.idx.msk $0xffff, v4  }
0x1d1: {  	v5 =	vadd.s32 $0x90D, v0;
	v4 =	vld [tilespmem:$0x6E0];
	_ =	sdelay $0x4  }
0x1d2: {  	[tilespmem:v5+s12+$0x0] =	vst.idx.msk $0xffff, v4  }
0x1d3: {  	v5 =	vadd.s32 $0xA8D, v0;
	v4 =	vld [tilespmem:$0x6F0];
	_ =	sdelay $0x4  }
0x1d4: {  	[tilespmem:v5+s12+$0x0] =	vst.idx.msk $0xffff, v4  }
0x1d5: {  	v5 =	vadd.s32 $0xE, v0;
	v4 =	vld [tilespmem:$0x700];
	_ =	sdelay $0x4  }
0x1d6: {  	[tilespmem:v5+s12+$0x0] =	vst.idx.msk $0xffff, v4  }
0x1d7: {  	v5 =	vadd.s32 $0x18E, v0;
	v4 =	vld [tilespmem:$0x710];
	_ =	sdelay $0x4  }
0x1d8: {  	[tilespmem:v5+s12+$0x0] =	vst.idx.msk $0xffff, v4  }
0x1d9: {  	v5 =	vadd.s32 $0x30E, v0;
	v4 =	vld [tilespmem:$0x720];
	_ =	sdelay $0x4  }
0x1da: {  	[tilespmem:v5+s12+$0x0] =	vst.idx.msk $0xffff, v4  }
0x1db: {  	v5 =	vadd.s32 $0x48E, v0;
	v4 =	vld [tilespmem:$0x730];
	_ =	sdelay $0x4  }
0x1dc: {  	[tilespmem:v5+s12+$0x0] =	vst.idx.msk $0xffff, v4  }
0x1dd: {  	v5 =	vadd.s32 $0x60E, v0;
	v4 =	vld [tilespmem:$0x740];
	_ =	sdelay $0x4  }
0x1de: {  	[tilespmem:v5+s12+$0x0] =	vst.idx.msk $0xffff, v4  }
0x1df: {  	v5 =	vadd.s32 $0x78E, v0;
	v4 =	vld [tilespmem:$0x750];
	_ =	sdelay $0x4  }
0x1e0: {  	[tilespmem:v5+s12+$0x0] =	vst.idx.msk $0xffff, v4  }
0x1e1: {  	v5 =	vadd.s32 $0x90E, v0;
	v4 =	vld [tilespmem:$0x760];
	_ =	sdelay $0x4  }
0x1e2: {  	[tilespmem:v5+s12+$0x0] =	vst.idx.msk $0xffff, v4  }
0x1e3: {  	v5 =	vadd.s32 $0xA8E, v0;
	v4 =	vld [tilespmem:$0x770];
	_ =	sdelay $0x4  }
0x1e4: {  	[tilespmem:v5+s12+$0x0] =	vst.idx.msk $0xffff, v4  }
0x1e5: {  	v5 =	vadd.s32 $0xF, v0;
	v4 =	vld [tilespmem:$0x780];
	_ =	sdelay $0x4  }
0x1e6: {  	[tilespmem:v5+s12+$0x0] =	vst.idx.msk $0xffff, v4  }
0x1e7: {  	v5 =	vadd.s32 $0x18F, v0;
	v4 =	vld [tilespmem:$0x790];
	_ =	sdelay $0x4  }
0x1e8: {  	[tilespmem:v5+s12+$0x0] =	vst.idx.msk $0xffff, v4  }
0x1e9: {  	v5 =	vadd.s32 $0x30F, v0;
	v4 =	vld [tilespmem:$0x7A0];
	_ =	sdelay $0x4  }
0x1ea: {  	[tilespmem:v5+s12+$0x0] =	vst.idx.msk $0xffff, v4  }
0x1eb: {  	v5 =	vadd.s32 $0x48F, v0;
	v4 =	vld [tilespmem:$0x7B0];
	_ =	sdelay $0x4  }
0x1ec: {  	[tilespmem:v5+s12+$0x0] =	vst.idx.msk $0xffff, v4  }
0x1ed: {  	v5 =	vadd.s32 $0x60F, v0;
	v4 =	vld [tilespmem:$0x7C0];
	_ =	sdelay $0x4  }
0x1ee: {  	[tilespmem:v5+s12+$0x0] =	vst.idx.msk $0xffff, v4  }
0x1ef: {  	v5 =	vadd.s32 $0x78F, v0;
	v4 =	vld [tilespmem:$0x7D0];
	_ =	sdelay $0x4  }
0x1f0: {  	[tilespmem:v5+s12+$0x0] =	vst.idx.msk $0xffff, v4  }
0x1f1: {  	v5 =	vadd.s32 $0x90F, v0;
	v4 =	vld [tilespmem:$0x7E0];
	_ =	sdelay $0x4  }
0x1f2: {  	[tilespmem:v5+s12+$0x0] =	vst.idx.msk $0xffff, v4  }
0x1f3: {  	v5 =	vadd.s32 $0xA8F, v0;
	v4 =	vld [tilespmem:$0x7F0];
	_ =	sdelay $0x4  }
0x1f4: {  	[tilespmem:v5+s12+$0x0] =	vst.idx.msk $0xffff, v4  }
0x1f5: {  	v5 =	vadd.s32 $0x10, v0;
	v4 =	vld [tilespmem:$0x800];
	_ =	sdelay $0x4  }
0x1f6: {  	[tilespmem:v5+s12+$0x0] =	vst.idx.msk $0xffff, v4  }
0x1f7: {  	v5 =	vadd.s32 $0x190, v0;
	v4 =	vld [tilespmem:$0x810];
	_ =	sdelay $0x4  }
0x1f8: {  	[tilespmem:v5+s12+$0x0] =	vst.idx.msk $0xffff, v4  }
0x1f9: {  	v5 =	vadd.s32 $0x310, v0;
	v4 =	vld [tilespmem:$0x820];
	_ =	sdelay $0x4  }
0x1fa: {  	[tilespmem:v5+s12+$0x0] =	vst.idx.msk $0xffff, v4  }
0x1fb: {  	v5 =	vadd.s32 $0x490, v0;
	v4 =	vld [tilespmem:$0x830];
	_ =	sdelay $0x4  }
0x1fc: {  	[tilespmem:v5+s12+$0x0] =	vst.idx.msk $0xffff, v4  }
0x1fd: {  	v5 =	vadd.s32 $0x610, v0;
	v4 =	vld [tilespmem:$0x840];
	_ =	sdelay $0x4  }
0x1fe: {  	[tilespmem:v5+s12+$0x0] =	vst.idx.msk $0xffff, v4  }
0x1ff: {  	v5 =	vadd.s32 $0x790, v0;
	v4 =	vld [tilespmem:$0x850];
	_ =	sdelay $0x4  }
0x200: {  	[tilespmem:v5+s12+$0x0] =	vst.idx.msk $0xffff, v4  }
0x201: {  	v5 =	vadd.s32 $0x910, v0;
	v4 =	vld [tilespmem:$0x860];
	_ =	sdelay $0x4  }
0x202: {  	[tilespmem:v5+s12+$0x0] =	vst.idx.msk $0xffff, v4  }
0x203: {  	v5 =	vadd.s32 $0xA90, v0;
	v4 =	vld [tilespmem:$0x870];
	_ =	sdelay $0x4  }
0x204: {  	[tilespmem:v5+s12+$0x0] =	vst.idx.msk $0xffff, v4  }
0x205: {  	v5 =	vadd.s32 $0x11, v0;
	v4 =	vld [tilespmem:$0x880];
	_ =	sdelay $0x4  }
0x206: {  	[tilespmem:v5+s12+$0x0] =	vst.idx.msk $0xffff, v4  }
0x207: {  	v5 =	vadd.s32 $0x191, v0;
	v4 =	vld [tilespmem:$0x890];
	_ =	sdelay $0x4  }
0x208: {  	[tilespmem:v5+s12+$0x0] =	vst.idx.msk $0xffff, v4  }
0x209: {  	v5 =	vadd.s32 $0x311, v0;
	v4 =	vld [tilespmem:$0x8A0];
	_ =	sdelay $0x4  }
0x20a: {  	[tilespmem:v5+s12+$0x0] =	vst.idx.msk $0xffff, v4  }
0x20b: {  	v5 =	vadd.s32 $0x491, v0;
	v4 =	vld [tilespmem:$0x8B0];
	_ =	sdelay $0x4  }
0x20c: {  	[tilespmem:v5+s12+$0x0] =	vst.idx.msk $0xffff, v4  }
0x20d: {  	v5 =	vadd.s32 $0x611, v0;
	v4 =	vld [tilespmem:$0x8C0];
	_ =	sdelay $0x4  }
0x20e: {  	[tilespmem:v5+s12+$0x0] =	vst.idx.msk $0xffff, v4  }
0x20f: {  	v5 =	vadd.s32 $0x791, v0;
	v4 =	vld [tilespmem:$0x8D0];
	_ =	sdelay $0x4  }
0x210: {  	[tilespmem:v5+s12+$0x0] =	vst.idx.msk $0xffff, v4  }
0x211: {  	v5 =	vadd.s32 $0x911, v0;
	v4 =	vld [tilespmem:$0x8E0];
	_ =	sdelay $0x4  }
0x212: {  	[tilespmem:v5+s12+$0x0] =	vst.idx.msk $0xffff, v4  }
0x213: {  	v5 =	vadd.s32 $0xA91, v0;
	v4 =	vld [tilespmem:$0x8F0];
	_ =	sdelay $0x4  }
0x214: {  	[tilespmem:v5+s12+$0x0] =	vst.idx.msk $0xffff, v4  }
0x215: {  	v5 =	vadd.s32 $0x12, v0;
	v4 =	vld [tilespmem:$0x900];
	_ =	sdelay $0x4  }
0x216: {  	[tilespmem:v5+s12+$0x0] =	vst.idx.msk $0xffff, v4  }
0x217: {  	v5 =	vadd.s32 $0x192, v0;
	v4 =	vld [tilespmem:$0x910];
	_ =	sdelay $0x4  }
0x218: {  	[tilespmem:v5+s12+$0x0] =	vst.idx.msk $0xffff, v4  }
0x219: {  	v5 =	vadd.s32 $0x312, v0;
	v4 =	vld [tilespmem:$0x920];
	_ =	sdelay $0x4  }
0x21a: {  	[tilespmem:v5+s12+$0x0] =	vst.idx.msk $0xffff, v4  }
0x21b: {  	v5 =	vadd.s32 $0x492, v0;
	v4 =	vld [tilespmem:$0x930];
	_ =	sdelay $0x4  }
0x21c: {  	[tilespmem:v5+s12+$0x0] =	vst.idx.msk $0xffff, v4  }
0x21d: {  	v5 =	vadd.s32 $0x612, v0;
	v4 =	vld [tilespmem:$0x940];
	_ =	sdelay $0x4  }
0x21e: {  	[tilespmem:v5+s12+$0x0] =	vst.idx.msk $0xffff, v4  }
0x21f: {  	v5 =	vadd.s32 $0x792, v0;
	v4 =	vld [tilespmem:$0x950];
	_ =	sdelay $0x4  }
0x220: {  	[tilespmem:v5+s12+$0x0] =	vst.idx.msk $0xffff, v4  }
0x221: {  	v5 =	vadd.s32 $0x912, v0;
	v4 =	vld [tilespmem:$0x960];
	_ =	sdelay $0x4  }
0x222: {  	[tilespmem:v5+s12+$0x0] =	vst.idx.msk $0xffff, v4  }
0x223: {  	v5 =	vadd.s32 $0xA92, v0;
	v4 =	vld [tilespmem:$0x970];
	_ =	sdelay $0x4  }
0x224: {  	[tilespmem:v5+s12+$0x0] =	vst.idx.msk $0xffff, v4  }
0x225: {  	v5 =	vadd.s32 $0x13, v0;
	v4 =	vld [tilespmem:$0x980];
	_ =	sdelay $0x4  }
0x226: {  	[tilespmem:v5+s12+$0x0] =	vst.idx.msk $0xffff, v4  }
0x227: {  	v5 =	vadd.s32 $0x193, v0;
	v4 =	vld [tilespmem:$0x990];
	_ =	sdelay $0x4  }
0x228: {  	[tilespmem:v5+s12+$0x0] =	vst.idx.msk $0xffff, v4  }
0x229: {  	v5 =	vadd.s32 $0x313, v0;
	v4 =	vld [tilespmem:$0x9A0];
	_ =	sdelay $0x4  }
0x22a: {  	[tilespmem:v5+s12+$0x0] =	vst.idx.msk $0xffff, v4  }
0x22b: {  	v5 =	vadd.s32 $0x493, v0;
	v4 =	vld [tilespmem:$0x9B0];
	_ =	sdelay $0x4  }
0x22c: {  	[tilespmem:v5+s12+$0x0] =	vst.idx.msk $0xffff, v4  }
0x22d: {  	v5 =	vadd.s32 $0x613, v0;
	v4 =	vld [tilespmem:$0x9C0];
	_ =	sdelay $0x4  }
0x22e: {  	[tilespmem:v5+s12+$0x0] =	vst.idx.msk $0xffff, v4  }
0x22f: {  	v5 =	vadd.s32 $0x793, v0;
	v4 =	vld [tilespmem:$0x9D0];
	_ =	sdelay $0x4  }
0x230: {  	[tilespmem:v5+s12+$0x0] =	vst.idx.msk $0xffff, v4  }
0x231: {  	v5 =	vadd.s32 $0x913, v0;
	v4 =	vld [tilespmem:$0x9E0];
	_ =	sdelay $0x4  }
0x232: {  	[tilespmem:v5+s12+$0x0] =	vst.idx.msk $0xffff, v4  }
0x233: {  	v5 =	vadd.s32 $0xA93, v0;
	v4 =	vld [tilespmem:$0x9F0];
	_ =	sdelay $0x4  }
0x234: {  	[tilespmem:v5+s12+$0x0] =	vst.idx.msk $0xffff, v4  }
0x235: {  	v5 =	vadd.s32 $0x14, v0;
	v4 =	vld [tilespmem:$0xA00];
	_ =	sdelay $0x4  }
0x236: {  	[tilespmem:v5+s12+$0x0] =	vst.idx.msk $0xffff, v4  }
0x237: {  	v5 =	vadd.s32 $0x194, v0;
	v4 =	vld [tilespmem:$0xA10];
	_ =	sdelay $0x4  }
0x238: {  	[tilespmem:v5+s12+$0x0] =	vst.idx.msk $0xffff, v4  }
0x239: {  	v5 =	vadd.s32 $0x314, v0;
	v4 =	vld [tilespmem:$0xA20];
	_ =	sdelay $0x4  }
0x23a: {  	[tilespmem:v5+s12+$0x0] =	vst.idx.msk $0xffff, v4  }
0x23b: {  	v5 =	vadd.s32 $0x494, v0;
	v4 =	vld [tilespmem:$0xA30];
	_ =	sdelay $0x4  }
0x23c: {  	[tilespmem:v5+s12+$0x0] =	vst.idx.msk $0xffff, v4  }
0x23d: {  	v5 =	vadd.s32 $0x614, v0;
	v4 =	vld [tilespmem:$0xA40];
	_ =	sdelay $0x4  }
0x23e: {  	[tilespmem:v5+s12+$0x0] =	vst.idx.msk $0xffff, v4  }
0x23f: {  	v5 =	vadd.s32 $0x794, v0;
	v4 =	vld [tilespmem:$0xA50];
	_ =	sdelay $0x4  }
0x240: {  	[tilespmem:v5+s12+$0x0] =	vst.idx.msk $0xffff, v4  }
0x241: {  	v5 =	vadd.s32 $0x914, v0;
	v4 =	vld [tilespmem:$0xA60];
	_ =	sdelay $0x4  }
0x242: {  	[tilespmem:v5+s12+$0x0] =	vst.idx.msk $0xffff, v4  }
0x243: {  	v5 =	vadd.s32 $0xA94, v0;
	v4 =	vld [tilespmem:$0xA70];
	_ =	sdelay $0x4  }
0x244: {  	[tilespmem:v5+s12+$0x0] =	vst.idx.msk $0xffff, v4  }
0x245: {  	v5 =	vadd.s32 $0x15, v0;
	v4 =	vld [tilespmem:$0xA80];
	_ =	sdelay $0x4  }
0x246: {  	[tilespmem:v5+s12+$0x0] =	vst.idx.msk $0xffff, v4  }
0x247: {  	v5 =	vadd.s32 $0x195, v0;
	v4 =	vld [tilespmem:$0xA90];
	_ =	sdelay $0x4  }
0x248: {  	[tilespmem:v5+s12+$0x0] =	vst.idx.msk $0xffff, v4  }
0x249: {  	v5 =	vadd.s32 $0x315, v0;
	v4 =	vld [tilespmem:$0xAA0];
	_ =	sdelay $0x4  }
0x24a: {  	[tilespmem:v5+s12+$0x0] =	vst.idx.msk $0xffff, v4  }
0x24b: {  	v5 =	vadd.s32 $0x495, v0;
	v4 =	vld [tilespmem:$0xAB0];
	_ =	sdelay $0x4  }
0x24c: {  	[tilespmem:v5+s12+$0x0] =	vst.idx.msk $0xffff, v4  }
0x24d: {  	v5 =	vadd.s32 $0x615, v0;
	v4 =	vld [tilespmem:$0xAC0];
	_ =	sdelay $0x4  }
0x24e: {  	[tilespmem:v5+s12+$0x0] =	vst.idx.msk $0xffff, v4  }
0x24f: {  	v5 =	vadd.s32 $0x795, v0;
	v4 =	vld [tilespmem:$0xAD0];
	_ =	sdelay $0x4  }
0x250: {  	[tilespmem:v5+s12+$0x0] =	vst.idx.msk $0xffff, v4  }
0x251: {  	v5 =	vadd.s32 $0x915, v0;
	v4 =	vld [tilespmem:$0xAE0];
	_ =	sdelay $0x4  }
0x252: {  	[tilespmem:v5+s12+$0x0] =	vst.idx.msk $0xffff, v4  }
0x253: {  	v5 =	vadd.s32 $0xA95, v0;
	v4 =	vld [tilespmem:$0xAF0];
	_ =	sdelay $0x4  }
0x254: {  	[tilespmem:v5+s12+$0x0] =	vst.idx.msk $0xffff, v4  }
0x255: {  	v5 =	vadd.s32 $0x16, v0;
	v4 =	vld [tilespmem:$0xB00];
	_ =	sdelay $0x4  }
0x256: {  	[tilespmem:v5+s12+$0x0] =	vst.idx.msk $0xffff, v4  }
0x257: {  	v5 =	vadd.s32 $0x196, v0;
	v4 =	vld [tilespmem:$0xB10];
	_ =	sdelay $0x4  }
0x258: {  	[tilespmem:v5+s12+$0x0] =	vst.idx.msk $0xffff, v4  }
0x259: {  	v5 =	vadd.s32 $0x316, v0;
	v4 =	vld [tilespmem:$0xB20];
	_ =	sdelay $0x4  }
0x25a: {  	[tilespmem:v5+s12+$0x0] =	vst.idx.msk $0xffff, v4  }
0x25b: {  	v5 =	vadd.s32 $0x496, v0;
	v4 =	vld [tilespmem:$0xB30];
	_ =	sdelay $0x4  }
0x25c: {  	[tilespmem:v5+s12+$0x0] =	vst.idx.msk $0xffff, v4  }
0x25d: {  	v5 =	vadd.s32 $0x616, v0;
	v4 =	vld [tilespmem:$0xB40];
	_ =	sdelay $0x4  }
0x25e: {  	[tilespmem:v5+s12+$0x0] =	vst.idx.msk $0xffff, v4  }
0x25f: {  	v5 =	vadd.s32 $0x796, v0;
	v4 =	vld [tilespmem:$0xB50];
	_ =	sdelay $0x4  }
0x260: {  	[tilespmem:v5+s12+$0x0] =	vst.idx.msk $0xffff, v4  }
0x261: {  	v5 =	vadd.s32 $0x916, v0;
	v4 =	vld [tilespmem:$0xB60];
	_ =	sdelay $0x4  }
0x262: {  	[tilespmem:v5+s12+$0x0] =	vst.idx.msk $0xffff, v4  }
0x263: {  	v5 =	vadd.s32 $0xA96, v0;
	v4 =	vld [tilespmem:$0xB70];
	_ =	sdelay $0x4  }
0x264: {  	[tilespmem:v5+s12+$0x0] =	vst.idx.msk $0xffff, v4  }
0x265: {  	v5 =	vadd.s32 $0x17, v0;
	v4 =	vld [tilespmem:$0xB80];
	_ =	sdelay $0x4  }
0x266: {  	[tilespmem:v5+s12+$0x0] =	vst.idx.msk $0xffff, v4  }
0x267: {  	v5 =	vadd.s32 $0x197, v0;
	v4 =	vld [tilespmem:$0xB90];
	_ =	sdelay $0x4  }
0x268: {  	[tilespmem:v5+s12+$0x0] =	vst.idx.msk $0xffff, v4  }
0x269: {  	v5 =	vadd.s32 $0x317, v0;
	v4 =	vld [tilespmem:$0xBA0];
	_ =	sdelay $0x4  }
0x26a: {  	[tilespmem:v5+s12+$0x0] =	vst.idx.msk $0xffff, v4  }
0x26b: {  	v5 =	vadd.s32 $0x497, v0;
	v4 =	vld [tilespmem:$0xBB0];
	_ =	sdelay $0x4  }
0x26c: {  	[tilespmem:v5+s12+$0x0] =	vst.idx.msk $0xffff, v4  }
0x26d: {  	v5 =	vadd.s32 $0x617, v0;
	v4 =	vld [tilespmem:$0xBC0];
	_ =	sdelay $0x4  }
0x26e: {  	[tilespmem:v5+s12+$0x0] =	vst.idx.msk $0xffff, v4  }
0x26f: {  	v5 =	vadd.s32 $0x797, v0;
	v4 =	vld [tilespmem:$0xBD0];
	_ =	sdelay $0x4  }
0x270: {  	[tilespmem:v5+s12+$0x0] =	vst.idx.msk $0xffff, v4  }
0x271: {  	v5 =	vadd.s32 $0x917, v0;
	v4 =	vld [tilespmem:$0xBE0];
	_ =	sdelay $0x4  }
0x272: {  	[tilespmem:v5+s12+$0x0] =	vst.idx.msk $0xffff, v4  }
0x273: {  	v5 =	vadd.s32 $0xA97, v0;
	v4 =	vld [tilespmem:$0xBF0];
	_ =	sdelay $0x4  }
.Ltmp5:
0x274: {  	[tilespmem:v5+s12+$0x0] =	vst.idx.msk $0xffff, v4;
	(pc) =	sbr.rel .LBB2_4-.Ltmp5, $4  }
0x275: {  	[hbm4b:s15+s1] =	stream.linear.scatter [tilespmem:s12], [sflag:$0x1], $0xC00, $0x38;
	[tilespmem:$0x1800] =	vst v63  }
0x276: {  	_ =	swait.ge [sflag:s13], $0xC00  }
0x277: {  	[sflag:s13] =	ssyncset.done $0x0  }
0x278: {  	[sflag:s13] =	ssyncadd.s32 $0xFFFFF400  }
.LBB2_5:
.Ltmp6:
0x279: {  	(pc) =	sbr.rel @p0 .LBB2_9-.Ltmp6, $1  }
0x27a: {  	_ =	sdelay $0x3  }
0x27b: {  	s15 =	simm.s32 $0x200  }
0x27c: {  	s18 =	simm.s32 $0x0;
	s16 =	sadd.s32 $0x61A8, s4;
	s17 =	smov.u32 s4  }
.LBB2_7:
0x27d: {  	[tilespmem:s18], [sflag:$0x1] =	stream.linear.gather [hbm4b:s17+s1], $0x40, $0x38;
	[tilespmem:$0x1800] =	vst v63  }
0x27e: {  	s18 =	smov.u32 s15;
	s17 =	smov.u32 s16;
	p1 =	sne.s32 s15, $0x2E00  }
.Ltmp7:
0x27f: {  	s15 =	sadd.s32 $0x200, s15;
	(pc) =	sbr.rel @p1 .LBB2_7-.Ltmp7, $2  }
0x280: {  	_ =	sdelay $0x2  }
0x281: {  	s16 =	sadd.s32 $0x61A8, s16;
	s18 =	sshra.s32 s18, $0x2  }
.Ltmp8:
0x282: {  	_ = 	snop;
	(pc) =	sbr.rel .LBB2_8-.Ltmp8, $1  }
0x283: {  	_ =	sdelay $0x3  }
.LBB2_10:
0x284: {  	_ =	sfence.sel $0x180000  }
0x285: {  	[bflag:$0x0] =	sbarrier.arrive $0xFFFF  }
0x286: {  	p0 =	sne.s32 s2, $0x0;
	_ =	strace $0x90000047  }
0x287: {  	s0 =	sadd.s32 @!p0 $0x100000, s0;
	[bflag:$0x2] =	sbarrier.arrive $0xFFFF  }
0x288: {  	[sflag:s0] =	ssyncadd.tile.s32 @!p0 $0x1;
	_ =	shalt  }
.Lfunc_end2:
_tile_overlayer_lowered:
.L_overlay_start_2:
0x289: {  	(tag) =	ssettag $0x2  }
0x28a: {  	s0 =	rddreg [dreg:$0x0];
	s2 =	stileid.u32  }
0x28b: {  	s1 =	rddreg [dreg:$0x1];
	p0 =	sne.s32 s2, $0x0  }
0x28c: {  	s3 =	rddreg [dreg:$0x2];
	[bflag:$0x3] =	sbarrier.arrive $0xFFFF;
	s2 =	simm.s32 @!p0 $0x1C01  }
0x28d: {  	[timem:s3], [sflag:s2] =	dma.local @!p0 [hbm:s0], s1  }
0x28e: {  	s0 =	simm.s32 @!p0 $0x1  }
0x28f: {  	_ =	swait.ge @!p0 [sflag:s0], s1  }
0x290: {  	s1 =	ssub.s32 @!p0 $0x0, s1;
	[sflag:s0] =	ssyncset.done @!p0 $0x0  }
0x291: {  	[sflag:s0] =	ssyncadd.s32 @!p0 s1  }
0x292: {  	[bflag:$0x3] =	sbarrier.arrive $0xFFFF  }
0x293: {  	_ =	shalt  }

</sc_bundles>
